<compile_context>
chip_gen: v7x
topology: tpu7x:2x2x1
jax: 0.10.2.dev20260603
libtpu: 0.0.44.dev20260713+nightly
codegen_flags: <defaults>
</compile_context>

<pallas_src>
import functools

import jax
import jax.numpy as jnp
import numpy as np
from jax import lax
from jax.experimental import pallas as pl
from jax.experimental.pallas import tpu as pltpu
from jax.experimental.pallas import tpu_sc as plsc

D = 512
S = 256
B = 1024
NW = 32
PPW = S // NW
NB = 64
CPP = B // NB
NCH = PPW * CPP
NBUF = 3
L = 16


def _positional_encoding_np():
    positions = np.arange(S)[:, np.newaxis]
    rates = 1 / 10000 ** (np.arange(0, D, 2)[np.newaxis, :] / D)
    radians = positions * rates
    return np.concatenate([np.sin(radians), np.cos(radians)], axis=-1).astype(np.float32)


_PE = _positional_encoding_np()


def _make_sc_kernel():
    mesh = plsc.VectorSubcoreMesh(core_axis_name="c", subcore_axis_name="s")

    @functools.partial(
        pl.kernel,
        mesh=mesh,
        out_type=jax.ShapeDtypeStruct((B, S, D), jnp.float32),
        scratch_types=[
            pltpu.VMEM((PPW, B), jnp.int32),
            pltpu.VMEM((PPW, D), jnp.float32),
            pltpu.VMEM((NB, D), jnp.float32),
            pltpu.VMEM((NB, D), jnp.float32),
            pltpu.VMEM((NB, D), jnp.float32),
            pltpu.SemaphoreType.DMA,
            pltpu.SemaphoreType.DMA,
            pltpu.SemaphoreType.DMA,
            pltpu.SemaphoreType.DMA,
            pltpu.SemaphoreType.DMA,
            pltpu.SemaphoreType.DMA,
        ],
    )
    def emb(enc_t_hbm, table_hbm, pe_hbm, out_hbm, idx_all, pe_v,
            rows0, rows1, rows2, gsem0, gsem1, gsem2, wsem0, wsem1, wsem2):
        cid = lax.axis_index("c")
        sid = lax.axis_index("s")
        wid = sid * 2 + cid
        p0 = wid * PPW

        pltpu.sync_copy(enc_t_hbm.at[pl.ds(p0, PPW), :], idx_all)
        pltpu.sync_copy(pe_hbm.at[pl.ds(p0, PPW), :], pe_v)

        rows = (rows0, rows1, rows2)
        gsems = (gsem0, gsem1, gsem2)
        wsems = (wsem0, wsem1, wsem2)

        def chunk_j(c):
            return c // CPP

        def chunk_b0(c):
            return (c % CPP) * NB

        def idx_slice(c):
            return idx_all.at[chunk_j(c), pl.ds(chunk_b0(c), NB)]

        def out_slice(c):
            return out_hbm.at[pl.ds(chunk_b0(c), NB), p0 + chunk_j(c), :]

        def fire_gather(c, q):
            pltpu.async_copy(table_hbm.at[idx_slice(c)], rows[q], gsems[q])

        def wait_gather(c, q):
            pltpu.make_async_copy(table_hbm.at[idx_slice(c)], rows[q], gsems[q]).wait()

        def fire_write(c, q):
            pltpu.async_copy(rows[q], out_slice(c), wsems[q])

        def wait_write(c, q):
            pltpu.make_async_copy(rows[q], out_slice(c), wsems[q]).wait()

        def process(c, q):
            wait_gather(c, q)
            j = chunk_j(c)
            pe_rows = [pe_v[j, pl.ds(k * L, L)] for k in range(D // L)]

            def add_row(b, _):
                for k in range(D // L):
                    rows[q][b, pl.ds(k * L, L)] = (
                        rows[q][b, pl.ds(k * L, L)] + pe_rows[k]
                    )
                return 0

            lax.fori_loop(0, NB, add_row, 0)
            fire_write(c, q)

        NTRIP = (NCH + 1 + NBUF - 1) // NBUF

        def trip(c3, _):
            for q in range(NBUF):
                c = c3 * NBUF + q

                @pl.when(jnp.logical_and(c >= NBUF, c < NCH))
                def _():
                    wait_write(c - NBUF, q)

                @pl.when(c < NCH)
                def _():
                    fire_gather(c, q)

                @pl.when(jnp.logical_and(c >= 1, c <= NCH))
                def _():
                    process(c - 1, (q - 1) % NBUF)

            return 0

        lax.fori_loop(0, NTRIP, trip, 0)

        for cc in range(NCH - NBUF, NCH):
            wait_write(cc, cc % NBUF)

    return emb


_emb = _make_sc_kernel()


def kernel(encoding, table):
    enc_t = encoding.T
    return _emb(enc_t, table, jnp.asarray(_PE))

# --- scband reference (transcript-rebuilt; emitter-appended) ---
"""Pipeline reference for scband-embedder-57380763075024 (READ-ONLY COPY).

The authoritative reference and input builder live on the scoring server;
editing this copy changes nothing except your own understanding.
"""

import jax, jax.numpy as jnp
import numpy as np

EMBEDDING_DIM = 512
SEQUENCE_LEN = 256
VOCAB_SIZE = 100000
BATCH = 1024


def positional_encoding():
    positions = np.arange(SEQUENCE_LEN)[:, np.newaxis]
    rates = 1 / 10000 ** (np.arange(0, EMBEDDING_DIM, 2)[np.newaxis, :] / EMBEDDING_DIM)
    radians = positions * rates
    sines = np.sin(radians)
    cosines = np.cos(radians)
    encoding = np.concatenate([sines, cosines], axis=-1)
    return jnp.asarray(encoding, dtype=jnp.float32)[jnp.newaxis, :SEQUENCE_LEN, :]


def setup_inputs(seed: int = 0) -> dict:
    key = jax.random.key(seed)
    k1, k2 = jax.random.split(key)
    encoding = jax.random.randint(k1, (BATCH, SEQUENCE_LEN), 0, VOCAB_SIZE, dtype=jnp.int32)
    table = jax.random.normal(k2, (VOCAB_SIZE, EMBEDDING_DIM), dtype=jnp.float32) * 0.02
    return {"encoding": encoding, "table": table}


def reference(encoding, table):
    # Embedding lookup (gather) + fixed sinusoidal positional encoding
    embedding = jnp.take(table, encoding, axis=0) + positional_encoding()
    return embedding

if __name__ == "__main__":
    import jax
    _d = setup_inputs()
    print(jax.jit(kernel)(*tuple(_d.values())))

</pallas_src>

<mosaic_0001>
#map = affine_map<(d0, d1) -> (0, 0)>
#map1 = affine_map<(d0, d1) -> (0, 0, 0)>
module attributes {stable_mosaic.version = 14 : i64} {
  func.func @emb(%arg0: i32, %arg1: i32, %arg2: memref<256x1024xi32, #tpu.memory_space<hbm>>, %arg3: memref<100000x512xf32, #tpu.memory_space<hbm>>, %arg4: memref<256x512xf32, #tpu.memory_space<hbm>>, %arg5: memref<1024x256x512xf32, #tpu.memory_space<hbm>>, %arg6: memref<8x1024xi32, #tpu.memory_space<vmem>>, %arg7: memref<8x512xf32, #tpu.memory_space<vmem>>, %arg8: memref<64x512xf32, #tpu.memory_space<vmem>>, %arg9: memref<64x512xf32, #tpu.memory_space<vmem>>, %arg10: memref<64x512xf32, #tpu.memory_space<vmem>>, %arg11: memref<!tpu.dma_semaphore, #tpu.memory_space<semaphore_mem>>, %arg12: memref<!tpu.dma_semaphore, #tpu.memory_space<semaphore_mem>>, %arg13: memref<!tpu.dma_semaphore, #tpu.memory_space<semaphore_mem>>, %arg14: memref<!tpu.dma_semaphore, #tpu.memory_space<semaphore_mem>>, %arg15: memref<!tpu.dma_semaphore, #tpu.memory_space<semaphore_mem>>, %arg16: memref<!tpu.dma_semaphore, #tpu.memory_space<semaphore_mem>>) attributes {dimension_semantics = [#tpu.dimension_semantics<core_parallel>, #tpu.dimension_semantics<subcore_parallel>], iteration_bounds = array<i64: 2, 16>, scalar_prefetch = 0 : i64, scratch_operands = 11 : i64, tpu.core_type = #tpu.core_type<sc_vector_subcore>, window_params = [{transform_indices = #map}, {transform_indices = #map}, {transform_indices = #map}, {transform_indices = #map1}]} {
    %mul3A = arith.constant 2 : i32
    %mul3A_0 = arith.muli %arg1, %mul3A : i32
    %add3A = arith.addi %mul3A_0, %arg0 : i32
    %mul3A_1 = arith.constant 8 : i32
    %mul3A_2 = arith.muli %add3A, %mul3A_1 : i32
    "tpu.region"() ({
      %run_scoped3A = tpu.sem_alloc : memref<!tpu.dma_semaphore, #tpu.memory_space<semaphore_mem>>
      %dma_start3A = arith.constant 0 : i32
      %dma_start3A_38 = tpu.memref_slice %arg2[%mul3A_2, %dma_start3A] : memref<256x1024xi32, #tpu.memory_space<hbm>> -> memref<8x1024xi32, #tpu.memory_space<hbm>>
      %dma_start3A_39 = arith.constant 0 : i32
      %dma_start3A_40 = tpu.memref_slice %arg2[%mul3A_2, %dma_start3A_39] : memref<256x1024xi32, #tpu.memory_space<hbm>> -> memref<8x1024xi32, #tpu.memory_space<hbm>>
      tpu.enqueue_dma source(%dma_start3A_40 : memref<8x1024xi32, #tpu.memory_space<hbm>>) target(%arg6 : memref<8x1024xi32, #tpu.memory_space<vmem>>) target_semaphore(%run_scoped3A : memref<!tpu.dma_semaphore, #tpu.memory_space<semaphore_mem>>)
      %dma_wait3A_41 = arith.constant 0 : i32
      %dma_wait3A_42 = tpu.memref_slice %arg2[%mul3A_2, %dma_wait3A_41] : memref<256x1024xi32, #tpu.memory_space<hbm>> -> memref<8x1024xi32, #tpu.memory_space<hbm>>
      %dma_wait3A_43 = arith.constant 0 : i32
      %dma_wait3A_44 = tpu.memref_slice %arg2[%mul3A_2, %dma_wait3A_43] : memref<256x1024xi32, #tpu.memory_space<hbm>> -> memref<8x1024xi32, #tpu.memory_space<hbm>>
      tpu.wait_dma2 semaphore(%run_scoped3A : memref<!tpu.dma_semaphore, #tpu.memory_space<semaphore_mem>>) src(%dma_wait3A_44 : memref<8x1024xi32, #tpu.memory_space<hbm>>) dst(%arg6 : memref<8x1024xi32, #tpu.memory_space<vmem>>)
      tpu.yield
    }) : () -> ()
    "tpu.region"() ({
      %run_scoped3A = tpu.sem_alloc : memref<!tpu.dma_semaphore, #tpu.memory_space<semaphore_mem>>
      %dma_start3A = arith.constant 0 : i32
      %dma_start3A_38 = tpu.memref_slice %arg4[%mul3A_2, %dma_start3A] : memref<256x512xf32, #tpu.memory_space<hbm>> -> memref<8x512xf32, #tpu.memory_space<hbm>>
      %dma_start3A_39 = arith.constant 0 : i32
      %dma_start3A_40 = tpu.memref_slice %arg4[%mul3A_2, %dma_start3A_39] : memref<256x512xf32, #tpu.memory_space<hbm>> -> memref<8x512xf32, #tpu.memory_space<hbm>>
      tpu.enqueue_dma source(%dma_start3A_40 : memref<8x512xf32, #tpu.memory_space<hbm>>) target(%arg7 : memref<8x512xf32, #tpu.memory_space<vmem>>) target_semaphore(%run_scoped3A : memref<!tpu.dma_semaphore, #tpu.memory_space<semaphore_mem>>)
      %dma_wait3A_41 = arith.constant 0 : i32
      %dma_wait3A_42 = tpu.memref_slice %arg4[%mul3A_2, %dma_wait3A_41] : memref<256x512xf32, #tpu.memory_space<hbm>> -> memref<8x512xf32, #tpu.memory_space<hbm>>
      %dma_wait3A_43 = arith.constant 0 : i32
      %dma_wait3A_44 = tpu.memref_slice %arg4[%mul3A_2, %dma_wait3A_43] : memref<256x512xf32, #tpu.memory_space<hbm>> -> memref<8x512xf32, #tpu.memory_space<hbm>>
      tpu.wait_dma2 semaphore(%run_scoped3A : memref<!tpu.dma_semaphore, #tpu.memory_space<semaphore_mem>>) src(%dma_wait3A_44 : memref<8x512xf32, #tpu.memory_space<hbm>>) dst(%arg7 : memref<8x512xf32, #tpu.memory_space<vmem>>)
      tpu.yield
    }) : () -> ()
    %scan3A = arith.constant 0 : i32
    %scan3A_3 = arith.constant 0 : i32
    %scan3A_4 = arith.constant 43 : i32
    %scan3A_5 = arith.addi %scan3A_3, %scan3A_4 : i32
    %scan3A_6 = arith.constant 1 : i32
    %scan3A_7 = scf.for %scan3A_38 = %scan3A_3 to %scan3A_5 step %scan3A_6 iter_args(%scan3A_39 = %scan3A) -> (i32)  : i32 {
      %mul3A_40 = arith.constant 3 : i32
      %mul3A_41 = arith.muli %scan3A_38, %mul3A_40 : i32
      %add3A_42 = arith.constant 0 : i32
      %add3A_43 = arith.addi %mul3A_41, %add3A_42 : i32
      %ge3A = arith.constant 3 : i32
      %ge3A_44 = arith.cmpi sge, %add3A_43, %ge3A : i32
      %lt3A = arith.constant 128 : i32
      %lt3A_45 = arith.cmpi slt, %add3A_43, %lt3A : i32
      %and3A = arith.andi %ge3A_44, %lt3A_45 : i1
      %convert_element_type3A = arith.extui %and3A : i1 to i32
      %cond3A = arith.constant 0 : i32
      %cond3A_46 = arith.cmpi ne, %convert_element_type3A, %cond3A : i32
      scf.if %cond3A_46 {
        %sub3A = arith.constant 3 : i32
        %sub3A_110 = arith.subi %add3A_43, %sub3A : i32
        %jit3A = arith.constant 16 : i32
        %eq3A = arith.constant 0 : i32
        %eq3A_111 = arith.cmpi eq, %jit3A, %eq3A : i32
        %jit3A_112 = arith.constant 1 : i32
        %select_n3A = arith.select %eq3A_111, %jit3A_112, %jit3A : i32
        %rem3A = arith.remsi %sub3A_110, %select_n3A : i32
        %ne3A = arith.constant 0 : i32
        %ne3A_113 = arith.cmpi ne, %rem3A, %ne3A : i32
        %lt3A_114 = arith.constant 0 : i32
        %lt3A_115 = arith.cmpi slt, %rem3A, %lt3A_114 : i32
        %lt3A_116 = arith.constant 0 : i32
        %lt3A_117 = arith.cmpi slt, %select_n3A, %lt3A_116 : i32
        %ne3A_118 = arith.xori %lt3A_115, %lt3A_117 : i1
        %and3A_119 = arith.andi %ne3A_118, %ne3A_113 : i1
        %add3A_120 = arith.addi %rem3A, %select_n3A : i32
        %select_n3A_121 = arith.select %and3A_119, %add3A_120, %rem3A : i32
        %mul3A_122 = arith.constant 64 : i32
        %mul3A_123 = arith.muli %select_n3A_121, %mul3A_122 : i32
        %jit3A_124 = arith.constant 16 : i32
        %div3A = arith.divsi %sub3A_110, %jit3A_124 : i32
        %sign3A = arith.constant 0 : i32
        %sign3A_125 = arith.cmpi sgt, %sub3A_110, %sign3A : i32
        %sign3A_126 = arith.extui %sign3A_125 : i1 to i32
        %sign3A_127 = arith.constant 0 : i32
        %sign3A_128 = arith.cmpi slt, %sub3A_110, %sign3A_127 : i32
        %sign3A_129 = arith.extui %sign3A_128 : i1 to i32
        %sign3A_130 = arith.subi %sign3A_126, %sign3A_129 : i32
        %sign3A_131 = arith.constant 0 : i32
        %sign3A_132 = arith.cmpi sgt, %jit3A_124, %sign3A_131 : i32
        %sign3A_133 = arith.extui %sign3A_132 : i1 to i32
        %sign3A_134 = arith.constant 0 : i32
        %sign3A_135 = arith.cmpi slt, %jit3A_124, %sign3A_134 : i32
        %sign3A_136 = arith.extui %sign3A_135 : i1 to i32
        %sign3A_137 = arith.subi %sign3A_133, %sign3A_136 : i32
        %ne3A_138 = arith.cmpi ne, %sign3A_130, %sign3A_137 : i32
        %rem3A_139 = arith.remsi %sub3A_110, %jit3A_124 : i32
        %ne3A_140 = arith.constant 0 : i32
        %ne3A_141 = arith.cmpi ne, %rem3A_139, %ne3A_140 : i32
        %and3A_142 = arith.andi %ne3A_138, %ne3A_141 : i1
        %sub3A_143 = arith.constant 1 : i32
        %sub3A_144 = arith.subi %div3A, %sub3A_143 : i32
        %select_n3A_145 = arith.select %and3A_142, %sub3A_144, %div3A : i32
        %add3A_146 = arith.addi %mul3A_2, %select_n3A_145 : i32
        %dma_wait3A_147 = arith.constant 0 : i32
        %dma_wait3A_148 = tpu.memref_slice %arg5[%mul3A_123, %add3A_146, %dma_wait3A_147] : memref<1024x256x512xf32, #tpu.memory_space<hbm>> -> memref<64x1x512xf32, #tpu.memory_space<hbm>>
        %dma_wait3A_149 = tpu.memref_squeeze %dma_wait3A_148 : memref<64x1x512xf32, #tpu.memory_space<hbm>> -> memref<64x512xf32, #tpu.memory_space<hbm>>
        %dma_wait3A_150 = arith.constant 0 : i32
        %dma_wait3A_151 = tpu.memref_slice %arg5[%mul3A_123, %add3A_146, %dma_wait3A_150] : memref<1024x256x512xf32, #tpu.memory_space<hbm>> -> memref<64x1x512xf32, #tpu.memory_space<hbm>>
        %dma_wait3A_152 = tpu.memref_squeeze %dma_wait3A_151 : memref<64x1x512xf32, #tpu.memory_space<hbm>> -> memref<64x512xf32, #tpu.memory_space<hbm>>
        tpu.wait_dma2 semaphore(%arg14 : memref<!tpu.dma_semaphore, #tpu.memory_space<semaphore_mem>>) src(%arg8 : memref<64x512xf32, #tpu.memory_space<vmem>>) dst(%dma_wait3A_152 : memref<64x512xf32, #tpu.memory_space<hbm>>)
      } else {
      }
      %lt3A_47 = arith.constant 128 : i32
      %lt3A_48 = arith.cmpi slt, %add3A_43, %lt3A_47 : i32
      %convert_element_type3A_49 = arith.extui %lt3A_48 : i1 to i32
      %cond3A_50 = arith.constant 0 : i32
      %cond3A_51 = arith.cmpi ne, %convert_element_type3A_49, %cond3A_50 : i32
      scf.if %cond3A_51 {
        %jit3A = arith.constant 16 : i32
        %div3A = arith.divsi %add3A_43, %jit3A : i32
        %sign3A = arith.constant 0 : i32
        %sign3A_110 = arith.cmpi sgt, %add3A_43, %sign3A : i32
        %sign3A_111 = arith.extui %sign3A_110 : i1 to i32
        %sign3A_112 = arith.constant 0 : i32
        %sign3A_113 = arith.cmpi slt, %add3A_43, %sign3A_112 : i32
        %sign3A_114 = arith.extui %sign3A_113 : i1 to i32
        %sign3A_115 = arith.subi %sign3A_111, %sign3A_114 : i32
        %sign3A_116 = arith.constant 0 : i32
        %sign3A_117 = arith.cmpi sgt, %jit3A, %sign3A_116 : i32
        %sign3A_118 = arith.extui %sign3A_117 : i1 to i32
        %sign3A_119 = arith.constant 0 : i32
        %sign3A_120 = arith.cmpi slt, %jit3A, %sign3A_119 : i32
        %sign3A_121 = arith.extui %sign3A_120 : i1 to i32
        %sign3A_122 = arith.subi %sign3A_118, %sign3A_121 : i32
        %ne3A = arith.cmpi ne, %sign3A_115, %sign3A_122 : i32
        %rem3A = arith.remsi %add3A_43, %jit3A : i32
        %ne3A_123 = arith.constant 0 : i32
        %ne3A_124 = arith.cmpi ne, %rem3A, %ne3A_123 : i32
        %and3A_125 = arith.andi %ne3A, %ne3A_124 : i1
        %sub3A = arith.constant 1 : i32
        %sub3A_126 = arith.subi %div3A, %sub3A : i32
        %select_n3A = arith.select %and3A_125, %sub3A_126, %div3A : i32
        %jit3A_127 = arith.constant 16 : i32
        %eq3A = arith.constant 0 : i32
        %eq3A_128 = arith.cmpi eq, %jit3A_127, %eq3A : i32
        %jit3A_129 = arith.constant 1 : i32
        %select_n3A_130 = arith.select %eq3A_128, %jit3A_129, %jit3A_127 : i32
        %rem3A_131 = arith.remsi %add3A_43, %select_n3A_130 : i32
        %ne3A_132 = arith.constant 0 : i32
        %ne3A_133 = arith.cmpi ne, %rem3A_131, %ne3A_132 : i32
        %lt3A_134 = arith.constant 0 : i32
        %lt3A_135 = arith.cmpi slt, %rem3A_131, %lt3A_134 : i32
        %lt3A_136 = arith.constant 0 : i32
        %lt3A_137 = arith.cmpi slt, %select_n3A_130, %lt3A_136 : i32
        %ne3A_138 = arith.xori %lt3A_135, %lt3A_137 : i1
        %and3A_139 = arith.andi %ne3A_138, %ne3A_133 : i1
        %add3A_140 = arith.addi %rem3A_131, %select_n3A_130 : i32
        %select_n3A_141 = arith.select %and3A_139, %add3A_140, %rem3A_131 : i32
        %mul3A_142 = arith.constant 64 : i32
        %mul3A_143 = arith.muli %select_n3A_141, %mul3A_142 : i32
        %dma_start3A = tpu.memref_slice %arg6[%select_n3A, %mul3A_143] : memref<8x1024xi32, #tpu.memory_space<vmem>> -> memref<1x64xi32, #tpu.memory_space<vmem>>
        %dma_start3A_144 = tpu.memref_squeeze %dma_start3A : memref<1x64xi32, #tpu.memory_space<vmem>> -> memref<64xi32, #tpu.memory_space<vmem>>
        %dma_start3A_145 = arith.constant 0 : i32
        %dma_start3A_146 = arith.constant 0 : i32
        %dma_start3A_147 = tpu.memref_slice %arg3[%dma_start3A_145, %dma_start3A_146] : memref<100000x512xf32, #tpu.memory_space<hbm>> -> memref<100000x512xf32, #tpu.memory_space<hbm>>
        tpu.enqueue_indirect_dma source(%dma_start3A_147 : memref<100000x512xf32, #tpu.memory_space<hbm>>) target(%arg8 : memref<64x512xf32, #tpu.memory_space<vmem>>) offsets(%dma_start3A_144 : memref<64xi32, #tpu.memory_space<vmem>>) semaphore(%arg11 : memref<!tpu.dma_semaphore, #tpu.memory_space<semaphore_mem>>)
      } else {
      }
      %ge3A_52 = arith.constant 1 : i32
      %ge3A_53 = arith.cmpi sge, %add3A_43, %ge3A_52 : i32
      %le3A = arith.constant 128 : i32
      %le3A_54 = arith.cmpi sle, %add3A_43, %le3A : i32
      %and3A_55 = arith.andi %ge3A_53, %le3A_54 : i1
      %convert_element_type3A_56 = arith.extui %and3A_55 : i1 to i32
      %cond3A_57 = arith.constant 0 : i32
      %cond3A_58 = arith.cmpi ne, %convert_element_type3A_56, %cond3A_57 : i32
      scf.if %cond3A_58 {
        %sub3A = arith.constant 1 : i32
        %sub3A_110 = arith.subi %add3A_43, %sub3A : i32
        %jit3A = arith.constant 16 : i32
        %div3A = arith.divsi %sub3A_110, %jit3A : i32
        %sign3A = arith.constant 0 : i32
        %sign3A_111 = arith.cmpi sgt, %sub3A_110, %sign3A : i32
        %sign3A_112 = arith.extui %sign3A_111 : i1 to i32
        %sign3A_113 = arith.constant 0 : i32
        %sign3A_114 = arith.cmpi slt, %sub3A_110, %sign3A_113 : i32
        %sign3A_115 = arith.extui %sign3A_114 : i1 to i32
        %sign3A_116 = arith.subi %sign3A_112, %sign3A_115 : i32
        %sign3A_117 = arith.constant 0 : i32
        %sign3A_118 = arith.cmpi sgt, %jit3A, %sign3A_117 : i32
        %sign3A_119 = arith.extui %sign3A_118 : i1 to i32
        %sign3A_120 = arith.constant 0 : i32
        %sign3A_121 = arith.cmpi slt, %jit3A, %sign3A_120 : i32
        %sign3A_122 = arith.extui %sign3A_121 : i1 to i32
        %sign3A_123 = arith.subi %sign3A_119, %sign3A_122 : i32
        %ne3A = arith.cmpi ne, %sign3A_116, %sign3A_123 : i32
        %rem3A = arith.remsi %sub3A_110, %jit3A : i32
        %ne3A_124 = arith.constant 0 : i32
        %ne3A_125 = arith.cmpi ne, %rem3A, %ne3A_124 : i32
        %and3A_126 = arith.andi %ne3A, %ne3A_125 : i1
        %sub3A_127 = arith.constant 1 : i32
        %sub3A_128 = arith.subi %div3A, %sub3A_127 : i32
        %select_n3A = arith.select %and3A_126, %sub3A_128, %div3A : i32
        %jit3A_129 = arith.constant 16 : i32
        %eq3A = arith.constant 0 : i32
        %eq3A_130 = arith.cmpi eq, %jit3A_129, %eq3A : i32
        %jit3A_131 = arith.constant 1 : i32
        %select_n3A_132 = arith.select %eq3A_130, %jit3A_131, %jit3A_129 : i32
        %rem3A_133 = arith.remsi %sub3A_110, %select_n3A_132 : i32
        %ne3A_134 = arith.constant 0 : i32
        %ne3A_135 = arith.cmpi ne, %rem3A_133, %ne3A_134 : i32
        %lt3A_136 = arith.constant 0 : i32
        %lt3A_137 = arith.cmpi slt, %rem3A_133, %lt3A_136 : i32
        %lt3A_138 = arith.constant 0 : i32
        %lt3A_139 = arith.cmpi slt, %select_n3A_132, %lt3A_138 : i32
        %ne3A_140 = arith.xori %lt3A_137, %lt3A_139 : i1
        %and3A_141 = arith.andi %ne3A_140, %ne3A_135 : i1
        %add3A_142 = arith.addi %rem3A_133, %select_n3A_132 : i32
        %select_n3A_143 = arith.select %and3A_141, %add3A_142, %rem3A_133 : i32
        %mul3A_144 = arith.constant 64 : i32
        %mul3A_145 = arith.muli %select_n3A_143, %mul3A_144 : i32
        %dma_wait3A_146 = tpu.memref_slice %arg6[%select_n3A, %mul3A_145] : memref<8x1024xi32, #tpu.memory_space<vmem>> -> memref<1x64xi32, #tpu.memory_space<vmem>>
        %dma_wait3A_147 = tpu.memref_squeeze %dma_wait3A_146 : memref<1x64xi32, #tpu.memory_space<vmem>> -> memref<64xi32, #tpu.memory_space<vmem>>
        %dma_wait3A_148 = arith.constant 0 : i32
        %dma_wait3A_149 = arith.constant 0 : i32
        %dma_wait3A_150 = tpu.memref_slice %arg3[%dma_wait3A_148, %dma_wait3A_149] : memref<100000x512xf32, #tpu.memory_space<hbm>> -> memref<100000x512xf32, #tpu.memory_space<hbm>>
        tpu.wait_indirect_dma semaphore(%arg13 : memref<!tpu.dma_semaphore, #tpu.memory_space<semaphore_mem>>) src(%dma_wait3A_150 : memref<100000x512xf32, #tpu.memory_space<hbm>>) dst(%arg10 : memref<64x512xf32, #tpu.memory_space<vmem>>)
        %jit3A_151 = arith.constant 16 : i32
        %div3A_152 = arith.divsi %sub3A_110, %jit3A_151 : i32
        %sign3A_153 = arith.constant 0 : i32
        %sign3A_154 = arith.cmpi sgt, %sub3A_110, %sign3A_153 : i32
        %sign3A_155 = arith.extui %sign3A_154 : i1 to i32
        %sign3A_156 = arith.constant 0 : i32
        %sign3A_157 = arith.cmpi slt, %sub3A_110, %sign3A_156 : i32
        %sign3A_158 = arith.extui %sign3A_157 : i1 to i32
        %sign3A_159 = arith.subi %sign3A_155, %sign3A_158 : i32
        %sign3A_160 = arith.constant 0 : i32
        %sign3A_161 = arith.cmpi sgt, %jit3A_151, %sign3A_160 : i32
        %sign3A_162 = arith.extui %sign3A_161 : i1 to i32
        %sign3A_163 = arith.constant 0 : i32
        %sign3A_164 = arith.cmpi slt, %jit3A_151, %sign3A_163 : i32
        %sign3A_165 = arith.extui %sign3A_164 : i1 to i32
        %sign3A_166 = arith.subi %sign3A_162, %sign3A_165 : i32
        %ne3A_167 = arith.cmpi ne, %sign3A_159, %sign3A_166 : i32
        %rem3A_168 = arith.remsi %sub3A_110, %jit3A_151 : i32
        %ne3A_169 = arith.constant 0 : i32
        %ne3A_170 = arith.cmpi ne, %rem3A_168, %ne3A_169 : i32
        %and3A_171 = arith.andi %ne3A_167, %ne3A_170 : i1
        %sub3A_172 = arith.constant 1 : i32
        %sub3A_173 = arith.subi %div3A_152, %sub3A_172 : i32
        %select_n3A_174 = arith.select %and3A_171, %sub3A_173, %div3A_152 : i32
        %get3A = arith.index_cast %select_n3A_174 : i32 to index
        %get3A_175 = arith.constant 0 : index
        %get3A_176 = tpu.vector_load %arg7[%get3A, %get3A_175] {strides = array<i32>} : memref<8x512xf32, #tpu.memory_space<vmem>>, vector<1x16xf32>,
        %get3A_177 = vector.shape_cast %get3A_176 : vector<1x16xf32> to vector<16xf32>
        %get3A_178 = arith.index_cast %select_n3A_174 : i32 to index
        %get3A_179 = arith.constant 16 : index
        %get3A_180 = tpu.vector_load %arg7[%get3A_178, %get3A_179] {strides = array<i32>} : memref<8x512xf32, #tpu.memory_space<vmem>>, vector<1x16xf32>,
        %get3A_181 = vector.shape_cast %get3A_180 : vector<1x16xf32> to vector<16xf32>
        %get3A_182 = arith.index_cast %select_n3A_174 : i32 to index
        %get3A_183 = arith.constant 32 : index
        %get3A_184 = tpu.vector_load %arg7[%get3A_182, %get3A_183] {strides = array<i32>} : memref<8x512xf32, #tpu.memory_space<vmem>>, vector<1x16xf32>,
        %get3A_185 = vector.shape_cast %get3A_184 : vector<1x16xf32> to vector<16xf32>
        %get3A_186 = arith.index_cast %select_n3A_174 : i32 to index
        %get3A_187 = arith.constant 48 : index
        %get3A_188 = tpu.vector_load %arg7[%get3A_186, %get3A_187] {strides = array<i32>} : memref<8x512xf32, #tpu.memory_space<vmem>>, vector<1x16xf32>,
        %get3A_189 = vector.shape_cast %get3A_188 : vector<1x16xf32> to vector<16xf32>
        %get3A_190 = arith.index_cast %select_n3A_174 : i32 to index
        %get3A_191 = arith.constant 64 : index
        %get3A_192 = tpu.vector_load %arg7[%get3A_190, %get3A_191] {strides = array<i32>} : memref<8x512xf32, #tpu.memory_space<vmem>>, vector<1x16xf32>,
        %get3A_193 = vector.shape_cast %get3A_192 : vector<1x16xf32> to vector<16xf32>
        %get3A_194 = arith.index_cast %select_n3A_174 : i32 to index
        %get3A_195 = arith.constant 80 : index
        %get3A_196 = tpu.vector_load %arg7[%get3A_194, %get3A_195] {strides = array<i32>} : memref<8x512xf32, #tpu.memory_space<vmem>>, vector<1x16xf32>,
        %get3A_197 = vector.shape_cast %get3A_196 : vector<1x16xf32> to vector<16xf32>
        %get3A_198 = arith.index_cast %select_n3A_174 : i32 to index
        %get3A_199 = arith.constant 96 : index
        %get3A_200 = tpu.vector_load %arg7[%get3A_198, %get3A_199] {strides = array<i32>} : memref<8x512xf32, #tpu.memory_space<vmem>>, vector<1x16xf32>,
        %get3A_201 = vector.shape_cast %get3A_200 : vector<1x16xf32> to vector<16xf32>
        %get3A_202 = arith.index_cast %select_n3A_174 : i32 to index
        %get3A_203 = arith.constant 112 : index
        %get3A_204 = tpu.vector_load %arg7[%get3A_202, %get3A_203] {strides = array<i32>} : memref<8x512xf32, #tpu.memory_space<vmem>>, vector<1x16xf32>,
        %get3A_205 = vector.shape_cast %get3A_204 : vector<1x16xf32> to vector<16xf32>
        %get3A_206 = arith.index_cast %select_n3A_174 : i32 to index
        %get3A_207 = arith.constant 128 : index
        %get3A_208 = tpu.vector_load %arg7[%get3A_206, %get3A_207] {strides = array<i32>} : memref<8x512xf32, #tpu.memory_space<vmem>>, vector<1x16xf32>,
        %get3A_209 = vector.shape_cast %get3A_208 : vector<1x16xf32> to vector<16xf32>
        %get3A_210 = arith.index_cast %select_n3A_174 : i32 to index
        %get3A_211 = arith.constant 144 : index
        %get3A_212 = tpu.vector_load %arg7[%get3A_210, %get3A_211] {strides = array<i32>} : memref<8x512xf32, #tpu.memory_space<vmem>>, vector<1x16xf32>,
        %get3A_213 = vector.shape_cast %get3A_212 : vector<1x16xf32> to vector<16xf32>
        %get3A_214 = arith.index_cast %select_n3A_174 : i32 to index
        %get3A_215 = arith.constant 160 : index
        %get3A_216 = tpu.vector_load %arg7[%get3A_214, %get3A_215] {strides = array<i32>} : memref<8x512xf32, #tpu.memory_space<vmem>>, vector<1x16xf32>,
        %get3A_217 = vector.shape_cast %get3A_216 : vector<1x16xf32> to vector<16xf32>
        %get3A_218 = arith.index_cast %select_n3A_174 : i32 to index
        %get3A_219 = arith.constant 176 : index
        %get3A_220 = tpu.vector_load %arg7[%get3A_218, %get3A_219] {strides = array<i32>} : memref<8x512xf32, #tpu.memory_space<vmem>>, vector<1x16xf32>,
        %get3A_221 = vector.shape_cast %get3A_220 : vector<1x16xf32> to vector<16xf32>
        %get3A_222 = arith.index_cast %select_n3A_174 : i32 to index
        %get3A_223 = arith.constant 192 : index
        %get3A_224 = tpu.vector_load %arg7[%get3A_222, %get3A_223] {strides = array<i32>} : memref<8x512xf32, #tpu.memory_space<vmem>>, vector<1x16xf32>,
        %get3A_225 = vector.shape_cast %get3A_224 : vector<1x16xf32> to vector<16xf32>
        %get3A_226 = arith.index_cast %select_n3A_174 : i32 to index
        %get3A_227 = arith.constant 208 : index
        %get3A_228 = tpu.vector_load %arg7[%get3A_226, %get3A_227] {strides = array<i32>} : memref<8x512xf32, #tpu.memory_space<vmem>>, vector<1x16xf32>,
        %get3A_229 = vector.shape_cast %get3A_228 : vector<1x16xf32> to vector<16xf32>
        %get3A_230 = arith.index_cast %select_n3A_174 : i32 to index
        %get3A_231 = arith.constant 224 : index
        %get3A_232 = tpu.vector_load %arg7[%get3A_230, %get3A_231] {strides = array<i32>} : memref<8x512xf32, #tpu.memory_space<vmem>>, vector<1x16xf32>,
        %get3A_233 = vector.shape_cast %get3A_232 : vector<1x16xf32> to vector<16xf32>
        %get3A_234 = arith.index_cast %select_n3A_174 : i32 to index
        %get3A_235 = arith.constant 240 : index
        %get3A_236 = tpu.vector_load %arg7[%get3A_234, %get3A_235] {strides = array<i32>} : memref<8x512xf32, #tpu.memory_space<vmem>>, vector<1x16xf32>,
        %get3A_237 = vector.shape_cast %get3A_236 : vector<1x16xf32> to vector<16xf32>
        %get3A_238 = arith.index_cast %select_n3A_174 : i32 to index
        %get3A_239 = arith.constant 256 : index
        %get3A_240 = tpu.vector_load %arg7[%get3A_238, %get3A_239] {strides = array<i32>} : memref<8x512xf32, #tpu.memory_space<vmem>>, vector<1x16xf32>,
        %get3A_241 = vector.shape_cast %get3A_240 : vector<1x16xf32> to vector<16xf32>
        %get3A_242 = arith.index_cast %select_n3A_174 : i32 to index
        %get3A_243 = arith.constant 272 : index
        %get3A_244 = tpu.vector_load %arg7[%get3A_242, %get3A_243] {strides = array<i32>} : memref<8x512xf32, #tpu.memory_space<vmem>>, vector<1x16xf32>,
        %get3A_245 = vector.shape_cast %get3A_244 : vector<1x16xf32> to vector<16xf32>
        %get3A_246 = arith.index_cast %select_n3A_174 : i32 to index
        %get3A_247 = arith.constant 288 : index
        %get3A_248 = tpu.vector_load %arg7[%get3A_246, %get3A_247] {strides = array<i32>} : memref<8x512xf32, #tpu.memory_space<vmem>>, vector<1x16xf32>,
        %get3A_249 = vector.shape_cast %get3A_248 : vector<1x16xf32> to vector<16xf32>
        %get3A_250 = arith.index_cast %select_n3A_174 : i32 to index
        %get3A_251 = arith.constant 304 : index
        %get3A_252 = tpu.vector_load %arg7[%get3A_250, %get3A_251] {strides = array<i32>} : memref<8x512xf32, #tpu.memory_space<vmem>>, vector<1x16xf32>,
        %get3A_253 = vector.shape_cast %get3A_252 : vector<1x16xf32> to vector<16xf32>
        %get3A_254 = arith.index_cast %select_n3A_174 : i32 to index
        %get3A_255 = arith.constant 320 : index
        %get3A_256 = tpu.vector_load %arg7[%get3A_254, %get3A_255] {strides = array<i32>} : memref<8x512xf32, #tpu.memory_space<vmem>>, vector<1x16xf32>,
        %get3A_257 = vector.shape_cast %get3A_256 : vector<1x16xf32> to vector<16xf32>
        %get3A_258 = arith.index_cast %select_n3A_174 : i32 to index
        %get3A_259 = arith.constant 336 : index
        %get3A_260 = tpu.vector_load %arg7[%get3A_258, %get3A_259] {strides = array<i32>} : memref<8x512xf32, #tpu.memory_space<vmem>>, vector<1x16xf32>,
        %get3A_261 = vector.shape_cast %get3A_260 : vector<1x16xf32> to vector<16xf32>
        %get3A_262 = arith.index_cast %select_n3A_174 : i32 to index
        %get3A_263 = arith.constant 352 : index
        %get3A_264 = tpu.vector_load %arg7[%get3A_262, %get3A_263] {strides = array<i32>} : memref<8x512xf32, #tpu.memory_space<vmem>>, vector<1x16xf32>,
        %get3A_265 = vector.shape_cast %get3A_264 : vector<1x16xf32> to vector<16xf32>
        %get3A_266 = arith.index_cast %select_n3A_174 : i32 to index
        %get3A_267 = arith.constant 368 : index
        %get3A_268 = tpu.vector_load %arg7[%get3A_266, %get3A_267] {strides = array<i32>} : memref<8x512xf32, #tpu.memory_space<vmem>>, vector<1x16xf32>,
        %get3A_269 = vector.shape_cast %get3A_268 : vector<1x16xf32> to vector<16xf32>
        %get3A_270 = arith.index_cast %select_n3A_174 : i32 to index
        %get3A_271 = arith.constant 384 : index
        %get3A_272 = tpu.vector_load %arg7[%get3A_270, %get3A_271] {strides = array<i32>} : memref<8x512xf32, #tpu.memory_space<vmem>>, vector<1x16xf32>,
        %get3A_273 = vector.shape_cast %get3A_272 : vector<1x16xf32> to vector<16xf32>
        %get3A_274 = arith.index_cast %select_n3A_174 : i32 to index
        %get3A_275 = arith.constant 400 : index
        %get3A_276 = tpu.vector_load %arg7[%get3A_274, %get3A_275] {strides = array<i32>} : memref<8x512xf32, #tpu.memory_space<vmem>>, vector<1x16xf32>,
        %get3A_277 = vector.shape_cast %get3A_276 : vector<1x16xf32> to vector<16xf32>
        %get3A_278 = arith.index_cast %select_n3A_174 : i32 to index
        %get3A_279 = arith.constant 416 : index
        %get3A_280 = tpu.vector_load %arg7[%get3A_278, %get3A_279] {strides = array<i32>} : memref<8x512xf32, #tpu.memory_space<vmem>>, vector<1x16xf32>,
        %get3A_281 = vector.shape_cast %get3A_280 : vector<1x16xf32> to vector<16xf32>
        %get3A_282 = arith.index_cast %select_n3A_174 : i32 to index
        %get3A_283 = arith.constant 432 : index
        %get3A_284 = tpu.vector_load %arg7[%get3A_282, %get3A_283] {strides = array<i32>} : memref<8x512xf32, #tpu.memory_space<vmem>>, vector<1x16xf32>,
        %get3A_285 = vector.shape_cast %get3A_284 : vector<1x16xf32> to vector<16xf32>
        %get3A_286 = arith.index_cast %select_n3A_174 : i32 to index
        %get3A_287 = arith.constant 448 : index
        %get3A_288 = tpu.vector_load %arg7[%get3A_286, %get3A_287] {strides = array<i32>} : memref<8x512xf32, #tpu.memory_space<vmem>>, vector<1x16xf32>,
        %get3A_289 = vector.shape_cast %get3A_288 : vector<1x16xf32> to vector<16xf32>
        %get3A_290 = arith.index_cast %select_n3A_174 : i32 to index
        %get3A_291 = arith.constant 464 : index
        %get3A_292 = tpu.vector_load %arg7[%get3A_290, %get3A_291] {strides = array<i32>} : memref<8x512xf32, #tpu.memory_space<vmem>>, vector<1x16xf32>,
        %get3A_293 = vector.shape_cast %get3A_292 : vector<1x16xf32> to vector<16xf32>
        %get3A_294 = arith.index_cast %select_n3A_174 : i32 to index
        %get3A_295 = arith.constant 480 : index
        %get3A_296 = tpu.vector_load %arg7[%get3A_294, %get3A_295] {strides = array<i32>} : memref<8x512xf32, #tpu.memory_space<vmem>>, vector<1x16xf32>,
        %get3A_297 = vector.shape_cast %get3A_296 : vector<1x16xf32> to vector<16xf32>
        %get3A_298 = arith.index_cast %select_n3A_174 : i32 to index
        %get3A_299 = arith.constant 496 : index
        %get3A_300 = tpu.vector_load %arg7[%get3A_298, %get3A_299] {strides = array<i32>} : memref<8x512xf32, #tpu.memory_space<vmem>>, vector<1x16xf32>,
        %get3A_301 = vector.shape_cast %get3A_300 : vector<1x16xf32> to vector<16xf32>
        %scan3A_302 = arith.constant 0 : i32
        %scan3A_303 = arith.constant 0 : i32
        %scan3A_304 = arith.constant 64 : i32
        %scan3A_305 = arith.addi %scan3A_303, %scan3A_304 : i32
        %scan3A_306 = arith.constant 1 : i32
        %scan3A_307 = scf.for %scan3A_357 = %scan3A_303 to %scan3A_305 step %scan3A_306 iter_args(%scan3A_358 = %scan3A_302) -> (i32)  : i32 {
          %get3A_359 = arith.index_cast %scan3A_357 : i32 to index
          %get3A_360 = arith.constant 0 : index
          %get3A_361 = tpu.vector_load %arg10[%get3A_359, %get3A_360] {strides = array<i32>} : memref<64x512xf32, #tpu.memory_space<vmem>>, vector<1x16xf32>,
          %get3A_362 = vector.shape_cast %get3A_361 : vector<1x16xf32> to vector<16xf32>
          %add3A_363 = arith.addf %get3A_362, %get3A_177 : vector<16xf32>
          %swap3A = arith.index_cast %scan3A_357 : i32 to index
          %swap3A_364 = arith.constant 0 : index
          %swap3A_365 = tpu.vector_load %arg10[%swap3A, %swap3A_364] {strides = array<i32>} : memref<64x512xf32, #tpu.memory_space<vmem>>, vector<1x16xf32>,
          %swap3A_366 = vector.shape_cast %swap3A_365 : vector<1x16xf32> to vector<16xf32>
          %swap3A_367 = vector.shape_cast %add3A_363 : vector<16xf32> to vector<1x16xf32>
          tpu.vector_store %arg10[%swap3A, %swap3A_364], %swap3A_367 {strides = array<i32>} : memref<64x512xf32, #tpu.memory_space<vmem>>, vector<1x16xf32>,
          %get3A_368 = arith.index_cast %scan3A_357 : i32 to index
          %get3A_369 = arith.constant 16 : index
          %get3A_370 = tpu.vector_load %arg10[%get3A_368, %get3A_369] {strides = array<i32>} : memref<64x512xf32, #tpu.memory_space<vmem>>, vector<1x16xf32>,
          %get3A_371 = vector.shape_cast %get3A_370 : vector<1x16xf32> to vector<16xf32>
          %add3A_372 = arith.addf %get3A_371, %get3A_181 : vector<16xf32>
          %swap3A_373 = arith.index_cast %scan3A_357 : i32 to index
          %swap3A_374 = arith.constant 16 : index
          %swap3A_375 = tpu.vector_load %arg10[%swap3A_373, %swap3A_374] {strides = array<i32>} : memref<64x512xf32, #tpu.memory_space<vmem>>, vector<1x16xf32>,
          %swap3A_376 = vector.shape_cast %swap3A_375 : vector<1x16xf32> to vector<16xf32>
          %swap3A_377 = vector.shape_cast %add3A_372 : vector<16xf32> to vector<1x16xf32>
          tpu.vector_store %arg10[%swap3A_373, %swap3A_374], %swap3A_377 {strides = array<i32>} : memref<64x512xf32, #tpu.memory_space<vmem>>, vector<1x16xf32>,
          %get3A_378 = arith.index_cast %scan3A_357 : i32 to index
          %get3A_379 = arith.constant 32 : index
          %get3A_380 = tpu.vector_load %arg10[%get3A_378, %get3A_379] {strides = array<i32>} : memref<64x512xf32, #tpu.memory_space<vmem>>, vector<1x16xf32>,
          %get3A_381 = vector.shape_cast %get3A_380 : vector<1x16xf32> to vector<16xf32>
          %add3A_382 = arith.addf %get3A_381, %get3A_185 : vector<16xf32>
          %swap3A_383 = arith.index_cast %scan3A_357 : i32 to index
          %swap3A_384 = arith.constant 32 : index
          %swap3A_385 = tpu.vector_load %arg10[%swap3A_383, %swap3A_384] {strides = array<i32>} : memref<64x512xf32, #tpu.memory_space<vmem>>, vector<1x16xf32>,
          %swap3A_386 = vector.shape_cast %swap3A_385 : vector<1x16xf32> to vector<16xf32>
          %swap3A_387 = vector.shape_cast %add3A_382 : vector<16xf32> to vector<1x16xf32>
          tpu.vector_store %arg10[%swap3A_383, %swap3A_384], %swap3A_387 {strides = array<i32>} : memref<64x512xf32, #tpu.memory_space<vmem>>, vector<1x16xf32>,
          %get3A_388 = arith.index_cast %scan3A_357 : i32 to index
          %get3A_389 = arith.constant 48 : index
          %get3A_390 = tpu.vector_load %arg10[%get3A_388, %get3A_389] {strides = array<i32>} : memref<64x512xf32, #tpu.memory_space<vmem>>, vector<1x16xf32>,
          %get3A_391 = vector.shape_cast %get3A_390 : vector<1x16xf32> to vector<16xf32>
          %add3A_392 = arith.addf %get3A_391, %get3A_189 : vector<16xf32>
          %swap3A_393 = arith.index_cast %scan3A_357 : i32 to index
          %swap3A_394 = arith.constant 48 : index
          %swap3A_395 = tpu.vector_load %arg10[%swap3A_393, %swap3A_394] {strides = array<i32>} : memref<64x512xf32, #tpu.memory_space<vmem>>, vector<1x16xf32>,
          %swap3A_396 = vector.shape_cast %swap3A_395 : vector<1x16xf32> to vector<16xf32>
          %swap3A_397 = vector.shape_cast %add3A_392 : vector<16xf32> to vector<1x16xf32>
          tpu.vector_store %arg10[%swap3A_393, %swap3A_394], %swap3A_397 {strides = array<i32>} : memref<64x512xf32, #tpu.memory_space<vmem>>, vector<1x16xf32>,
          %get3A_398 = arith.index_cast %scan3A_357 : i32 to index
          %get3A_399 = arith.constant 64 : index
          %get3A_400 = tpu.vector_load %arg10[%get3A_398, %get3A_399] {strides = array<i32>} : memref<64x512xf32, #tpu.memory_space<vmem>>, vector<1x16xf32>,
          %get3A_401 = vector.shape_cast %get3A_400 : vector<1x16xf32> to vector<16xf32>
          %add3A_402 = arith.addf %get3A_401, %get3A_193 : vector<16xf32>
          %swap3A_403 = arith.index_cast %scan3A_357 : i32 to index
          %swap3A_404 = arith.constant 64 : index
          %swap3A_405 = tpu.vector_load %arg10[%swap3A_403, %swap3A_404] {strides = array<i32>} : memref<64x512xf32, #tpu.memory_space<vmem>>, vector<1x16xf32>,
          %swap3A_406 = vector.shape_cast %swap3A_405 : vector<1x16xf32> to vector<16xf32>
          %swap3A_407 = vector.shape_cast %add3A_402 : vector<16xf32> to vector<1x16xf32>
          tpu.vector_store %arg10[%swap3A_403, %swap3A_404], %swap3A_407 {strides = array<i32>} : memref<64x512xf32, #tpu.memory_space<vmem>>, vector<1x16xf32>,
          %get3A_408 = arith.index_cast %scan3A_357 : i32 to index
          %get3A_409 = arith.constant 80 : index
          %get3A_410 = tpu.vector_load %arg10[%get3A_408, %get3A_409] {strides = array<i32>} : memref<64x512xf32, #tpu.memory_space<vmem>>, vector<1x16xf32>,
          %get3A_411 = vector.shape_cast %get3A_410 : vector<1x16xf32> to vector<16xf32>
          %add3A_412 = arith.addf %get3A_411, %get3A_197 : vector<16xf32>
          %swap3A_413 = arith.index_cast %scan3A_357 : i32 to index
          %swap3A_414 = arith.constant 80 : index
          %swap3A_415 = tpu.vector_load %arg10[%swap3A_413, %swap3A_414] {strides = array<i32>} : memref<64x512xf32, #tpu.memory_space<vmem>>, vector<1x16xf32>,
          %swap3A_416 = vector.shape_cast %swap3A_415 : vector<1x16xf32> to vector<16xf32>
          %swap3A_417 = vector.shape_cast %add3A_412 : vector<16xf32> to vector<1x16xf32>
          tpu.vector_store %arg10[%swap3A_413, %swap3A_414], %swap3A_417 {strides = array<i32>} : memref<64x512xf32, #tpu.memory_space<vmem>>, vector<1x16xf32>,
          %get3A_418 = arith.index_cast %scan3A_357 : i32 to index
          %get3A_419 = arith.constant 96 : index
          %get3A_420 = tpu.vector_load %arg10[%get3A_418, %get3A_419] {strides = array<i32>} : memref<64x512xf32, #tpu.memory_space<vmem>>, vector<1x16xf32>,
          %get3A_421 = vector.shape_cast %get3A_420 : vector<1x16xf32> to vector<16xf32>
          %add3A_422 = arith.addf %get3A_421, %get3A_201 : vector<16xf32>
          %swap3A_423 = arith.index_cast %scan3A_357 : i32 to index
          %swap3A_424 = arith.constant 96 : index
          %swap3A_425 = tpu.vector_load %arg10[%swap3A_423, %swap3A_424] {strides = array<i32>} : memref<64x512xf32, #tpu.memory_space<vmem>>, vector<1x16xf32>,
          %swap3A_426 = vector.shape_cast %swap3A_425 : vector<1x16xf32> to vector<16xf32>
          %swap3A_427 = vector.shape_cast %add3A_422 : vector<16xf32> to vector<1x16xf32>
          tpu.vector_store %arg10[%swap3A_423, %swap3A_424], %swap3A_427 {strides = array<i32>} : memref<64x512xf32, #tpu.memory_space<vmem>>, vector<1x16xf32>,
          %get3A_428 = arith.index_cast %scan3A_357 : i32 to index
          %get3A_429 = arith.constant 112 : index
          %get3A_430 = tpu.vector_load %arg10[%get3A_428, %get3A_429] {strides = array<i32>} : memref<64x512xf32, #tpu.memory_space<vmem>>, vector<1x16xf32>,
          %get3A_431 = vector.shape_cast %get3A_430 : vector<1x16xf32> to vector<16xf32>
          %add3A_432 = arith.addf %get3A_431, %get3A_205 : vector<16xf32>
          %swap3A_433 = arith.index_cast %scan3A_357 : i32 to index
          %swap3A_434 = arith.constant 112 : index
          %swap3A_435 = tpu.vector_load %arg10[%swap3A_433, %swap3A_434] {strides = array<i32>} : memref<64x512xf32, #tpu.memory_space<vmem>>, vector<1x16xf32>,
          %swap3A_436 = vector.shape_cast %swap3A_435 : vector<1x16xf32> to vector<16xf32>
          %swap3A_437 = vector.shape_cast %add3A_432 : vector<16xf32> to vector<1x16xf32>
          tpu.vector_store %arg10[%swap3A_433, %swap3A_434], %swap3A_437 {strides = array<i32>} : memref<64x512xf32, #tpu.memory_space<vmem>>, vector<1x16xf32>,
          %get3A_438 = arith.index_cast %scan3A_357 : i32 to index
          %get3A_439 = arith.constant 128 : index
          %get3A_440 = tpu.vector_load %arg10[%get3A_438, %get3A_439] {strides = array<i32>} : memref<64x512xf32, #tpu.memory_space<vmem>>, vector<1x16xf32>,
          %get3A_441 = vector.shape_cast %get3A_440 : vector<1x16xf32> to vector<16xf32>
          %add3A_442 = arith.addf %get3A_441, %get3A_209 : vector<16xf32>
          %swap3A_443 = arith.index_cast %scan3A_357 : i32 to index
          %swap3A_444 = arith.constant 128 : index
          %swap3A_445 = tpu.vector_load %arg10[%swap3A_443, %swap3A_444] {strides = array<i32>} : memref<64x512xf32, #tpu.memory_space<vmem>>, vector<1x16xf32>,
          %swap3A_446 = vector.shape_cast %swap3A_445 : vector<1x16xf32> to vector<16xf32>
          %swap3A_447 = vector.shape_cast %add3A_442 : vector<16xf32> to vector<1x16xf32>
          tpu.vector_store %arg10[%swap3A_443, %swap3A_444], %swap3A_447 {strides = array<i32>} : memref<64x512xf32, #tpu.memory_space<vmem>>, vector<1x16xf32>,
          %get3A_448 = arith.index_cast %scan3A_357 : i32 to index
          %get3A_449 = arith.constant 144 : index
          %get3A_450 = tpu.vector_load %arg10[%get3A_448, %get3A_449] {strides = array<i32>} : memref<64x512xf32, #tpu.memory_space<vmem>>, vector<1x16xf32>,
          %get3A_451 = vector.shape_cast %get3A_450 : vector<1x16xf32> to vector<16xf32>
          %add3A_452 = arith.addf %get3A_451, %get3A_213 : vector<16xf32>
          %swap3A_453 = arith.index_cast %scan3A_357 : i32 to index
          %swap3A_454 = arith.constant 144 : index
          %swap3A_455 = tpu.vector_load %arg10[%swap3A_453, %swap3A_454] {strides = array<i32>} : memref<64x512xf32, #tpu.memory_space<vmem>>, vector<1x16xf32>,
          %swap3A_456 = vector.shape_cast %swap3A_455 : vector<1x16xf32> to vector<16xf32>
          %swap3A_457 = vector.shape_cast %add3A_452 : vector<16xf32> to vector<1x16xf32>
          tpu.vector_store %arg10[%swap3A_453, %swap3A_454], %swap3A_457 {strides = array<i32>} : memref<64x512xf32, #tpu.memory_space<vmem>>, vector<1x16xf32>,
          %get3A_458 = arith.index_cast %scan3A_357 : i32 to index
          %get3A_459 = arith.constant 160 : index
          %get3A_460 = tpu.vector_load %arg10[%get3A_458, %get3A_459] {strides = array<i32>} : memref<64x512xf32, #tpu.memory_space<vmem>>, vector<1x16xf32>,
          %get3A_461 = vector.shape_cast %get3A_460 : vector<1x16xf32> to vector<16xf32>
          %add3A_462 = arith.addf %get3A_461, %get3A_217 : vector<16xf32>
          %swap3A_463 = arith.index_cast %scan3A_357 : i32 to index
          %swap3A_464 = arith.constant 160 : index
          %swap3A_465 = tpu.vector_load %arg10[%swap3A_463, %swap3A_464] {strides = array<i32>} : memref<64x512xf32, #tpu.memory_space<vmem>>, vector<1x16xf32>,
          %swap3A_466 = vector.shape_cast %swap3A_465 : vector<1x16xf32> to vector<16xf32>
          %swap3A_467 = vector.shape_cast %add3A_462 : vector<16xf32> to vector<1x16xf32>
          tpu.vector_store %arg10[%swap3A_463, %swap3A_464], %swap3A_467 {strides = array<i32>} : memref<64x512xf32, #tpu.memory_space<vmem>>, vector<1x16xf32>,
          %get3A_468 = arith.index_cast %scan3A_357 : i32 to index
          %get3A_469 = arith.constant 176 : index
          %get3A_470 = tpu.vector_load %arg10[%get3A_468, %get3A_469] {strides = array<i32>} : memref<64x512xf32, #tpu.memory_space<vmem>>, vector<1x16xf32>,
          %get3A_471 = vector.shape_cast %get3A_470 : vector<1x16xf32> to vector<16xf32>
          %add3A_472 = arith.addf %get3A_471, %get3A_221 : vector<16xf32>
          %swap3A_473 = arith.index_cast %scan3A_357 : i32 to index
          %swap3A_474 = arith.constant 176 : index
          %swap3A_475 = tpu.vector_load %arg10[%swap3A_473, %swap3A_474] {strides = array<i32>} : memref<64x512xf32, #tpu.memory_space<vmem>>, vector<1x16xf32>,
          %swap3A_476 = vector.shape_cast %swap3A_475 : vector<1x16xf32> to vector<16xf32>
          %swap3A_477 = vector.shape_cast %add3A_472 : vector<16xf32> to vector<1x16xf32>
          tpu.vector_store %arg10[%swap3A_473, %swap3A_474], %swap3A_477 {strides = array<i32>} : memref<64x512xf32, #tpu.memory_space<vmem>>, vector<1x16xf32>,
          %get3A_478 = arith.index_cast %scan3A_357 : i32 to index
          %get3A_479 = arith.constant 192 : index
          %get3A_480 = tpu.vector_load %arg10[%get3A_478, %get3A_479] {strides = array<i32>} : memref<64x512xf32, #tpu.memory_space<vmem>>, vector<1x16xf32>,
          %get3A_481 = vector.shape_cast %get3A_480 : vector<1x16xf32> to vector<16xf32>
          %add3A_482 = arith.addf %get3A_481, %get3A_225 : vector<16xf32>
          %swap3A_483 = arith.index_cast %scan3A_357 : i32 to index
          %swap3A_484 = arith.constant 192 : index
          %swap3A_485 = tpu.vector_load %arg10[%swap3A_483, %swap3A_484] {strides = array<i32>} : memref<64x512xf32, #tpu.memory_space<vmem>>, vector<1x16xf32>,
          %swap3A_486 = vector.shape_cast %swap3A_485 : vector<1x16xf32> to vector<16xf32>
          %swap3A_487 = vector.shape_cast %add3A_482 : vector<16xf32> to vector<1x16xf32>
          tpu.vector_store %arg10[%swap3A_483, %swap3A_484], %swap3A_487 {strides = array<i32>} : memref<64x512xf32, #tpu.memory_space<vmem>>, vector<1x16xf32>,
          %get3A_488 = arith.index_cast %scan3A_357 : i32 to index
          %get3A_489 = arith.constant 208 : index
          %get3A_490 = tpu.vector_load %arg10[%get3A_488, %get3A_489] {strides = array<i32>} : memref<64x512xf32, #tpu.memory_space<vmem>>, vector<1x16xf32>,
          %get3A_491 = vector.shape_cast %get3A_490 : vector<1x16xf32> to vector<16xf32>
          %add3A_492 = arith.addf %get3A_491, %get3A_229 : vector<16xf32>
          %swap3A_493 = arith.index_cast %scan3A_357 : i32 to index
          %swap3A_494 = arith.constant 208 : index
          %swap3A_495 = tpu.vector_load %arg10[%swap3A_493, %swap3A_494] {strides = array<i32>} : memref<64x512xf32, #tpu.memory_space<vmem>>, vector<1x16xf32>,
          %swap3A_496 = vector.shape_cast %swap3A_495 : vector<1x16xf32> to vector<16xf32>
          %swap3A_497 = vector.shape_cast %add3A_492 : vector<16xf32> to vector<1x16xf32>
          tpu.vector_store %arg10[%swap3A_493, %swap3A_494], %swap3A_497 {strides = array<i32>} : memref<64x512xf32, #tpu.memory_space<vmem>>, vector<1x16xf32>,
          %get3A_498 = arith.index_cast %scan3A_357 : i32 to index
          %get3A_499 = arith.constant 224 : index
          %get3A_500 = tpu.vector_load %arg10[%get3A_498, %get3A_499] {strides = array<i32>} : memref<64x512xf32, #tpu.memory_space<vmem>>, vector<1x16xf32>,
          %get3A_501 = vector.shape_cast %get3A_500 : vector<1x16xf32> to vector<16xf32>
          %add3A_502 = arith.addf %get3A_501, %get3A_233 : vector<16xf32>
          %swap3A_503 = arith.index_cast %scan3A_357 : i32 to index
          %swap3A_504 = arith.constant 224 : index
          %swap3A_505 = tpu.vector_load %arg10[%swap3A_503, %swap3A_504] {strides = array<i32>} : memref<64x512xf32, #tpu.memory_space<vmem>>, vector<1x16xf32>,
          %swap3A_506 = vector.shape_cast %swap3A_505 : vector<1x16xf32> to vector<16xf32>
          %swap3A_507 = vector.shape_cast %add3A_502 : vector<16xf32> to vector<1x16xf32>
          tpu.vector_store %arg10[%swap3A_503, %swap3A_504], %swap3A_507 {strides = array<i32>} : memref<64x512xf32, #tpu.memory_space<vmem>>, vector<1x16xf32>,
          %get3A_508 = arith.index_cast %scan3A_357 : i32 to index
          %get3A_509 = arith.constant 240 : index
          %get3A_510 = tpu.vector_load %arg10[%get3A_508, %get3A_509] {strides = array<i32>} : memref<64x512xf32, #tpu.memory_space<vmem>>, vector<1x16xf32>,
          %get3A_511 = vector.shape_cast %get3A_510 : vector<1x16xf32> to vector<16xf32>
          %add3A_512 = arith.addf %get3A_511, %get3A_237 : vector<16xf32>
          %swap3A_513 = arith.index_cast %scan3A_357 : i32 to index
          %swap3A_514 = arith.constant 240 : index
          %swap3A_515 = tpu.vector_load %arg10[%swap3A_513, %swap3A_514] {strides = array<i32>} : memref<64x512xf32, #tpu.memory_space<vmem>>, vector<1x16xf32>,
          %swap3A_516 = vector.shape_cast %swap3A_515 : vector<1x16xf32> to vector<16xf32>
          %swap3A_517 = vector.shape_cast %add3A_512 : vector<16xf32> to vector<1x16xf32>
          tpu.vector_store %arg10[%swap3A_513, %swap3A_514], %swap3A_517 {strides = array<i32>} : memref<64x512xf32, #tpu.memory_space<vmem>>, vector<1x16xf32>,
          %get3A_518 = arith.index_cast %scan3A_357 : i32 to index
          %get3A_519 = arith.constant 256 : index
          %get3A_520 = tpu.vector_load %arg10[%get3A_518, %get3A_519] {strides = array<i32>} : memref<64x512xf32, #tpu.memory_space<vmem>>, vector<1x16xf32>,
          %get3A_521 = vector.shape_cast %get3A_520 : vector<1x16xf32> to vector<16xf32>
          %add3A_522 = arith.addf %get3A_521, %get3A_241 : vector<16xf32>
          %swap3A_523 = arith.index_cast %scan3A_357 : i32 to index
          %swap3A_524 = arith.constant 256 : index
          %swap3A_525 = tpu.vector_load %arg10[%swap3A_523, %swap3A_524] {strides = array<i32>} : memref<64x512xf32, #tpu.memory_space<vmem>>, vector<1x16xf32>,
          %swap3A_526 = vector.shape_cast %swap3A_525 : vector<1x16xf32> to vector<16xf32>
          %swap3A_527 = vector.shape_cast %add3A_522 : vector<16xf32> to vector<1x16xf32>
          tpu.vector_store %arg10[%swap3A_523, %swap3A_524], %swap3A_527 {strides = array<i32>} : memref<64x512xf32, #tpu.memory_space<vmem>>, vector<1x16xf32>,
          %get3A_528 = arith.index_cast %scan3A_357 : i32 to index
          %get3A_529 = arith.constant 272 : index
          %get3A_530 = tpu.vector_load %arg10[%get3A_528, %get3A_529] {strides = array<i32>} : memref<64x512xf32, #tpu.memory_space<vmem>>, vector<1x16xf32>,
          %get3A_531 = vector.shape_cast %get3A_530 : vector<1x16xf32> to vector<16xf32>
          %add3A_532 = arith.addf %get3A_531, %get3A_245 : vector<16xf32>
          %swap3A_533 = arith.index_cast %scan3A_357 : i32 to index
          %swap3A_534 = arith.constant 272 : index
          %swap3A_535 = tpu.vector_load %arg10[%swap3A_533, %swap3A_534] {strides = array<i32>} : memref<64x512xf32, #tpu.memory_space<vmem>>, vector<1x16xf32>,
          %swap3A_536 = vector.shape_cast %swap3A_535 : vector<1x16xf32> to vector<16xf32>
          %swap3A_537 = vector.shape_cast %add3A_532 : vector<16xf32> to vector<1x16xf32>
          tpu.vector_store %arg10[%swap3A_533, %swap3A_534], %swap3A_537 {strides = array<i32>} : memref<64x512xf32, #tpu.memory_space<vmem>>, vector<1x16xf32>,
          %get3A_538 = arith.index_cast %scan3A_357 : i32 to index
          %get3A_539 = arith.constant 288 : index
          %get3A_540 = tpu.vector_load %arg10[%get3A_538, %get3A_539] {strides = array<i32>} : memref<64x512xf32, #tpu.memory_space<vmem>>, vector<1x16xf32>,
          %get3A_541 = vector.shape_cast %get3A_540 : vector<1x16xf32> to vector<16xf32>
          %add3A_542 = arith.addf %get3A_541, %get3A_249 : vector<16xf32>
          %swap3A_543 = arith.index_cast %scan3A_357 : i32 to index
          %swap3A_544 = arith.constant 288 : index
          %swap3A_545 = tpu.vector_load %arg10[%swap3A_543, %swap3A_544] {strides = array<i32>} : memref<64x512xf32, #tpu.memory_space<vmem>>, vector<1x16xf32>,
          %swap3A_546 = vector.shape_cast %swap3A_545 : vector<1x16xf32> to vector<16xf32>
          %swap3A_547 = vector.shape_cast %add3A_542 : vector<16xf32> to vector<1x16xf32>
          tpu.vector_store %arg10[%swap3A_543, %swap3A_544], %swap3A_547 {strides = array<i32>} : memref<64x512xf32, #tpu.memory_space<vmem>>, vector<1x16xf32>,
          %get3A_548 = arith.index_cast %scan3A_357 : i32 to index
          %get3A_549 = arith.constant 304 : index
          %get3A_550 = tpu.vector_load %arg10[%get3A_548, %get3A_549] {strides = array<i32>} : memref<64x512xf32, #tpu.memory_space<vmem>>, vector<1x16xf32>,
          %get3A_551 = vector.shape_cast %get3A_550 : vector<1x16xf32> to vector<16xf32>
          %add3A_552 = arith.addf %get3A_551, %get3A_253 : vector<16xf32>
          %swap3A_553 = arith.index_cast %scan3A_357 : i32 to index
          %swap3A_554 = arith.constant 304 : index
          %swap3A_555 = tpu.vector_load %arg10[%swap3A_553, %swap3A_554] {strides = array<i32>} : memref<64x512xf32, #tpu.memory_space<vmem>>, vector<1x16xf32>,
          %swap3A_556 = vector.shape_cast %swap3A_555 : vector<1x16xf32> to vector<16xf32>
          %swap3A_557 = vector.shape_cast %add3A_552 : vector<16xf32> to vector<1x16xf32>
          tpu.vector_store %arg10[%swap3A_553, %swap3A_554], %swap3A_557 {strides = array<i32>} : memref<64x512xf32, #tpu.memory_space<vmem>>, vector<1x16xf32>,
          %get3A_558 = arith.index_cast %scan3A_357 : i32 to index
          %get3A_559 = arith.constant 320 : index
          %get3A_560 = tpu.vector_load %arg10[%get3A_558, %get3A_559] {strides = array<i32>} : memref<64x512xf32, #tpu.memory_space<vmem>>, vector<1x16xf32>,
          %get3A_561 = vector.shape_cast %get3A_560 : vector<1x16xf32> to vector<16xf32>
          %add3A_562 = arith.addf %get3A_561, %get3A_257 : vector<16xf32>
          %swap3A_563 = arith.index_cast %scan3A_357 : i32 to index
          %swap3A_564 = arith.constant 320 : index
          %swap3A_565 = tpu.vector_load %arg10[%swap3A_563, %swap3A_564] {strides = array<i32>} : memref<64x512xf32, #tpu.memory_space<vmem>>, vector<1x16xf32>,
          %swap3A_566 = vector.shape_cast %swap3A_565 : vector<1x16xf32> to vector<16xf32>
          %swap3A_567 = vector.shape_cast %add3A_562 : vector<16xf32> to vector<1x16xf32>
          tpu.vector_store %arg10[%swap3A_563, %swap3A_564], %swap3A_567 {strides = array<i32>} : memref<64x512xf32, #tpu.memory_space<vmem>>, vector<1x16xf32>,
          %get3A_568 = arith.index_cast %scan3A_357 : i32 to index
          %get3A_569 = arith.constant 336 : index
          %get3A_570 = tpu.vector_load %arg10[%get3A_568, %get3A_569] {strides = array<i32>} : memref<64x512xf32, #tpu.memory_space<vmem>>, vector<1x16xf32>,
          %get3A_571 = vector.shape_cast %get3A_570 : vector<1x16xf32> to vector<16xf32>
          %add3A_572 = arith.addf %get3A_571, %get3A_261 : vector<16xf32>
          %swap3A_573 = arith.index_cast %scan3A_357 : i32 to index
          %swap3A_574 = arith.constant 336 : index
          %swap3A_575 = tpu.vector_load %arg10[%swap3A_573, %swap3A_574] {strides = array<i32>} : memref<64x512xf32, #tpu.memory_space<vmem>>, vector<1x16xf32>,
          %swap3A_576 = vector.shape_cast %swap3A_575 : vector<1x16xf32> to vector<16xf32>
          %swap3A_577 = vector.shape_cast %add3A_572 : vector<16xf32> to vector<1x16xf32>
          tpu.vector_store %arg10[%swap3A_573, %swap3A_574], %swap3A_577 {strides = array<i32>} : memref<64x512xf32, #tpu.memory_space<vmem>>, vector<1x16xf32>,
          %get3A_578 = arith.index_cast %scan3A_357 : i32 to index
          %get3A_579 = arith.constant 352 : index
          %get3A_580 = tpu.vector_load %arg10[%get3A_578, %get3A_579] {strides = array<i32>} : memref<64x512xf32, #tpu.memory_space<vmem>>, vector<1x16xf32>,
          %get3A_581 = vector.shape_cast %get3A_580 : vector<1x16xf32> to vector<16xf32>
          %add3A_582 = arith.addf %get3A_581, %get3A_265 : vector<16xf32>
          %swap3A_583 = arith.index_cast %scan3A_357 : i32 to index
          %swap3A_584 = arith.constant 352 : index
          %swap3A_585 = tpu.vector_load %arg10[%swap3A_583, %swap3A_584] {strides = array<i32>} : memref<64x512xf32, #tpu.memory_space<vmem>>, vector<1x16xf32>,
          %swap3A_586 = vector.shape_cast %swap3A_585 : vector<1x16xf32> to vector<16xf32>
          %swap3A_587 = vector.shape_cast %add3A_582 : vector<16xf32> to vector<1x16xf32>
          tpu.vector_store %arg10[%swap3A_583, %swap3A_584], %swap3A_587 {strides = array<i32>} : memref<64x512xf32, #tpu.memory_space<vmem>>, vector<1x16xf32>,
          %get3A_588 = arith.index_cast %scan3A_357 : i32 to index
          %get3A_589 = arith.constant 368 : index
          %get3A_590 = tpu.vector_load %arg10[%get3A_588, %get3A_589] {strides = array<i32>} : memref<64x512xf32, #tpu.memory_space<vmem>>, vector<1x16xf32>,
          %get3A_591 = vector.shape_cast %get3A_590 : vector<1x16xf32> to vector<16xf32>
          %add3A_592 = arith.addf %get3A_591, %get3A_269 : vector<16xf32>
          %swap3A_593 = arith.index_cast %scan3A_357 : i32 to index
          %swap3A_594 = arith.constant 368 : index
          %swap3A_595 = tpu.vector_load %arg10[%swap3A_593, %swap3A_594] {strides = array<i32>} : memref<64x512xf32, #tpu.memory_space<vmem>>, vector<1x16xf32>,
          %swap3A_596 = vector.shape_cast %swap3A_595 : vector<1x16xf32> to vector<16xf32>
          %swap3A_597 = vector.shape_cast %add3A_592 : vector<16xf32> to vector<1x16xf32>
          tpu.vector_store %arg10[%swap3A_593, %swap3A_594], %swap3A_597 {strides = array<i32>} : memref<64x512xf32, #tpu.memory_space<vmem>>, vector<1x16xf32>,
          %get3A_598 = arith.index_cast %scan3A_357 : i32 to index
          %get3A_599 = arith.constant 384 : index
          %get3A_600 = tpu.vector_load %arg10[%get3A_598, %get3A_599] {strides = array<i32>} : memref<64x512xf32, #tpu.memory_space<vmem>>, vector<1x16xf32>,
          %get3A_601 = vector.shape_cast %get3A_600 : vector<1x16xf32> to vector<16xf32>
          %add3A_602 = arith.addf %get3A_601, %get3A_273 : vector<16xf32>
          %swap3A_603 = arith.index_cast %scan3A_357 : i32 to index
          %swap3A_604 = arith.constant 384 : index
          %swap3A_605 = tpu.vector_load %arg10[%swap3A_603, %swap3A_604] {strides = array<i32>} : memref<64x512xf32, #tpu.memory_space<vmem>>, vector<1x16xf32>,
          %swap3A_606 = vector.shape_cast %swap3A_605 : vector<1x16xf32> to vector<16xf32>
          %swap3A_607 = vector.shape_cast %add3A_602 : vector<16xf32> to vector<1x16xf32>
          tpu.vector_store %arg10[%swap3A_603, %swap3A_604], %swap3A_607 {strides = array<i32>} : memref<64x512xf32, #tpu.memory_space<vmem>>, vector<1x16xf32>,
          %get3A_608 = arith.index_cast %scan3A_357 : i32 to index
          %get3A_609 = arith.constant 400 : index
          %get3A_610 = tpu.vector_load %arg10[%get3A_608, %get3A_609] {strides = array<i32>} : memref<64x512xf32, #tpu.memory_space<vmem>>, vector<1x16xf32>,
          %get3A_611 = vector.shape_cast %get3A_610 : vector<1x16xf32> to vector<16xf32>
          %add3A_612 = arith.addf %get3A_611, %get3A_277 : vector<16xf32>
          %swap3A_613 = arith.index_cast %scan3A_357 : i32 to index
          %swap3A_614 = arith.constant 400 : index
          %swap3A_615 = tpu.vector_load %arg10[%swap3A_613, %swap3A_614] {strides = array<i32>} : memref<64x512xf32, #tpu.memory_space<vmem>>, vector<1x16xf32>,
          %swap3A_616 = vector.shape_cast %swap3A_615 : vector<1x16xf32> to vector<16xf32>
          %swap3A_617 = vector.shape_cast %add3A_612 : vector<16xf32> to vector<1x16xf32>
          tpu.vector_store %arg10[%swap3A_613, %swap3A_614], %swap3A_617 {strides = array<i32>} : memref<64x512xf32, #tpu.memory_space<vmem>>, vector<1x16xf32>,
          %get3A_618 = arith.index_cast %scan3A_357 : i32 to index
          %get3A_619 = arith.constant 416 : index
          %get3A_620 = tpu.vector_load %arg10[%get3A_618, %get3A_619] {strides = array<i32>} : memref<64x512xf32, #tpu.memory_space<vmem>>, vector<1x16xf32>,
          %get3A_621 = vector.shape_cast %get3A_620 : vector<1x16xf32> to vector<16xf32>
          %add3A_622 = arith.addf %get3A_621, %get3A_281 : vector<16xf32>
          %swap3A_623 = arith.index_cast %scan3A_357 : i32 to index
          %swap3A_624 = arith.constant 416 : index
          %swap3A_625 = tpu.vector_load %arg10[%swap3A_623, %swap3A_624] {strides = array<i32>} : memref<64x512xf32, #tpu.memory_space<vmem>>, vector<1x16xf32>,
          %swap3A_626 = vector.shape_cast %swap3A_625 : vector<1x16xf32> to vector<16xf32>
          %swap3A_627 = vector.shape_cast %add3A_622 : vector<16xf32> to vector<1x16xf32>
          tpu.vector_store %arg10[%swap3A_623, %swap3A_624], %swap3A_627 {strides = array<i32>} : memref<64x512xf32, #tpu.memory_space<vmem>>, vector<1x16xf32>,
          %get3A_628 = arith.index_cast %scan3A_357 : i32 to index
          %get3A_629 = arith.constant 432 : index
          %get3A_630 = tpu.vector_load %arg10[%get3A_628, %get3A_629] {strides = array<i32>} : memref<64x512xf32, #tpu.memory_space<vmem>>, vector<1x16xf32>,
          %get3A_631 = vector.shape_cast %get3A_630 : vector<1x16xf32> to vector<16xf32>
          %add3A_632 = arith.addf %get3A_631, %get3A_285 : vector<16xf32>
          %swap3A_633 = arith.index_cast %scan3A_357 : i32 to index
          %swap3A_634 = arith.constant 432 : index
          %swap3A_635 = tpu.vector_load %arg10[%swap3A_633, %swap3A_634] {strides = array<i32>} : memref<64x512xf32, #tpu.memory_space<vmem>>, vector<1x16xf32>,
          %swap3A_636 = vector.shape_cast %swap3A_635 : vector<1x16xf32> to vector<16xf32>
          %swap3A_637 = vector.shape_cast %add3A_632 : vector<16xf32> to vector<1x16xf32>
          tpu.vector_store %arg10[%swap3A_633, %swap3A_634], %swap3A_637 {strides = array<i32>} : memref<64x512xf32, #tpu.memory_space<vmem>>, vector<1x16xf32>,
          %get3A_638 = arith.index_cast %scan3A_357 : i32 to index
          %get3A_639 = arith.constant 448 : index
          %get3A_640 = tpu.vector_load %arg10[%get3A_638, %get3A_639] {strides = array<i32>} : memref<64x512xf32, #tpu.memory_space<vmem>>, vector<1x16xf32>,
          %get3A_641 = vector.shape_cast %get3A_640 : vector<1x16xf32> to vector<16xf32>
          %add3A_642 = arith.addf %get3A_641, %get3A_289 : vector<16xf32>
          %swap3A_643 = arith.index_cast %scan3A_357 : i32 to index
          %swap3A_644 = arith.constant 448 : index
          %swap3A_645 = tpu.vector_load %arg10[%swap3A_643, %swap3A_644] {strides = array<i32>} : memref<64x512xf32, #tpu.memory_space<vmem>>, vector<1x16xf32>,
          %swap3A_646 = vector.shape_cast %swap3A_645 : vector<1x16xf32> to vector<16xf32>
          %swap3A_647 = vector.shape_cast %add3A_642 : vector<16xf32> to vector<1x16xf32>
          tpu.vector_store %arg10[%swap3A_643, %swap3A_644], %swap3A_647 {strides = array<i32>} : memref<64x512xf32, #tpu.memory_space<vmem>>, vector<1x16xf32>,
          %get3A_648 = arith.index_cast %scan3A_357 : i32 to index
          %get3A_649 = arith.constant 464 : index
          %get3A_650 = tpu.vector_load %arg10[%get3A_648, %get3A_649] {strides = array<i32>} : memref<64x512xf32, #tpu.memory_space<vmem>>, vector<1x16xf32>,
          %get3A_651 = vector.shape_cast %get3A_650 : vector<1x16xf32> to vector<16xf32>
          %add3A_652 = arith.addf %get3A_651, %get3A_293 : vector<16xf32>
          %swap3A_653 = arith.index_cast %scan3A_357 : i32 to index
          %swap3A_654 = arith.constant 464 : index
          %swap3A_655 = tpu.vector_load %arg10[%swap3A_653, %swap3A_654] {strides = array<i32>} : memref<64x512xf32, #tpu.memory_space<vmem>>, vector<1x16xf32>,
          %swap3A_656 = vector.shape_cast %swap3A_655 : vector<1x16xf32> to vector<16xf32>
          %swap3A_657 = vector.shape_cast %add3A_652 : vector<16xf32> to vector<1x16xf32>
          tpu.vector_store %arg10[%swap3A_653, %swap3A_654], %swap3A_657 {strides = array<i32>} : memref<64x512xf32, #tpu.memory_space<vmem>>, vector<1x16xf32>,
          %get3A_658 = arith.index_cast %scan3A_357 : i32 to index
          %get3A_659 = arith.constant 480 : index
          %get3A_660 = tpu.vector_load %arg10[%get3A_658, %get3A_659] {strides = array<i32>} : memref<64x512xf32, #tpu.memory_space<vmem>>, vector<1x16xf32>,
          %get3A_661 = vector.shape_cast %get3A_660 : vector<1x16xf32> to vector<16xf32>
          %add3A_662 = arith.addf %get3A_661, %get3A_297 : vector<16xf32>
          %swap3A_663 = arith.index_cast %scan3A_357 : i32 to index
          %swap3A_664 = arith.constant 480 : index
          %swap3A_665 = tpu.vector_load %arg10[%swap3A_663, %swap3A_664] {strides = array<i32>} : memref<64x512xf32, #tpu.memory_space<vmem>>, vector<1x16xf32>,
          %swap3A_666 = vector.shape_cast %swap3A_665 : vector<1x16xf32> to vector<16xf32>
          %swap3A_667 = vector.shape_cast %add3A_662 : vector<16xf32> to vector<1x16xf32>
          tpu.vector_store %arg10[%swap3A_663, %swap3A_664], %swap3A_667 {strides = array<i32>} : memref<64x512xf32, #tpu.memory_space<vmem>>, vector<1x16xf32>,
          %get3A_668 = arith.index_cast %scan3A_357 : i32 to index
          %get3A_669 = arith.constant 496 : index
          %get3A_670 = tpu.vector_load %arg10[%get3A_668, %get3A_669] {strides = array<i32>} : memref<64x512xf32, #tpu.memory_space<vmem>>, vector<1x16xf32>,
          %get3A_671 = vector.shape_cast %get3A_670 : vector<1x16xf32> to vector<16xf32>
          %add3A_672 = arith.addf %get3A_671, %get3A_301 : vector<16xf32>
          %swap3A_673 = arith.index_cast %scan3A_357 : i32 to index
          %swap3A_674 = arith.constant 496 : index
          %swap3A_675 = tpu.vector_load %arg10[%swap3A_673, %swap3A_674] {strides = array<i32>} : memref<64x512xf32, #tpu.memory_space<vmem>>, vector<1x16xf32>,
          %swap3A_676 = vector.shape_cast %swap3A_675 : vector<1x16xf32> to vector<16xf32>
          %swap3A_677 = vector.shape_cast %add3A_672 : vector<16xf32> to vector<1x16xf32>
          tpu.vector_store %arg10[%swap3A_673, %swap3A_674], %swap3A_677 {strides = array<i32>} : memref<64x512xf32, #tpu.memory_space<vmem>>, vector<1x16xf32>,
          %scan3A_678 = arith.constant 0 : i32
          scf.yield %scan3A_678 : i32
        }
        %scan3A_308 = arith.constant 64 : i32
        %jit3A_309 = arith.constant 16 : i32
        %eq3A_310 = arith.constant 0 : i32
        %eq3A_311 = arith.cmpi eq, %jit3A_309, %eq3A_310 : i32
        %jit3A_312 = arith.constant 1 : i32
        %select_n3A_313 = arith.select %eq3A_311, %jit3A_312, %jit3A_309 : i32
        %rem3A_314 = arith.remsi %sub3A_110, %select_n3A_313 : i32
        %ne3A_315 = arith.constant 0 : i32
        %ne3A_316 = arith.cmpi ne, %rem3A_314, %ne3A_315 : i32
        %lt3A_317 = arith.constant 0 : i32
        %lt3A_318 = arith.cmpi slt, %rem3A_314, %lt3A_317 : i32
        %lt3A_319 = arith.constant 0 : i32
        %lt3A_320 = arith.cmpi slt, %select_n3A_313, %lt3A_319 : i32
        %ne3A_321 = arith.xori %lt3A_318, %lt3A_320 : i1
        %and3A_322 = arith.andi %ne3A_321, %ne3A_316 : i1
        %add3A_323 = arith.addi %rem3A_314, %select_n3A_313 : i32
        %select_n3A_324 = arith.select %and3A_322, %add3A_323, %rem3A_314 : i32
        %mul3A_325 = arith.constant 64 : i32
        %mul3A_326 = arith.muli %select_n3A_324, %mul3A_325 : i32
        %jit3A_327 = arith.constant 16 : i32
        %div3A_328 = arith.divsi %sub3A_110, %jit3A_327 : i32
        %sign3A_329 = arith.constant 0 : i32
        %sign3A_330 = arith.cmpi sgt, %sub3A_110, %sign3A_329 : i32
        %sign3A_331 = arith.extui %sign3A_330 : i1 to i32
        %sign3A_332 = arith.constant 0 : i32
        %sign3A_333 = arith.cmpi slt, %sub3A_110, %sign3A_332 : i32
        %sign3A_334 = arith.extui %sign3A_333 : i1 to i32
        %sign3A_335 = arith.subi %sign3A_331, %sign3A_334 : i32
        %sign3A_336 = arith.constant 0 : i32
        %sign3A_337 = arith.cmpi sgt, %jit3A_327, %sign3A_336 : i32
        %sign3A_338 = arith.extui %sign3A_337 : i1 to i32
        %sign3A_339 = arith.constant 0 : i32
        %sign3A_340 = arith.cmpi slt, %jit3A_327, %sign3A_339 : i32
        %sign3A_341 = arith.extui %sign3A_340 : i1 to i32
        %sign3A_342 = arith.subi %sign3A_338, %sign3A_341 : i32
        %ne3A_343 = arith.cmpi ne, %sign3A_335, %sign3A_342 : i32
        %rem3A_344 = arith.remsi %sub3A_110, %jit3A_327 : i32
        %ne3A_345 = arith.constant 0 : i32
        %ne3A_346 = arith.cmpi ne, %rem3A_344, %ne3A_345 : i32
        %and3A_347 = arith.andi %ne3A_343, %ne3A_346 : i1
        %sub3A_348 = arith.constant 1 : i32
        %sub3A_349 = arith.subi %div3A_328, %sub3A_348 : i32
        %select_n3A_350 = arith.select %and3A_347, %sub3A_349, %div3A_328 : i32
        %add3A_351 = arith.addi %mul3A_2, %select_n3A_350 : i32
        %dma_start3A = arith.constant 0 : i32
        %dma_start3A_352 = tpu.memref_slice %arg5[%mul3A_326, %add3A_351, %dma_start3A] : memref<1024x256x512xf32, #tpu.memory_space<hbm>> -> memref<64x1x512xf32, #tpu.memory_space<hbm>>
        %dma_start3A_353 = tpu.memref_squeeze %dma_start3A_352 : memref<64x1x512xf32, #tpu.memory_space<hbm>> -> memref<64x512xf32, #tpu.memory_space<hbm>>
        %dma_start3A_354 = arith.constant 0 : i32
        %dma_start3A_355 = tpu.memref_slice %arg5[%mul3A_326, %add3A_351, %dma_start3A_354] : memref<1024x256x512xf32, #tpu.memory_space<hbm>> -> memref<64x1x512xf32, #tpu.memory_space<hbm>>
        %dma_start3A_356 = tpu.memref_squeeze %dma_start3A_355 : memref<64x1x512xf32, #tpu.memory_space<hbm>> -> memref<64x512xf32, #tpu.memory_space<hbm>>
        tpu.enqueue_dma source(%arg10 : memref<64x512xf32, #tpu.memory_space<vmem>>) target(%dma_start3A_356 : memref<64x512xf32, #tpu.memory_space<hbm>>) target_semaphore(%arg16 : memref<!tpu.dma_semaphore, #tpu.memory_space<semaphore_mem>>)
      } else {
      }
      %mul3A_59 = arith.constant 3 : i32
      %mul3A_60 = arith.muli %scan3A_38, %mul3A_59 : i32
      %add3A_61 = arith.constant 1 : i32
      %add3A_62 = arith.addi %mul3A_60, %add3A_61 : i32
      %ge3A_63 = arith.constant 3 : i32
      %ge3A_64 = arith.cmpi sge, %add3A_62, %ge3A_63 : i32
      %lt3A_65 = arith.constant 128 : i32
      %lt3A_66 = arith.cmpi slt, %add3A_62, %lt3A_65 : i32
      %and3A_67 = arith.andi %ge3A_64, %lt3A_66 : i1
      %convert_element_type3A_68 = arith.extui %and3A_67 : i1 to i32
      %cond3A_69 = arith.constant 0 : i32
      %cond3A_70 = arith.cmpi ne, %convert_element_type3A_68, %cond3A_69 : i32
      scf.if %cond3A_70 {
        %sub3A = arith.constant 3 : i32
        %sub3A_110 = arith.subi %add3A_62, %sub3A : i32
        %jit3A = arith.constant 16 : i32
        %eq3A = arith.constant 0 : i32
        %eq3A_111 = arith.cmpi eq, %jit3A, %eq3A : i32
        %jit3A_112 = arith.constant 1 : i32
        %select_n3A = arith.select %eq3A_111, %jit3A_112, %jit3A : i32
        %rem3A = arith.remsi %sub3A_110, %select_n3A : i32
        %ne3A = arith.constant 0 : i32
        %ne3A_113 = arith.cmpi ne, %rem3A, %ne3A : i32
        %lt3A_114 = arith.constant 0 : i32
        %lt3A_115 = arith.cmpi slt, %rem3A, %lt3A_114 : i32
        %lt3A_116 = arith.constant 0 : i32
        %lt3A_117 = arith.cmpi slt, %select_n3A, %lt3A_116 : i32
        %ne3A_118 = arith.xori %lt3A_115, %lt3A_117 : i1
        %and3A_119 = arith.andi %ne3A_118, %ne3A_113 : i1
        %add3A_120 = arith.addi %rem3A, %select_n3A : i32
        %select_n3A_121 = arith.select %and3A_119, %add3A_120, %rem3A : i32
        %mul3A_122 = arith.constant 64 : i32
        %mul3A_123 = arith.muli %select_n3A_121, %mul3A_122 : i32
        %jit3A_124 = arith.constant 16 : i32
        %div3A = arith.divsi %sub3A_110, %jit3A_124 : i32
        %sign3A = arith.constant 0 : i32
        %sign3A_125 = arith.cmpi sgt, %sub3A_110, %sign3A : i32
        %sign3A_126 = arith.extui %sign3A_125 : i1 to i32
        %sign3A_127 = arith.constant 0 : i32
        %sign3A_128 = arith.cmpi slt, %sub3A_110, %sign3A_127 : i32
        %sign3A_129 = arith.extui %sign3A_128 : i1 to i32
        %sign3A_130 = arith.subi %sign3A_126, %sign3A_129 : i32
        %sign3A_131 = arith.constant 0 : i32
        %sign3A_132 = arith.cmpi sgt, %jit3A_124, %sign3A_131 : i32
        %sign3A_133 = arith.extui %sign3A_132 : i1 to i32
        %sign3A_134 = arith.constant 0 : i32
        %sign3A_135 = arith.cmpi slt, %jit3A_124, %sign3A_134 : i32
        %sign3A_136 = arith.extui %sign3A_135 : i1 to i32
        %sign3A_137 = arith.subi %sign3A_133, %sign3A_136 : i32
        %ne3A_138 = arith.cmpi ne, %sign3A_130, %sign3A_137 : i32
        %rem3A_139 = arith.remsi %sub3A_110, %jit3A_124 : i32
        %ne3A_140 = arith.constant 0 : i32
        %ne3A_141 = arith.cmpi ne, %rem3A_139, %ne3A_140 : i32
        %and3A_142 = arith.andi %ne3A_138, %ne3A_141 : i1
        %sub3A_143 = arith.constant 1 : i32
        %sub3A_144 = arith.subi %div3A, %sub3A_143 : i32
        %select_n3A_145 = arith.select %and3A_142, %sub3A_144, %div3A : i32
        %add3A_146 = arith.addi %mul3A_2, %select_n3A_145 : i32
        %dma_wait3A_147 = arith.constant 0 : i32
        %dma_wait3A_148 = tpu.memref_slice %arg5[%mul3A_123, %add3A_146, %dma_wait3A_147] : memref<1024x256x512xf32, #tpu.memory_space<hbm>> -> memref<64x1x512xf32, #tpu.memory_space<hbm>>
        %dma_wait3A_149 = tpu.memref_squeeze %dma_wait3A_148 : memref<64x1x512xf32, #tpu.memory_space<hbm>> -> memref<64x512xf32, #tpu.memory_space<hbm>>
        %dma_wait3A_150 = arith.constant 0 : i32
        %dma_wait3A_151 = tpu.memref_slice %arg5[%mul3A_123, %add3A_146, %dma_wait3A_150] : memref<1024x256x512xf32, #tpu.memory_space<hbm>> -> memref<64x1x512xf32, #tpu.memory_space<hbm>>
        %dma_wait3A_152 = tpu.memref_squeeze %dma_wait3A_151 : memref<64x1x512xf32, #tpu.memory_space<hbm>> -> memref<64x512xf32, #tpu.memory_space<hbm>>
        tpu.wait_dma2 semaphore(%arg15 : memref<!tpu.dma_semaphore, #tpu.memory_space<semaphore_mem>>) src(%arg9 : memref<64x512xf32, #tpu.memory_space<vmem>>) dst(%dma_wait3A_152 : memref<64x512xf32, #tpu.memory_space<hbm>>)
      } else {
      }
      %lt3A_71 = arith.constant 128 : i32
      %lt3A_72 = arith.cmpi slt, %add3A_62, %lt3A_71 : i32
      %convert_element_type3A_73 = arith.extui %lt3A_72 : i1 to i32
      %cond3A_74 = arith.constant 0 : i32
      %cond3A_75 = arith.cmpi ne, %convert_element_type3A_73, %cond3A_74 : i32
      scf.if %cond3A_75 {
        %jit3A = arith.constant 16 : i32
        %div3A = arith.divsi %add3A_62, %jit3A : i32
        %sign3A = arith.constant 0 : i32
        %sign3A_110 = arith.cmpi sgt, %add3A_62, %sign3A : i32
        %sign3A_111 = arith.extui %sign3A_110 : i1 to i32
        %sign3A_112 = arith.constant 0 : i32
        %sign3A_113 = arith.cmpi slt, %add3A_62, %sign3A_112 : i32
        %sign3A_114 = arith.extui %sign3A_113 : i1 to i32
        %sign3A_115 = arith.subi %sign3A_111, %sign3A_114 : i32
        %sign3A_116 = arith.constant 0 : i32
        %sign3A_117 = arith.cmpi sgt, %jit3A, %sign3A_116 : i32
        %sign3A_118 = arith.extui %sign3A_117 : i1 to i32
        %sign3A_119 = arith.constant 0 : i32
        %sign3A_120 = arith.cmpi slt, %jit3A, %sign3A_119 : i32
        %sign3A_121 = arith.extui %sign3A_120 : i1 to i32
        %sign3A_122 = arith.subi %sign3A_118, %sign3A_121 : i32
        %ne3A = arith.cmpi ne, %sign3A_115, %sign3A_122 : i32
        %rem3A = arith.remsi %add3A_62, %jit3A : i32
        %ne3A_123 = arith.constant 0 : i32
        %ne3A_124 = arith.cmpi ne, %rem3A, %ne3A_123 : i32
        %and3A_125 = arith.andi %ne3A, %ne3A_124 : i1
        %sub3A = arith.constant 1 : i32
        %sub3A_126 = arith.subi %div3A, %sub3A : i32
        %select_n3A = arith.select %and3A_125, %sub3A_126, %div3A : i32
        %jit3A_127 = arith.constant 16 : i32
        %eq3A = arith.constant 0 : i32
        %eq3A_128 = arith.cmpi eq, %jit3A_127, %eq3A : i32
        %jit3A_129 = arith.constant 1 : i32
        %select_n3A_130 = arith.select %eq3A_128, %jit3A_129, %jit3A_127 : i32
        %rem3A_131 = arith.remsi %add3A_62, %select_n3A_130 : i32
        %ne3A_132 = arith.constant 0 : i32
        %ne3A_133 = arith.cmpi ne, %rem3A_131, %ne3A_132 : i32
        %lt3A_134 = arith.constant 0 : i32
        %lt3A_135 = arith.cmpi slt, %rem3A_131, %lt3A_134 : i32
        %lt3A_136 = arith.constant 0 : i32
        %lt3A_137 = arith.cmpi slt, %select_n3A_130, %lt3A_136 : i32
        %ne3A_138 = arith.xori %lt3A_135, %lt3A_137 : i1
        %and3A_139 = arith.andi %ne3A_138, %ne3A_133 : i1
        %add3A_140 = arith.addi %rem3A_131, %select_n3A_130 : i32
        %select_n3A_141 = arith.select %and3A_139, %add3A_140, %rem3A_131 : i32
        %mul3A_142 = arith.constant 64 : i32
        %mul3A_143 = arith.muli %select_n3A_141, %mul3A_142 : i32
        %dma_start3A = tpu.memref_slice %arg6[%select_n3A, %mul3A_143] : memref<8x1024xi32, #tpu.memory_space<vmem>> -> memref<1x64xi32, #tpu.memory_space<vmem>>
        %dma_start3A_144 = tpu.memref_squeeze %dma_start3A : memref<1x64xi32, #tpu.memory_space<vmem>> -> memref<64xi32, #tpu.memory_space<vmem>>
        %dma_start3A_145 = arith.constant 0 : i32
        %dma_start3A_146 = arith.constant 0 : i32
        %dma_start3A_147 = tpu.memref_slice %arg3[%dma_start3A_145, %dma_start3A_146] : memref<100000x512xf32, #tpu.memory_space<hbm>> -> memref<100000x512xf32, #tpu.memory_space<hbm>>
        tpu.enqueue_indirect_dma source(%dma_start3A_147 : memref<100000x512xf32, #tpu.memory_space<hbm>>) target(%arg9 : memref<64x512xf32, #tpu.memory_space<vmem>>) offsets(%dma_start3A_144 : memref<64xi32, #tpu.memory_space<vmem>>) semaphore(%arg12 : memref<!tpu.dma_semaphore, #tpu.memory_space<semaphore_mem>>)
      } else {
      }
      %ge3A_76 = arith.constant 1 : i32
      %ge3A_77 = arith.cmpi sge, %add3A_62, %ge3A_76 : i32
      %le3A_78 = arith.constant 128 : i32
      %le3A_79 = arith.cmpi sle, %add3A_62, %le3A_78 : i32
      %and3A_80 = arith.andi %ge3A_77, %le3A_79 : i1
      %convert_element_type3A_81 = arith.extui %and3A_80 : i1 to i32
      %cond3A_82 = arith.constant 0 : i32
      %cond3A_83 = arith.cmpi ne, %convert_element_type3A_81, %cond3A_82 : i32
      scf.if %cond3A_83 {
        %sub3A = arith.constant 1 : i32
        %sub3A_110 = arith.subi %add3A_62, %sub3A : i32
        %jit3A = arith.constant 16 : i32
        %div3A = arith.divsi %sub3A_110, %jit3A : i32
        %sign3A = arith.constant 0 : i32
        %sign3A_111 = arith.cmpi sgt, %sub3A_110, %sign3A : i32
        %sign3A_112 = arith.extui %sign3A_111 : i1 to i32
        %sign3A_113 = arith.constant 0 : i32
        %sign3A_114 = arith.cmpi slt, %sub3A_110, %sign3A_113 : i32
        %sign3A_115 = arith.extui %sign3A_114 : i1 to i32
        %sign3A_116 = arith.subi %sign3A_112, %sign3A_115 : i32
        %sign3A_117 = arith.constant 0 : i32
        %sign3A_118 = arith.cmpi sgt, %jit3A, %sign3A_117 : i32
        %sign3A_119 = arith.extui %sign3A_118 : i1 to i32
        %sign3A_120 = arith.constant 0 : i32
        %sign3A_121 = arith.cmpi slt, %jit3A, %sign3A_120 : i32
        %sign3A_122 = arith.extui %sign3A_121 : i1 to i32
        %sign3A_123 = arith.subi %sign3A_119, %sign3A_122 : i32
        %ne3A = arith.cmpi ne, %sign3A_116, %sign3A_123 : i32
        %rem3A = arith.remsi %sub3A_110, %jit3A : i32
        %ne3A_124 = arith.constant 0 : i32
        %ne3A_125 = arith.cmpi ne, %rem3A, %ne3A_124 : i32
        %and3A_126 = arith.andi %ne3A, %ne3A_125 : i1
        %sub3A_127 = arith.constant 1 : i32
        %sub3A_128 = arith.subi %div3A, %sub3A_127 : i32
        %select_n3A = arith.select %and3A_126, %sub3A_128, %div3A : i32
        %jit3A_129 = arith.constant 16 : i32
        %eq3A = arith.constant 0 : i32
        %eq3A_130 = arith.cmpi eq, %jit3A_129, %eq3A : i32
        %jit3A_131 = arith.constant 1 : i32
        %select_n3A_132 = arith.select %eq3A_130, %jit3A_131, %jit3A_129 : i32
        %rem3A_133 = arith.remsi %sub3A_110, %select_n3A_132 : i32
        %ne3A_134 = arith.constant 0 : i32
        %ne3A_135 = arith.cmpi ne, %rem3A_133, %ne3A_134 : i32
        %lt3A_136 = arith.constant 0 : i32
        %lt3A_137 = arith.cmpi slt, %rem3A_133, %lt3A_136 : i32
        %lt3A_138 = arith.constant 0 : i32
        %lt3A_139 = arith.cmpi slt, %select_n3A_132, %lt3A_138 : i32
        %ne3A_140 = arith.xori %lt3A_137, %lt3A_139 : i1
        %and3A_141 = arith.andi %ne3A_140, %ne3A_135 : i1
        %add3A_142 = arith.addi %rem3A_133, %select_n3A_132 : i32
        %select_n3A_143 = arith.select %and3A_141, %add3A_142, %rem3A_133 : i32
        %mul3A_144 = arith.constant 64 : i32
        %mul3A_145 = arith.muli %select_n3A_143, %mul3A_144 : i32
        %dma_wait3A_146 = tpu.memref_slice %arg6[%select_n3A, %mul3A_145] : memref<8x1024xi32, #tpu.memory_space<vmem>> -> memref<1x64xi32, #tpu.memory_space<vmem>>
        %dma_wait3A_147 = tpu.memref_squeeze %dma_wait3A_146 : memref<1x64xi32, #tpu.memory_space<vmem>> -> memref<64xi32, #tpu.memory_space<vmem>>
        %dma_wait3A_148 = arith.constant 0 : i32
        %dma_wait3A_149 = arith.constant 0 : i32
        %dma_wait3A_150 = tpu.memref_slice %arg3[%dma_wait3A_148, %dma_wait3A_149] : memref<100000x512xf32, #tpu.memory_space<hbm>> -> memref<100000x512xf32, #tpu.memory_space<hbm>>
        tpu.wait_indirect_dma semaphore(%arg11 : memref<!tpu.dma_semaphore, #tpu.memory_space<semaphore_mem>>) src(%dma_wait3A_150 : memref<100000x512xf32, #tpu.memory_space<hbm>>) dst(%arg8 : memref<64x512xf32, #tpu.memory_space<vmem>>)
        %jit3A_151 = arith.constant 16 : i32
        %div3A_152 = arith.divsi %sub3A_110, %jit3A_151 : i32
        %sign3A_153 = arith.constant 0 : i32
        %sign3A_154 = arith.cmpi sgt, %sub3A_110, %sign3A_153 : i32
        %sign3A_155 = arith.extui %sign3A_154 : i1 to i32
        %sign3A_156 = arith.constant 0 : i32
        %sign3A_157 = arith.cmpi slt, %sub3A_110, %sign3A_156 : i32
        %sign3A_158 = arith.extui %sign3A_157 : i1 to i32
        %sign3A_159 = arith.subi %sign3A_155, %sign3A_158 : i32
        %sign3A_160 = arith.constant 0 : i32
        %sign3A_161 = arith.cmpi sgt, %jit3A_151, %sign3A_160 : i32
        %sign3A_162 = arith.extui %sign3A_161 : i1 to i32
        %sign3A_163 = arith.constant 0 : i32
        %sign3A_164 = arith.cmpi slt, %jit3A_151, %sign3A_163 : i32
        %sign3A_165 = arith.extui %sign3A_164 : i1 to i32
        %sign3A_166 = arith.subi %sign3A_162, %sign3A_165 : i32
        %ne3A_167 = arith.cmpi ne, %sign3A_159, %sign3A_166 : i32
        %rem3A_168 = arith.remsi %sub3A_110, %jit3A_151 : i32
        %ne3A_169 = arith.constant 0 : i32
        %ne3A_170 = arith.cmpi ne, %rem3A_168, %ne3A_169 : i32
        %and3A_171 = arith.andi %ne3A_167, %ne3A_170 : i1
        %sub3A_172 = arith.constant 1 : i32
        %sub3A_173 = arith.subi %div3A_152, %sub3A_172 : i32
        %select_n3A_174 = arith.select %and3A_171, %sub3A_173, %div3A_152 : i32
        %get3A = arith.index_cast %select_n3A_174 : i32 to index
        %get3A_175 = arith.constant 0 : index
        %get3A_176 = tpu.vector_load %arg7[%get3A, %get3A_175] {strides = array<i32>} : memref<8x512xf32, #tpu.memory_space<vmem>>, vector<1x16xf32>,
        %get3A_177 = vector.shape_cast %get3A_176 : vector<1x16xf32> to vector<16xf32>
        %get3A_178 = arith.index_cast %select_n3A_174 : i32 to index
        %get3A_179 = arith.constant 16 : index
        %get3A_180 = tpu.vector_load %arg7[%get3A_178, %get3A_179] {strides = array<i32>} : memref<8x512xf32, #tpu.memory_space<vmem>>, vector<1x16xf32>,
        %get3A_181 = vector.shape_cast %get3A_180 : vector<1x16xf32> to vector<16xf32>
        %get3A_182 = arith.index_cast %select_n3A_174 : i32 to index
        %get3A_183 = arith.constant 32 : index
        %get3A_184 = tpu.vector_load %arg7[%get3A_182, %get3A_183] {strides = array<i32>} : memref<8x512xf32, #tpu.memory_space<vmem>>, vector<1x16xf32>,
        %get3A_185 = vector.shape_cast %get3A_184 : vector<1x16xf32> to vector<16xf32>
        %get3A_186 = arith.index_cast %select_n3A_174 : i32 to index
        %get3A_187 = arith.constant 48 : index
        %get3A_188 = tpu.vector_load %arg7[%get3A_186, %get3A_187] {strides = array<i32>} : memref<8x512xf32, #tpu.memory_space<vmem>>, vector<1x16xf32>,
        %get3A_189 = vector.shape_cast %get3A_188 : vector<1x16xf32> to vector<16xf32>
        %get3A_190 = arith.index_cast %select_n3A_174 : i32 to index
        %get3A_191 = arith.constant 64 : index
        %get3A_192 = tpu.vector_load %arg7[%get3A_190, %get3A_191] {strides = array<i32>} : memref<8x512xf32, #tpu.memory_space<vmem>>, vector<1x16xf32>,
        %get3A_193 = vector.shape_cast %get3A_192 : vector<1x16xf32> to vector<16xf32>
        %get3A_194 = arith.index_cast %select_n3A_174 : i32 to index
        %get3A_195 = arith.constant 80 : index
        %get3A_196 = tpu.vector_load %arg7[%get3A_194, %get3A_195] {strides = array<i32>} : memref<8x512xf32, #tpu.memory_space<vmem>>, vector<1x16xf32>,
        %get3A_197 = vector.shape_cast %get3A_196 : vector<1x16xf32> to vector<16xf32>
        %get3A_198 = arith.index_cast %select_n3A_174 : i32 to index
        %get3A_199 = arith.constant 96 : index
        %get3A_200 = tpu.vector_load %arg7[%get3A_198, %get3A_199] {strides = array<i32>} : memref<8x512xf32, #tpu.memory_space<vmem>>, vector<1x16xf32>,
        %get3A_201 = vector.shape_cast %get3A_200 : vector<1x16xf32> to vector<16xf32>
        %get3A_202 = arith.index_cast %select_n3A_174 : i32 to index
        %get3A_203 = arith.constant 112 : index
        %get3A_204 = tpu.vector_load %arg7[%get3A_202, %get3A_203] {strides = array<i32>} : memref<8x512xf32, #tpu.memory_space<vmem>>, vector<1x16xf32>,
        %get3A_205 = vector.shape_cast %get3A_204 : vector<1x16xf32> to vector<16xf32>
        %get3A_206 = arith.index_cast %select_n3A_174 : i32 to index
        %get3A_207 = arith.constant 128 : index
        %get3A_208 = tpu.vector_load %arg7[%get3A_206, %get3A_207] {strides = array<i32>} : memref<8x512xf32, #tpu.memory_space<vmem>>, vector<1x16xf32>,
        %get3A_209 = vector.shape_cast %get3A_208 : vector<1x16xf32> to vector<16xf32>
        %get3A_210 = arith.index_cast %select_n3A_174 : i32 to index
        %get3A_211 = arith.constant 144 : index
        %get3A_212 = tpu.vector_load %arg7[%get3A_210, %get3A_211] {strides = array<i32>} : memref<8x512xf32, #tpu.memory_space<vmem>>, vector<1x16xf32>,
        %get3A_213 = vector.shape_cast %get3A_212 : vector<1x16xf32> to vector<16xf32>
        %get3A_214 = arith.index_cast %select_n3A_174 : i32 to index
        %get3A_215 = arith.constant 160 : index
        %get3A_216 = tpu.vector_load %arg7[%get3A_214, %get3A_215] {strides = array<i32>} : memref<8x512xf32, #tpu.memory_space<vmem>>, vector<1x16xf32>,
        %get3A_217 = vector.shape_cast %get3A_216 : vector<1x16xf32> to vector<16xf32>
        %get3A_218 = arith.index_cast %select_n3A_174 : i32 to index
        %get3A_219 = arith.constant 176 : index
        %get3A_220 = tpu.vector_load %arg7[%get3A_218, %get3A_219] {strides = array<i32>} : memref<8x512xf32, #tpu.memory_space<vmem>>, vector<1x16xf32>,
        %get3A_221 = vector.shape_cast %get3A_220 : vector<1x16xf32> to vector<16xf32>
        %get3A_222 = arith.index_cast %select_n3A_174 : i32 to index
        %get3A_223 = arith.constant 192 : index
        %get3A_224 = tpu.vector_load %arg7[%get3A_222, %get3A_223] {strides = array<i32>} : memref<8x512xf32, #tpu.memory_space<vmem>>, vector<1x16xf32>,
        %get3A_225 = vector.shape_cast %get3A_224 : vector<1x16xf32> to vector<16xf32>
        %get3A_226 = arith.index_cast %select_n3A_174 : i32 to index
        %get3A_227 = arith.constant 208 : index
        %get3A_228 = tpu.vector_load %arg7[%get3A_226, %get3A_227] {strides = array<i32>} : memref<8x512xf32, #tpu.memory_space<vmem>>, vector<1x16xf32>,
        %get3A_229 = vector.shape_cast %get3A_228 : vector<1x16xf32> to vector<16xf32>
        %get3A_230 = arith.index_cast %select_n3A_174 : i32 to index
        %get3A_231 = arith.constant 224 : index
        %get3A_232 = tpu.vector_load %arg7[%get3A_230, %get3A_231] {strides = array<i32>} : memref<8x512xf32, #tpu.memory_space<vmem>>, vector<1x16xf32>,
        %get3A_233 = vector.shape_cast %get3A_232 : vector<1x16xf32> to vector<16xf32>
        %get3A_234 = arith.index_cast %select_n3A_174 : i32 to index
        %get3A_235 = arith.constant 240 : index
        %get3A_236 = tpu.vector_load %arg7[%get3A_234, %get3A_235] {strides = array<i32>} : memref<8x512xf32, #tpu.memory_space<vmem>>, vector<1x16xf32>,
        %get3A_237 = vector.shape_cast %get3A_236 : vector<1x16xf32> to vector<16xf32>
        %get3A_238 = arith.index_cast %select_n3A_174 : i32 to index
        %get3A_239 = arith.constant 256 : index
        %get3A_240 = tpu.vector_load %arg7[%get3A_238, %get3A_239] {strides = array<i32>} : memref<8x512xf32, #tpu.memory_space<vmem>>, vector<1x16xf32>,
        %get3A_241 = vector.shape_cast %get3A_240 : vector<1x16xf32> to vector<16xf32>
        %get3A_242 = arith.index_cast %select_n3A_174 : i32 to index
        %get3A_243 = arith.constant 272 : index
        %get3A_244 = tpu.vector_load %arg7[%get3A_242, %get3A_243] {strides = array<i32>} : memref<8x512xf32, #tpu.memory_space<vmem>>, vector<1x16xf32>,
        %get3A_245 = vector.shape_cast %get3A_244 : vector<1x16xf32> to vector<16xf32>
        %get3A_246 = arith.index_cast %select_n3A_174 : i32 to index
        %get3A_247 = arith.constant 288 : index
        %get3A_248 = tpu.vector_load %arg7[%get3A_246, %get3A_247] {strides = array<i32>} : memref<8x512xf32, #tpu.memory_space<vmem>>, vector<1x16xf32>,
        %get3A_249 = vector.shape_cast %get3A_248 : vector<1x16xf32> to vector<16xf32>
        %get3A_250 = arith.index_cast %select_n3A_174 : i32 to index
        %get3A_251 = arith.constant 304 : index
        %get3A_252 = tpu.vector_load %arg7[%get3A_250, %get3A_251] {strides = array<i32>} : memref<8x512xf32, #tpu.memory_space<vmem>>, vector<1x16xf32>,
        %get3A_253 = vector.shape_cast %get3A_252 : vector<1x16xf32> to vector<16xf32>
        %get3A_254 = arith.index_cast %select_n3A_174 : i32 to index
        %get3A_255 = arith.constant 320 : index
        %get3A_256 = tpu.vector_load %arg7[%get3A_254, %get3A_255] {strides = array<i32>} : memref<8x512xf32, #tpu.memory_space<vmem>>, vector<1x16xf32>,
        %get3A_257 = vector.shape_cast %get3A_256 : vector<1x16xf32> to vector<16xf32>
        %get3A_258 = arith.index_cast %select_n3A_174 : i32 to index
        %get3A_259 = arith.constant 336 : index
        %get3A_260 = tpu.vector_load %arg7[%get3A_258, %get3A_259] {strides = array<i32>} : memref<8x512xf32, #tpu.memory_space<vmem>>, vector<1x16xf32>,
        %get3A_261 = vector.shape_cast %get3A_260 : vector<1x16xf32> to vector<16xf32>
        %get3A_262 = arith.index_cast %select_n3A_174 : i32 to index
        %get3A_263 = arith.constant 352 : index
        %get3A_264 = tpu.vector_load %arg7[%get3A_262, %get3A_263] {strides = array<i32>} : memref<8x512xf32, #tpu.memory_space<vmem>>, vector<1x16xf32>,
        %get3A_265 = vector.shape_cast %get3A_264 : vector<1x16xf32> to vector<16xf32>
        %get3A_266 = arith.index_cast %select_n3A_174 : i32 to index
        %get3A_267 = arith.constant 368 : index
        %get3A_268 = tpu.vector_load %arg7[%get3A_266, %get3A_267] {strides = array<i32>} : memref<8x512xf32, #tpu.memory_space<vmem>>, vector<1x16xf32>,
        %get3A_269 = vector.shape_cast %get3A_268 : vector<1x16xf32> to vector<16xf32>
        %get3A_270 = arith.index_cast %select_n3A_174 : i32 to index
        %get3A_271 = arith.constant 384 : index
        %get3A_272 = tpu.vector_load %arg7[%get3A_270, %get3A_271] {strides = array<i32>} : memref<8x512xf32, #tpu.memory_space<vmem>>, vector<1x16xf32>,
        %get3A_273 = vector.shape_cast %get3A_272 : vector<1x16xf32> to vector<16xf32>
        %get3A_274 = arith.index_cast %select_n3A_174 : i32 to index
        %get3A_275 = arith.constant 400 : index
        %get3A_276 = tpu.vector_load %arg7[%get3A_274, %get3A_275] {strides = array<i32>} : memref<8x512xf32, #tpu.memory_space<vmem>>, vector<1x16xf32>,
        %get3A_277 = vector.shape_cast %get3A_276 : vector<1x16xf32> to vector<16xf32>
        %get3A_278 = arith.index_cast %select_n3A_174 : i32 to index
        %get3A_279 = arith.constant 416 : index
        %get3A_280 = tpu.vector_load %arg7[%get3A_278, %get3A_279] {strides = array<i32>} : memref<8x512xf32, #tpu.memory_space<vmem>>, vector<1x16xf32>,
        %get3A_281 = vector.shape_cast %get3A_280 : vector<1x16xf32> to vector<16xf32>
        %get3A_282 = arith.index_cast %select_n3A_174 : i32 to index
        %get3A_283 = arith.constant 432 : index
        %get3A_284 = tpu.vector_load %arg7[%get3A_282, %get3A_283] {strides = array<i32>} : memref<8x512xf32, #tpu.memory_space<vmem>>, vector<1x16xf32>,
        %get3A_285 = vector.shape_cast %get3A_284 : vector<1x16xf32> to vector<16xf32>
        %get3A_286 = arith.index_cast %select_n3A_174 : i32 to index
        %get3A_287 = arith.constant 448 : index
        %get3A_288 = tpu.vector_load %arg7[%get3A_286, %get3A_287] {strides = array<i32>} : memref<8x512xf32, #tpu.memory_space<vmem>>, vector<1x16xf32>,
        %get3A_289 = vector.shape_cast %get3A_288 : vector<1x16xf32> to vector<16xf32>
        %get3A_290 = arith.index_cast %select_n3A_174 : i32 to index
        %get3A_291 = arith.constant 464 : index
        %get3A_292 = tpu.vector_load %arg7[%get3A_290, %get3A_291] {strides = array<i32>} : memref<8x512xf32, #tpu.memory_space<vmem>>, vector<1x16xf32>,
        %get3A_293 = vector.shape_cast %get3A_292 : vector<1x16xf32> to vector<16xf32>
        %get3A_294 = arith.index_cast %select_n3A_174 : i32 to index
        %get3A_295 = arith.constant 480 : index
        %get3A_296 = tpu.vector_load %arg7[%get3A_294, %get3A_295] {strides = array<i32>} : memref<8x512xf32, #tpu.memory_space<vmem>>, vector<1x16xf32>,
        %get3A_297 = vector.shape_cast %get3A_296 : vector<1x16xf32> to vector<16xf32>
        %get3A_298 = arith.index_cast %select_n3A_174 : i32 to index
        %get3A_299 = arith.constant 496 : index
        %get3A_300 = tpu.vector_load %arg7[%get3A_298, %get3A_299] {strides = array<i32>} : memref<8x512xf32, #tpu.memory_space<vmem>>, vector<1x16xf32>,
        %get3A_301 = vector.shape_cast %get3A_300 : vector<1x16xf32> to vector<16xf32>
        %scan3A_302 = arith.constant 0 : i32
        %scan3A_303 = arith.constant 0 : i32
        %scan3A_304 = arith.constant 64 : i32
        %scan3A_305 = arith.addi %scan3A_303, %scan3A_304 : i32
        %scan3A_306 = arith.constant 1 : i32
        %scan3A_307 = scf.for %scan3A_357 = %scan3A_303 to %scan3A_305 step %scan3A_306 iter_args(%scan3A_358 = %scan3A_302) -> (i32)  : i32 {
          %get3A_359 = arith.index_cast %scan3A_357 : i32 to index
          %get3A_360 = arith.constant 0 : index
          %get3A_361 = tpu.vector_load %arg8[%get3A_359, %get3A_360] {strides = array<i32>} : memref<64x512xf32, #tpu.memory_space<vmem>>, vector<1x16xf32>,
          %get3A_362 = vector.shape_cast %get3A_361 : vector<1x16xf32> to vector<16xf32>
          %add3A_363 = arith.addf %get3A_362, %get3A_177 : vector<16xf32>
          %swap3A = arith.index_cast %scan3A_357 : i32 to index
          %swap3A_364 = arith.constant 0 : index
          %swap3A_365 = tpu.vector_load %arg8[%swap3A, %swap3A_364] {strides = array<i32>} : memref<64x512xf32, #tpu.memory_space<vmem>>, vector<1x16xf32>,
          %swap3A_366 = vector.shape_cast %swap3A_365 : vector<1x16xf32> to vector<16xf32>
          %swap3A_367 = vector.shape_cast %add3A_363 : vector<16xf32> to vector<1x16xf32>
          tpu.vector_store %arg8[%swap3A, %swap3A_364], %swap3A_367 {strides = array<i32>} : memref<64x512xf32, #tpu.memory_space<vmem>>, vector<1x16xf32>,
          %get3A_368 = arith.index_cast %scan3A_357 : i32 to index
          %get3A_369 = arith.constant 16 : index
          %get3A_370 = tpu.vector_load %arg8[%get3A_368, %get3A_369] {strides = array<i32>} : memref<64x512xf32, #tpu.memory_space<vmem>>, vector<1x16xf32>,
          %get3A_371 = vector.shape_cast %get3A_370 : vector<1x16xf32> to vector<16xf32>
          %add3A_372 = arith.addf %get3A_371, %get3A_181 : vector<16xf32>
          %swap3A_373 = arith.index_cast %scan3A_357 : i32 to index
          %swap3A_374 = arith.constant 16 : index
          %swap3A_375 = tpu.vector_load %arg8[%swap3A_373, %swap3A_374] {strides = array<i32>} : memref<64x512xf32, #tpu.memory_space<vmem>>, vector<1x16xf32>,
          %swap3A_376 = vector.shape_cast %swap3A_375 : vector<1x16xf32> to vector<16xf32>
          %swap3A_377 = vector.shape_cast %add3A_372 : vector<16xf32> to vector<1x16xf32>
          tpu.vector_store %arg8[%swap3A_373, %swap3A_374], %swap3A_377 {strides = array<i32>} : memref<64x512xf32, #tpu.memory_space<vmem>>, vector<1x16xf32>,
          %get3A_378 = arith.index_cast %scan3A_357 : i32 to index
          %get3A_379 = arith.constant 32 : index
          %get3A_380 = tpu.vector_load %arg8[%get3A_378, %get3A_379] {strides = array<i32>} : memref<64x512xf32, #tpu.memory_space<vmem>>, vector<1x16xf32>,
          %get3A_381 = vector.shape_cast %get3A_380 : vector<1x16xf32> to vector<16xf32>
          %add3A_382 = arith.addf %get3A_381, %get3A_185 : vector<16xf32>
          %swap3A_383 = arith.index_cast %scan3A_357 : i32 to index
          %swap3A_384 = arith.constant 32 : index
          %swap3A_385 = tpu.vector_load %arg8[%swap3A_383, %swap3A_384] {strides = array<i32>} : memref<64x512xf32, #tpu.memory_space<vmem>>, vector<1x16xf32>,
          %swap3A_386 = vector.shape_cast %swap3A_385 : vector<1x16xf32> to vector<16xf32>
          %swap3A_387 = vector.shape_cast %add3A_382 : vector<16xf32> to vector<1x16xf32>
          tpu.vector_store %arg8[%swap3A_383, %swap3A_384], %swap3A_387 {strides = array<i32>} : memref<64x512xf32, #tpu.memory_space<vmem>>, vector<1x16xf32>,
          %get3A_388 = arith.index_cast %scan3A_357 : i32 to index
          %get3A_389 = arith.constant 48 : index
          %get3A_390 = tpu.vector_load %arg8[%get3A_388, %get3A_389] {strides = array<i32>} : memref<64x512xf32, #tpu.memory_space<vmem>>, vector<1x16xf32>,
          %get3A_391 = vector.shape_cast %get3A_390 : vector<1x16xf32> to vector<16xf32>
          %add3A_392 = arith.addf %get3A_391, %get3A_189 : vector<16xf32>
          %swap3A_393 = arith.index_cast %scan3A_357 : i32 to index
          %swap3A_394 = arith.constant 48 : index
          %swap3A_395 = tpu.vector_load %arg8[%swap3A_393, %swap3A_394] {strides = array<i32>} : memref<64x512xf32, #tpu.memory_space<vmem>>, vector<1x16xf32>,
          %swap3A_396 = vector.shape_cast %swap3A_395 : vector<1x16xf32> to vector<16xf32>
          %swap3A_397 = vector.shape_cast %add3A_392 : vector<16xf32> to vector<1x16xf32>
          tpu.vector_store %arg8[%swap3A_393, %swap3A_394], %swap3A_397 {strides = array<i32>} : memref<64x512xf32, #tpu.memory_space<vmem>>, vector<1x16xf32>,
          %get3A_398 = arith.index_cast %scan3A_357 : i32 to index
          %get3A_399 = arith.constant 64 : index
          %get3A_400 = tpu.vector_load %arg8[%get3A_398, %get3A_399] {strides = array<i32>} : memref<64x512xf32, #tpu.memory_space<vmem>>, vector<1x16xf32>,
          %get3A_401 = vector.shape_cast %get3A_400 : vector<1x16xf32> to vector<16xf32>
          %add3A_402 = arith.addf %get3A_401, %get3A_193 : vector<16xf32>
          %swap3A_403 = arith.index_cast %scan3A_357 : i32 to index
          %swap3A_404 = arith.constant 64 : index
          %swap3A_405 = tpu.vector_load %arg8[%swap3A_403, %swap3A_404] {strides = array<i32>} : memref<64x512xf32, #tpu.memory_space<vmem>>, vector<1x16xf32>,
          %swap3A_406 = vector.shape_cast %swap3A_405 : vector<1x16xf32> to vector<16xf32>
          %swap3A_407 = vector.shape_cast %add3A_402 : vector<16xf32> to vector<1x16xf32>
          tpu.vector_store %arg8[%swap3A_403, %swap3A_404], %swap3A_407 {strides = array<i32>} : memref<64x512xf32, #tpu.memory_space<vmem>>, vector<1x16xf32>,
          %get3A_408 = arith.index_cast %scan3A_357 : i32 to index
          %get3A_409 = arith.constant 80 : index
          %get3A_410 = tpu.vector_load %arg8[%get3A_408, %get3A_409] {strides = array<i32>} : memref<64x512xf32, #tpu.memory_space<vmem>>, vector<1x16xf32>,
          %get3A_411 = vector.shape_cast %get3A_410 : vector<1x16xf32> to vector<16xf32>
          %add3A_412 = arith.addf %get3A_411, %get3A_197 : vector<16xf32>
          %swap3A_413 = arith.index_cast %scan3A_357 : i32 to index
          %swap3A_414 = arith.constant 80 : index
          %swap3A_415 = tpu.vector_load %arg8[%swap3A_413, %swap3A_414] {strides = array<i32>} : memref<64x512xf32, #tpu.memory_space<vmem>>, vector<1x16xf32>,
          %swap3A_416 = vector.shape_cast %swap3A_415 : vector<1x16xf32> to vector<16xf32>
          %swap3A_417 = vector.shape_cast %add3A_412 : vector<16xf32> to vector<1x16xf32>
          tpu.vector_store %arg8[%swap3A_413, %swap3A_414], %swap3A_417 {strides = array<i32>} : memref<64x512xf32, #tpu.memory_space<vmem>>, vector<1x16xf32>,
          %get3A_418 = arith.index_cast %scan3A_357 : i32 to index
          %get3A_419 = arith.constant 96 : index
          %get3A_420 = tpu.vector_load %arg8[%get3A_418, %get3A_419] {strides = array<i32>} : memref<64x512xf32, #tpu.memory_space<vmem>>, vector<1x16xf32>,
          %get3A_421 = vector.shape_cast %get3A_420 : vector<1x16xf32> to vector<16xf32>
          %add3A_422 = arith.addf %get3A_421, %get3A_201 : vector<16xf32>
          %swap3A_423 = arith.index_cast %scan3A_357 : i32 to index
          %swap3A_424 = arith.constant 96 : index
          %swap3A_425 = tpu.vector_load %arg8[%swap3A_423, %swap3A_424] {strides = array<i32>} : memref<64x512xf32, #tpu.memory_space<vmem>>, vector<1x16xf32>,
          %swap3A_426 = vector.shape_cast %swap3A_425 : vector<1x16xf32> to vector<16xf32>
          %swap3A_427 = vector.shape_cast %add3A_422 : vector<16xf32> to vector<1x16xf32>
          tpu.vector_store %arg8[%swap3A_423, %swap3A_424], %swap3A_427 {strides = array<i32>} : memref<64x512xf32, #tpu.memory_space<vmem>>, vector<1x16xf32>,
          %get3A_428 = arith.index_cast %scan3A_357 : i32 to index
          %get3A_429 = arith.constant 112 : index
          %get3A_430 = tpu.vector_load %arg8[%get3A_428, %get3A_429] {strides = array<i32>} : memref<64x512xf32, #tpu.memory_space<vmem>>, vector<1x16xf32>,
          %get3A_431 = vector.shape_cast %get3A_430 : vector<1x16xf32> to vector<16xf32>
          %add3A_432 = arith.addf %get3A_431, %get3A_205 : vector<16xf32>
          %swap3A_433 = arith.index_cast %scan3A_357 : i32 to index
          %swap3A_434 = arith.constant 112 : index
          %swap3A_435 = tpu.vector_load %arg8[%swap3A_433, %swap3A_434] {strides = array<i32>} : memref<64x512xf32, #tpu.memory_space<vmem>>, vector<1x16xf32>,
          %swap3A_436 = vector.shape_cast %swap3A_435 : vector<1x16xf32> to vector<16xf32>
          %swap3A_437 = vector.shape_cast %add3A_432 : vector<16xf32> to vector<1x16xf32>
          tpu.vector_store %arg8[%swap3A_433, %swap3A_434], %swap3A_437 {strides = array<i32>} : memref<64x512xf32, #tpu.memory_space<vmem>>, vector<1x16xf32>,
          %get3A_438 = arith.index_cast %scan3A_357 : i32 to index
          %get3A_439 = arith.constant 128 : index
          %get3A_440 = tpu.vector_load %arg8[%get3A_438, %get3A_439] {strides = array<i32>} : memref<64x512xf32, #tpu.memory_space<vmem>>, vector<1x16xf32>,
          %get3A_441 = vector.shape_cast %get3A_440 : vector<1x16xf32> to vector<16xf32>
          %add3A_442 = arith.addf %get3A_441, %get3A_209 : vector<16xf32>
          %swap3A_443 = arith.index_cast %scan3A_357 : i32 to index
          %swap3A_444 = arith.constant 128 : index
          %swap3A_445 = tpu.vector_load %arg8[%swap3A_443, %swap3A_444] {strides = array<i32>} : memref<64x512xf32, #tpu.memory_space<vmem>>, vector<1x16xf32>,
          %swap3A_446 = vector.shape_cast %swap3A_445 : vector<1x16xf32> to vector<16xf32>
          %swap3A_447 = vector.shape_cast %add3A_442 : vector<16xf32> to vector<1x16xf32>
          tpu.vector_store %arg8[%swap3A_443, %swap3A_444], %swap3A_447 {strides = array<i32>} : memref<64x512xf32, #tpu.memory_space<vmem>>, vector<1x16xf32>,
          %get3A_448 = arith.index_cast %scan3A_357 : i32 to index
          %get3A_449 = arith.constant 144 : index
          %get3A_450 = tpu.vector_load %arg8[%get3A_448, %get3A_449] {strides = array<i32>} : memref<64x512xf32, #tpu.memory_space<vmem>>, vector<1x16xf32>,
          %get3A_451 = vector.shape_cast %get3A_450 : vector<1x16xf32> to vector<16xf32>
          %add3A_452 = arith.addf %get3A_451, %get3A_213 : vector<16xf32>
          %swap3A_453 = arith.index_cast %scan3A_357 : i32 to index
          %swap3A_454 = arith.constant 144 : index
          %swap3A_455 = tpu.vector_load %arg8[%swap3A_453, %swap3A_454] {strides = array<i32>} : memref<64x512xf32, #tpu.memory_space<vmem>>, vector<1x16xf32>,
          %swap3A_456 = vector.shape_cast %swap3A_455 : vector<1x16xf32> to vector<16xf32>
          %swap3A_457 = vector.shape_cast %add3A_452 : vector<16xf32> to vector<1x16xf32>
          tpu.vector_store %arg8[%swap3A_453, %swap3A_454], %swap3A_457 {strides = array<i32>} : memref<64x512xf32, #tpu.memory_space<vmem>>, vector<1x16xf32>,
          %get3A_458 = arith.index_cast %scan3A_357 : i32 to index
          %get3A_459 = arith.constant 160 : index
          %get3A_460 = tpu.vector_load %arg8[%get3A_458, %get3A_459] {strides = array<i32>} : memref<64x512xf32, #tpu.memory_space<vmem>>, vector<1x16xf32>,
          %get3A_461 = vector.shape_cast %get3A_460 : vector<1x16xf32> to vector<16xf32>
          %add3A_462 = arith.addf %get3A_461, %get3A_217 : vector<16xf32>
          %swap3A_463 = arith.index_cast %scan3A_357 : i32 to index
          %swap3A_464 = arith.constant 160 : index
          %swap3A_465 = tpu.vector_load %arg8[%swap3A_463, %swap3A_464] {strides = array<i32>} : memref<64x512xf32, #tpu.memory_space<vmem>>, vector<1x16xf32>,
          %swap3A_466 = vector.shape_cast %swap3A_465 : vector<1x16xf32> to vector<16xf32>
          %swap3A_467 = vector.shape_cast %add3A_462 : vector<16xf32> to vector<1x16xf32>
          tpu.vector_store %arg8[%swap3A_463, %swap3A_464], %swap3A_467 {strides = array<i32>} : memref<64x512xf32, #tpu.memory_space<vmem>>, vector<1x16xf32>,
          %get3A_468 = arith.index_cast %scan3A_357 : i32 to index
          %get3A_469 = arith.constant 176 : index
          %get3A_470 = tpu.vector_load %arg8[%get3A_468, %get3A_469] {strides = array<i32>} : memref<64x512xf32, #tpu.memory_space<vmem>>, vector<1x16xf32>,
          %get3A_471 = vector.shape_cast %get3A_470 : vector<1x16xf32> to vector<16xf32>
          %add3A_472 = arith.addf %get3A_471, %get3A_221 : vector<16xf32>
          %swap3A_473 = arith.index_cast %scan3A_357 : i32 to index
          %swap3A_474 = arith.constant 176 : index
          %swap3A_475 = tpu.vector_load %arg8[%swap3A_473, %swap3A_474] {strides = array<i32>} : memref<64x512xf32, #tpu.memory_space<vmem>>, vector<1x16xf32>,
          %swap3A_476 = vector.shape_cast %swap3A_475 : vector<1x16xf32> to vector<16xf32>
          %swap3A_477 = vector.shape_cast %add3A_472 : vector<16xf32> to vector<1x16xf32>
          tpu.vector_store %arg8[%swap3A_473, %swap3A_474], %swap3A_477 {strides = array<i32>} : memref<64x512xf32, #tpu.memory_space<vmem>>, vector<1x16xf32>,
          %get3A_478 = arith.index_cast %scan3A_357 : i32 to index
          %get3A_479 = arith.constant 192 : index
          %get3A_480 = tpu.vector_load %arg8[%get3A_478, %get3A_479] {strides = array<i32>} : memref<64x512xf32, #tpu.memory_space<vmem>>, vector<1x16xf32>,
          %get3A_481 = vector.shape_cast %get3A_480 : vector<1x16xf32> to vector<16xf32>
          %add3A_482 = arith.addf %get3A_481, %get3A_225 : vector<16xf32>
          %swap3A_483 = arith.index_cast %scan3A_357 : i32 to index
          %swap3A_484 = arith.constant 192 : index
          %swap3A_485 = tpu.vector_load %arg8[%swap3A_483, %swap3A_484] {strides = array<i32>} : memref<64x512xf32, #tpu.memory_space<vmem>>, vector<1x16xf32>,
          %swap3A_486 = vector.shape_cast %swap3A_485 : vector<1x16xf32> to vector<16xf32>
          %swap3A_487 = vector.shape_cast %add3A_482 : vector<16xf32> to vector<1x16xf32>
          tpu.vector_store %arg8[%swap3A_483, %swap3A_484], %swap3A_487 {strides = array<i32>} : memref<64x512xf32, #tpu.memory_space<vmem>>, vector<1x16xf32>,
          %get3A_488 = arith.index_cast %scan3A_357 : i32 to index
          %get3A_489 = arith.constant 208 : index
          %get3A_490 = tpu.vector_load %arg8[%get3A_488, %get3A_489] {strides = array<i32>} : memref<64x512xf32, #tpu.memory_space<vmem>>, vector<1x16xf32>,
          %get3A_491 = vector.shape_cast %get3A_490 : vector<1x16xf32> to vector<16xf32>
          %add3A_492 = arith.addf %get3A_491, %get3A_229 : vector<16xf32>
          %swap3A_493 = arith.index_cast %scan3A_357 : i32 to index
          %swap3A_494 = arith.constant 208 : index
          %swap3A_495 = tpu.vector_load %arg8[%swap3A_493, %swap3A_494] {strides = array<i32>} : memref<64x512xf32, #tpu.memory_space<vmem>>, vector<1x16xf32>,
          %swap3A_496 = vector.shape_cast %swap3A_495 : vector<1x16xf32> to vector<16xf32>
          %swap3A_497 = vector.shape_cast %add3A_492 : vector<16xf32> to vector<1x16xf32>
          tpu.vector_store %arg8[%swap3A_493, %swap3A_494], %swap3A_497 {strides = array<i32>} : memref<64x512xf32, #tpu.memory_space<vmem>>, vector<1x16xf32>,
          %get3A_498 = arith.index_cast %scan3A_357 : i32 to index
          %get3A_499 = arith.constant 224 : index
          %get3A_500 = tpu.vector_load %arg8[%get3A_498, %get3A_499] {strides = array<i32>} : memref<64x512xf32, #tpu.memory_space<vmem>>, vector<1x16xf32>,
          %get3A_501 = vector.shape_cast %get3A_500 : vector<1x16xf32> to vector<16xf32>
          %add3A_502 = arith.addf %get3A_501, %get3A_233 : vector<16xf32>
          %swap3A_503 = arith.index_cast %scan3A_357 : i32 to index
          %swap3A_504 = arith.constant 224 : index
          %swap3A_505 = tpu.vector_load %arg8[%swap3A_503, %swap3A_504] {strides = array<i32>} : memref<64x512xf32, #tpu.memory_space<vmem>>, vector<1x16xf32>,
          %swap3A_506 = vector.shape_cast %swap3A_505 : vector<1x16xf32> to vector<16xf32>
          %swap3A_507 = vector.shape_cast %add3A_502 : vector<16xf32> to vector<1x16xf32>
          tpu.vector_store %arg8[%swap3A_503, %swap3A_504], %swap3A_507 {strides = array<i32>} : memref<64x512xf32, #tpu.memory_space<vmem>>, vector<1x16xf32>,
          %get3A_508 = arith.index_cast %scan3A_357 : i32 to index
          %get3A_509 = arith.constant 240 : index
          %get3A_510 = tpu.vector_load %arg8[%get3A_508, %get3A_509] {strides = array<i32>} : memref<64x512xf32, #tpu.memory_space<vmem>>, vector<1x16xf32>,
          %get3A_511 = vector.shape_cast %get3A_510 : vector<1x16xf32> to vector<16xf32>
          %add3A_512 = arith.addf %get3A_511, %get3A_237 : vector<16xf32>
          %swap3A_513 = arith.index_cast %scan3A_357 : i32 to index
          %swap3A_514 = arith.constant 240 : index
          %swap3A_515 = tpu.vector_load %arg8[%swap3A_513, %swap3A_514] {strides = array<i32>} : memref<64x512xf32, #tpu.memory_space<vmem>>, vector<1x16xf32>,
          %swap3A_516 = vector.shape_cast %swap3A_515 : vector<1x16xf32> to vector<16xf32>
          %swap3A_517 = vector.shape_cast %add3A_512 : vector<16xf32> to vector<1x16xf32>
          tpu.vector_store %arg8[%swap3A_513, %swap3A_514], %swap3A_517 {strides = array<i32>} : memref<64x512xf32, #tpu.memory_space<vmem>>, vector<1x16xf32>,
          %get3A_518 = arith.index_cast %scan3A_357 : i32 to index
          %get3A_519 = arith.constant 256 : index
          %get3A_520 = tpu.vector_load %arg8[%get3A_518, %get3A_519] {strides = array<i32>} : memref<64x512xf32, #tpu.memory_space<vmem>>, vector<1x16xf32>,
          %get3A_521 = vector.shape_cast %get3A_520 : vector<1x16xf32> to vector<16xf32>
          %add3A_522 = arith.addf %get3A_521, %get3A_241 : vector<16xf32>
          %swap3A_523 = arith.index_cast %scan3A_357 : i32 to index
          %swap3A_524 = arith.constant 256 : index
          %swap3A_525 = tpu.vector_load %arg8[%swap3A_523, %swap3A_524] {strides = array<i32>} : memref<64x512xf32, #tpu.memory_space<vmem>>, vector<1x16xf32>,
          %swap3A_526 = vector.shape_cast %swap3A_525 : vector<1x16xf32> to vector<16xf32>
          %swap3A_527 = vector.shape_cast %add3A_522 : vector<16xf32> to vector<1x16xf32>
          tpu.vector_store %arg8[%swap3A_523, %swap3A_524], %swap3A_527 {strides = array<i32>} : memref<64x512xf32, #tpu.memory_space<vmem>>, vector<1x16xf32>,
          %get3A_528 = arith.index_cast %scan3A_357 : i32 to index
          %get3A_529 = arith.constant 272 : index
          %get3A_530 = tpu.vector_load %arg8[%get3A_528, %get3A_529] {strides = array<i32>} : memref<64x512xf32, #tpu.memory_space<vmem>>, vector<1x16xf32>,
          %get3A_531 = vector.shape_cast %get3A_530 : vector<1x16xf32> to vector<16xf32>
          %add3A_532 = arith.addf %get3A_531, %get3A_245 : vector<16xf32>
          %swap3A_533 = arith.index_cast %scan3A_357 : i32 to index
          %swap3A_534 = arith.constant 272 : index
          %swap3A_535 = tpu.vector_load %arg8[%swap3A_533, %swap3A_534] {strides = array<i32>} : memref<64x512xf32, #tpu.memory_space<vmem>>, vector<1x16xf32>,
          %swap3A_536 = vector.shape_cast %swap3A_535 : vector<1x16xf32> to vector<16xf32>
          %swap3A_537 = vector.shape_cast %add3A_532 : vector<16xf32> to vector<1x16xf32>
          tpu.vector_store %arg8[%swap3A_533, %swap3A_534], %swap3A_537 {strides = array<i32>} : memref<64x512xf32, #tpu.memory_space<vmem>>, vector<1x16xf32>,
          %get3A_538 = arith.index_cast %scan3A_357 : i32 to index
          %get3A_539 = arith.constant 288 : index
          %get3A_540 = tpu.vector_load %arg8[%get3A_538, %get3A_539] {strides = array<i32>} : memref<64x512xf32, #tpu.memory_space<vmem>>, vector<1x16xf32>,
          %get3A_541 = vector.shape_cast %get3A_540 : vector<1x16xf32> to vector<16xf32>
          %add3A_542 = arith.addf %get3A_541, %get3A_249 : vector<16xf32>
          %swap3A_543 = arith.index_cast %scan3A_357 : i32 to index
          %swap3A_544 = arith.constant 288 : index
          %swap3A_545 = tpu.vector_load %arg8[%swap3A_543, %swap3A_544] {strides = array<i32>} : memref<64x512xf32, #tpu.memory_space<vmem>>, vector<1x16xf32>,
          %swap3A_546 = vector.shape_cast %swap3A_545 : vector<1x16xf32> to vector<16xf32>
          %swap3A_547 = vector.shape_cast %add3A_542 : vector<16xf32> to vector<1x16xf32>
          tpu.vector_store %arg8[%swap3A_543, %swap3A_544], %swap3A_547 {strides = array<i32>} : memref<64x512xf32, #tpu.memory_space<vmem>>, vector<1x16xf32>,
          %get3A_548 = arith.index_cast %scan3A_357 : i32 to index
          %get3A_549 = arith.constant 304 : index
          %get3A_550 = tpu.vector_load %arg8[%get3A_548, %get3A_549] {strides = array<i32>} : memref<64x512xf32, #tpu.memory_space<vmem>>, vector<1x16xf32>,
          %get3A_551 = vector.shape_cast %get3A_550 : vector<1x16xf32> to vector<16xf32>
          %add3A_552 = arith.addf %get3A_551, %get3A_253 : vector<16xf32>
          %swap3A_553 = arith.index_cast %scan3A_357 : i32 to index
          %swap3A_554 = arith.constant 304 : index
          %swap3A_555 = tpu.vector_load %arg8[%swap3A_553, %swap3A_554] {strides = array<i32>} : memref<64x512xf32, #tpu.memory_space<vmem>>, vector<1x16xf32>,
          %swap3A_556 = vector.shape_cast %swap3A_555 : vector<1x16xf32> to vector<16xf32>
          %swap3A_557 = vector.shape_cast %add3A_552 : vector<16xf32> to vector<1x16xf32>
          tpu.vector_store %arg8[%swap3A_553, %swap3A_554], %swap3A_557 {strides = array<i32>} : memref<64x512xf32, #tpu.memory_space<vmem>>, vector<1x16xf32>,
          %get3A_558 = arith.index_cast %scan3A_357 : i32 to index
          %get3A_559 = arith.constant 320 : index
          %get3A_560 = tpu.vector_load %arg8[%get3A_558, %get3A_559] {strides = array<i32>} : memref<64x512xf32, #tpu.memory_space<vmem>>, vector<1x16xf32>,
          %get3A_561 = vector.shape_cast %get3A_560 : vector<1x16xf32> to vector<16xf32>
          %add3A_562 = arith.addf %get3A_561, %get3A_257 : vector<16xf32>
          %swap3A_563 = arith.index_cast %scan3A_357 : i32 to index
          %swap3A_564 = arith.constant 320 : index
          %swap3A_565 = tpu.vector_load %arg8[%swap3A_563, %swap3A_564] {strides = array<i32>} : memref<64x512xf32, #tpu.memory_space<vmem>>, vector<1x16xf32>,
          %swap3A_566 = vector.shape_cast %swap3A_565 : vector<1x16xf32> to vector<16xf32>
          %swap3A_567 = vector.shape_cast %add3A_562 : vector<16xf32> to vector<1x16xf32>
          tpu.vector_store %arg8[%swap3A_563, %swap3A_564], %swap3A_567 {strides = array<i32>} : memref<64x512xf32, #tpu.memory_space<vmem>>, vector<1x16xf32>,
          %get3A_568 = arith.index_cast %scan3A_357 : i32 to index
          %get3A_569 = arith.constant 336 : index
          %get3A_570 = tpu.vector_load %arg8[%get3A_568, %get3A_569] {strides = array<i32>} : memref<64x512xf32, #tpu.memory_space<vmem>>, vector<1x16xf32>,
          %get3A_571 = vector.shape_cast %get3A_570 : vector<1x16xf32> to vector<16xf32>
          %add3A_572 = arith.addf %get3A_571, %get3A_261 : vector<16xf32>
          %swap3A_573 = arith.index_cast %scan3A_357 : i32 to index
          %swap3A_574 = arith.constant 336 : index
          %swap3A_575 = tpu.vector_load %arg8[%swap3A_573, %swap3A_574] {strides = array<i32>} : memref<64x512xf32, #tpu.memory_space<vmem>>, vector<1x16xf32>,
          %swap3A_576 = vector.shape_cast %swap3A_575 : vector<1x16xf32> to vector<16xf32>
          %swap3A_577 = vector.shape_cast %add3A_572 : vector<16xf32> to vector<1x16xf32>
          tpu.vector_store %arg8[%swap3A_573, %swap3A_574], %swap3A_577 {strides = array<i32>} : memref<64x512xf32, #tpu.memory_space<vmem>>, vector<1x16xf32>,
          %get3A_578 = arith.index_cast %scan3A_357 : i32 to index
          %get3A_579 = arith.constant 352 : index
          %get3A_580 = tpu.vector_load %arg8[%get3A_578, %get3A_579] {strides = array<i32>} : memref<64x512xf32, #tpu.memory_space<vmem>>, vector<1x16xf32>,
          %get3A_581 = vector.shape_cast %get3A_580 : vector<1x16xf32> to vector<16xf32>
          %add3A_582 = arith.addf %get3A_581, %get3A_265 : vector<16xf32>
          %swap3A_583 = arith.index_cast %scan3A_357 : i32 to index
          %swap3A_584 = arith.constant 352 : index
          %swap3A_585 = tpu.vector_load %arg8[%swap3A_583, %swap3A_584] {strides = array<i32>} : memref<64x512xf32, #tpu.memory_space<vmem>>, vector<1x16xf32>,
          %swap3A_586 = vector.shape_cast %swap3A_585 : vector<1x16xf32> to vector<16xf32>
          %swap3A_587 = vector.shape_cast %add3A_582 : vector<16xf32> to vector<1x16xf32>
          tpu.vector_store %arg8[%swap3A_583, %swap3A_584], %swap3A_587 {strides = array<i32>} : memref<64x512xf32, #tpu.memory_space<vmem>>, vector<1x16xf32>,
          %get3A_588 = arith.index_cast %scan3A_357 : i32 to index
          %get3A_589 = arith.constant 368 : index
          %get3A_590 = tpu.vector_load %arg8[%get3A_588, %get3A_589] {strides = array<i32>} : memref<64x512xf32, #tpu.memory_space<vmem>>, vector<1x16xf32>,
          %get3A_591 = vector.shape_cast %get3A_590 : vector<1x16xf32> to vector<16xf32>
          %add3A_592 = arith.addf %get3A_591, %get3A_269 : vector<16xf32>
          %swap3A_593 = arith.index_cast %scan3A_357 : i32 to index
          %swap3A_594 = arith.constant 368 : index
          %swap3A_595 = tpu.vector_load %arg8[%swap3A_593, %swap3A_594] {strides = array<i32>} : memref<64x512xf32, #tpu.memory_space<vmem>>, vector<1x16xf32>,
          %swap3A_596 = vector.shape_cast %swap3A_595 : vector<1x16xf32> to vector<16xf32>
          %swap3A_597 = vector.shape_cast %add3A_592 : vector<16xf32> to vector<1x16xf32>
          tpu.vector_store %arg8[%swap3A_593, %swap3A_594], %swap3A_597 {strides = array<i32>} : memref<64x512xf32, #tpu.memory_space<vmem>>, vector<1x16xf32>,
          %get3A_598 = arith.index_cast %scan3A_357 : i32 to index
          %get3A_599 = arith.constant 384 : index
          %get3A_600 = tpu.vector_load %arg8[%get3A_598, %get3A_599] {strides = array<i32>} : memref<64x512xf32, #tpu.memory_space<vmem>>, vector<1x16xf32>,
          %get3A_601 = vector.shape_cast %get3A_600 : vector<1x16xf32> to vector<16xf32>
          %add3A_602 = arith.addf %get3A_601, %get3A_273 : vector<16xf32>
          %swap3A_603 = arith.index_cast %scan3A_357 : i32 to index
          %swap3A_604 = arith.constant 384 : index
          %swap3A_605 = tpu.vector_load %arg8[%swap3A_603, %swap3A_604] {strides = array<i32>} : memref<64x512xf32, #tpu.memory_space<vmem>>, vector<1x16xf32>,
          %swap3A_606 = vector.shape_cast %swap3A_605 : vector<1x16xf32> to vector<16xf32>
          %swap3A_607 = vector.shape_cast %add3A_602 : vector<16xf32> to vector<1x16xf32>
          tpu.vector_store %arg8[%swap3A_603, %swap3A_604], %swap3A_607 {strides = array<i32>} : memref<64x512xf32, #tpu.memory_space<vmem>>, vector<1x16xf32>,
          %get3A_608 = arith.index_cast %scan3A_357 : i32 to index
          %get3A_609 = arith.constant 400 : index
          %get3A_610 = tpu.vector_load %arg8[%get3A_608, %get3A_609] {strides = array<i32>} : memref<64x512xf32, #tpu.memory_space<vmem>>, vector<1x16xf32>,
          %get3A_611 = vector.shape_cast %get3A_610 : vector<1x16xf32> to vector<16xf32>
          %add3A_612 = arith.addf %get3A_611, %get3A_277 : vector<16xf32>
          %swap3A_613 = arith.index_cast %scan3A_357 : i32 to index
          %swap3A_614 = arith.constant 400 : index
          %swap3A_615 = tpu.vector_load %arg8[%swap3A_613, %swap3A_614] {strides = array<i32>} : memref<64x512xf32, #tpu.memory_space<vmem>>, vector<1x16xf32>,
          %swap3A_616 = vector.shape_cast %swap3A_615 : vector<1x16xf32> to vector<16xf32>
          %swap3A_617 = vector.shape_cast %add3A_612 : vector<16xf32> to vector<1x16xf32>
          tpu.vector_store %arg8[%swap3A_613, %swap3A_614], %swap3A_617 {strides = array<i32>} : memref<64x512xf32, #tpu.memory_space<vmem>>, vector<1x16xf32>,
          %get3A_618 = arith.index_cast %scan3A_357 : i32 to index
          %get3A_619 = arith.constant 416 : index
          %get3A_620 = tpu.vector_load %arg8[%get3A_618, %get3A_619] {strides = array<i32>} : memref<64x512xf32, #tpu.memory_space<vmem>>, vector<1x16xf32>,
          %get3A_621 = vector.shape_cast %get3A_620 : vector<1x16xf32> to vector<16xf32>
          %add3A_622 = arith.addf %get3A_621, %get3A_281 : vector<16xf32>
          %swap3A_623 = arith.index_cast %scan3A_357 : i32 to index
          %swap3A_624 = arith.constant 416 : index
          %swap3A_625 = tpu.vector_load %arg8[%swap3A_623, %swap3A_624] {strides = array<i32>} : memref<64x512xf32, #tpu.memory_space<vmem>>, vector<1x16xf32>,
          %swap3A_626 = vector.shape_cast %swap3A_625 : vector<1x16xf32> to vector<16xf32>
          %swap3A_627 = vector.shape_cast %add3A_622 : vector<16xf32> to vector<1x16xf32>
          tpu.vector_store %arg8[%swap3A_623, %swap3A_624], %swap3A_627 {strides = array<i32>} : memref<64x512xf32, #tpu.memory_space<vmem>>, vector<1x16xf32>,
          %get3A_628 = arith.index_cast %scan3A_357 : i32 to index
          %get3A_629 = arith.constant 432 : index
          %get3A_630 = tpu.vector_load %arg8[%get3A_628, %get3A_629] {strides = array<i32>} : memref<64x512xf32, #tpu.memory_space<vmem>>, vector<1x16xf32>,
          %get3A_631 = vector.shape_cast %get3A_630 : vector<1x16xf32> to vector<16xf32>
          %add3A_632 = arith.addf %get3A_631, %get3A_285 : vector<16xf32>
          %swap3A_633 = arith.index_cast %scan3A_357 : i32 to index
          %swap3A_634 = arith.constant 432 : index
          %swap3A_635 = tpu.vector_load %arg8[%swap3A_633, %swap3A_634] {strides = array<i32>} : memref<64x512xf32, #tpu.memory_space<vmem>>, vector<1x16xf32>,
          %swap3A_636 = vector.shape_cast %swap3A_635 : vector<1x16xf32> to vector<16xf32>
          %swap3A_637 = vector.shape_cast %add3A_632 : vector<16xf32> to vector<1x16xf32>
          tpu.vector_store %arg8[%swap3A_633, %swap3A_634], %swap3A_637 {strides = array<i32>} : memref<64x512xf32, #tpu.memory_space<vmem>>, vector<1x16xf32>,
          %get3A_638 = arith.index_cast %scan3A_357 : i32 to index
          %get3A_639 = arith.constant 448 : index
          %get3A_640 = tpu.vector_load %arg8[%get3A_638, %get3A_639] {strides = array<i32>} : memref<64x512xf32, #tpu.memory_space<vmem>>, vector<1x16xf32>,
          %get3A_641 = vector.shape_cast %get3A_640 : vector<1x16xf32> to vector<16xf32>
          %add3A_642 = arith.addf %get3A_641, %get3A_289 : vector<16xf32>
          %swap3A_643 = arith.index_cast %scan3A_357 : i32 to index
          %swap3A_644 = arith.constant 448 : index
          %swap3A_645 = tpu.vector_load %arg8[%swap3A_643, %swap3A_644] {strides = array<i32>} : memref<64x512xf32, #tpu.memory_space<vmem>>, vector<1x16xf32>,
          %swap3A_646 = vector.shape_cast %swap3A_645 : vector<1x16xf32> to vector<16xf32>
          %swap3A_647 = vector.shape_cast %add3A_642 : vector<16xf32> to vector<1x16xf32>
          tpu.vector_store %arg8[%swap3A_643, %swap3A_644], %swap3A_647 {strides = array<i32>} : memref<64x512xf32, #tpu.memory_space<vmem>>, vector<1x16xf32>,
          %get3A_648 = arith.index_cast %scan3A_357 : i32 to index
          %get3A_649 = arith.constant 464 : index
          %get3A_650 = tpu.vector_load %arg8[%get3A_648, %get3A_649] {strides = array<i32>} : memref<64x512xf32, #tpu.memory_space<vmem>>, vector<1x16xf32>,
          %get3A_651 = vector.shape_cast %get3A_650 : vector<1x16xf32> to vector<16xf32>
          %add3A_652 = arith.addf %get3A_651, %get3A_293 : vector<16xf32>
          %swap3A_653 = arith.index_cast %scan3A_357 : i32 to index
          %swap3A_654 = arith.constant 464 : index
          %swap3A_655 = tpu.vector_load %arg8[%swap3A_653, %swap3A_654] {strides = array<i32>} : memref<64x512xf32, #tpu.memory_space<vmem>>, vector<1x16xf32>,
          %swap3A_656 = vector.shape_cast %swap3A_655 : vector<1x16xf32> to vector<16xf32>
          %swap3A_657 = vector.shape_cast %add3A_652 : vector<16xf32> to vector<1x16xf32>
          tpu.vector_store %arg8[%swap3A_653, %swap3A_654], %swap3A_657 {strides = array<i32>} : memref<64x512xf32, #tpu.memory_space<vmem>>, vector<1x16xf32>,
          %get3A_658 = arith.index_cast %scan3A_357 : i32 to index
          %get3A_659 = arith.constant 480 : index
          %get3A_660 = tpu.vector_load %arg8[%get3A_658, %get3A_659] {strides = array<i32>} : memref<64x512xf32, #tpu.memory_space<vmem>>, vector<1x16xf32>,
          %get3A_661 = vector.shape_cast %get3A_660 : vector<1x16xf32> to vector<16xf32>
          %add3A_662 = arith.addf %get3A_661, %get3A_297 : vector<16xf32>
          %swap3A_663 = arith.index_cast %scan3A_357 : i32 to index
          %swap3A_664 = arith.constant 480 : index
          %swap3A_665 = tpu.vector_load %arg8[%swap3A_663, %swap3A_664] {strides = array<i32>} : memref<64x512xf32, #tpu.memory_space<vmem>>, vector<1x16xf32>,
          %swap3A_666 = vector.shape_cast %swap3A_665 : vector<1x16xf32> to vector<16xf32>
          %swap3A_667 = vector.shape_cast %add3A_662 : vector<16xf32> to vector<1x16xf32>
          tpu.vector_store %arg8[%swap3A_663, %swap3A_664], %swap3A_667 {strides = array<i32>} : memref<64x512xf32, #tpu.memory_space<vmem>>, vector<1x16xf32>,
          %get3A_668 = arith.index_cast %scan3A_357 : i32 to index
          %get3A_669 = arith.constant 496 : index
          %get3A_670 = tpu.vector_load %arg8[%get3A_668, %get3A_669] {strides = array<i32>} : memref<64x512xf32, #tpu.memory_space<vmem>>, vector<1x16xf32>,
          %get3A_671 = vector.shape_cast %get3A_670 : vector<1x16xf32> to vector<16xf32>
          %add3A_672 = arith.addf %get3A_671, %get3A_301 : vector<16xf32>
          %swap3A_673 = arith.index_cast %scan3A_357 : i32 to index
          %swap3A_674 = arith.constant 496 : index
          %swap3A_675 = tpu.vector_load %arg8[%swap3A_673, %swap3A_674] {strides = array<i32>} : memref<64x512xf32, #tpu.memory_space<vmem>>, vector<1x16xf32>,
          %swap3A_676 = vector.shape_cast %swap3A_675 : vector<1x16xf32> to vector<16xf32>
          %swap3A_677 = vector.shape_cast %add3A_672 : vector<16xf32> to vector<1x16xf32>
          tpu.vector_store %arg8[%swap3A_673, %swap3A_674], %swap3A_677 {strides = array<i32>} : memref<64x512xf32, #tpu.memory_space<vmem>>, vector<1x16xf32>,
          %scan3A_678 = arith.constant 0 : i32
          scf.yield %scan3A_678 : i32
        }
        %scan3A_308 = arith.constant 64 : i32
        %jit3A_309 = arith.constant 16 : i32
        %eq3A_310 = arith.constant 0 : i32
        %eq3A_311 = arith.cmpi eq, %jit3A_309, %eq3A_310 : i32
        %jit3A_312 = arith.constant 1 : i32
        %select_n3A_313 = arith.select %eq3A_311, %jit3A_312, %jit3A_309 : i32
        %rem3A_314 = arith.remsi %sub3A_110, %select_n3A_313 : i32
        %ne3A_315 = arith.constant 0 : i32
        %ne3A_316 = arith.cmpi ne, %rem3A_314, %ne3A_315 : i32
        %lt3A_317 = arith.constant 0 : i32
        %lt3A_318 = arith.cmpi slt, %rem3A_314, %lt3A_317 : i32
        %lt3A_319 = arith.constant 0 : i32
        %lt3A_320 = arith.cmpi slt, %select_n3A_313, %lt3A_319 : i32
        %ne3A_321 = arith.xori %lt3A_318, %lt3A_320 : i1
        %and3A_322 = arith.andi %ne3A_321, %ne3A_316 : i1
        %add3A_323 = arith.addi %rem3A_314, %select_n3A_313 : i32
        %select_n3A_324 = arith.select %and3A_322, %add3A_323, %rem3A_314 : i32
        %mul3A_325 = arith.constant 64 : i32
        %mul3A_326 = arith.muli %select_n3A_324, %mul3A_325 : i32
        %jit3A_327 = arith.constant 16 : i32
        %div3A_328 = arith.divsi %sub3A_110, %jit3A_327 : i32
        %sign3A_329 = arith.constant 0 : i32
        %sign3A_330 = arith.cmpi sgt, %sub3A_110, %sign3A_329 : i32
        %sign3A_331 = arith.extui %sign3A_330 : i1 to i32
        %sign3A_332 = arith.constant 0 : i32
        %sign3A_333 = arith.cmpi slt, %sub3A_110, %sign3A_332 : i32
        %sign3A_334 = arith.extui %sign3A_333 : i1 to i32
        %sign3A_335 = arith.subi %sign3A_331, %sign3A_334 : i32
        %sign3A_336 = arith.constant 0 : i32
        %sign3A_337 = arith.cmpi sgt, %jit3A_327, %sign3A_336 : i32
        %sign3A_338 = arith.extui %sign3A_337 : i1 to i32
        %sign3A_339 = arith.constant 0 : i32
        %sign3A_340 = arith.cmpi slt, %jit3A_327, %sign3A_339 : i32
        %sign3A_341 = arith.extui %sign3A_340 : i1 to i32
        %sign3A_342 = arith.subi %sign3A_338, %sign3A_341 : i32
        %ne3A_343 = arith.cmpi ne, %sign3A_335, %sign3A_342 : i32
        %rem3A_344 = arith.remsi %sub3A_110, %jit3A_327 : i32
        %ne3A_345 = arith.constant 0 : i32
        %ne3A_346 = arith.cmpi ne, %rem3A_344, %ne3A_345 : i32
        %and3A_347 = arith.andi %ne3A_343, %ne3A_346 : i1
        %sub3A_348 = arith.constant 1 : i32
        %sub3A_349 = arith.subi %div3A_328, %sub3A_348 : i32
        %select_n3A_350 = arith.select %and3A_347, %sub3A_349, %div3A_328 : i32
        %add3A_351 = arith.addi %mul3A_2, %select_n3A_350 : i32
        %dma_start3A = arith.constant 0 : i32
        %dma_start3A_352 = tpu.memref_slice %arg5[%mul3A_326, %add3A_351, %dma_start3A] : memref<1024x256x512xf32, #tpu.memory_space<hbm>> -> memref<64x1x512xf32, #tpu.memory_space<hbm>>
        %dma_start3A_353 = tpu.memref_squeeze %dma_start3A_352 : memref<64x1x512xf32, #tpu.memory_space<hbm>> -> memref<64x512xf32, #tpu.memory_space<hbm>>
        %dma_start3A_354 = arith.constant 0 : i32
        %dma_start3A_355 = tpu.memref_slice %arg5[%mul3A_326, %add3A_351, %dma_start3A_354] : memref<1024x256x512xf32, #tpu.memory_space<hbm>> -> memref<64x1x512xf32, #tpu.memory_space<hbm>>
        %dma_start3A_356 = tpu.memref_squeeze %dma_start3A_355 : memref<64x1x512xf32, #tpu.memory_space<hbm>> -> memref<64x512xf32, #tpu.memory_space<hbm>>
        tpu.enqueue_dma source(%arg8 : memref<64x512xf32, #tpu.memory_space<vmem>>) target(%dma_start3A_356 : memref<64x512xf32, #tpu.memory_space<hbm>>) target_semaphore(%arg14 : memref<!tpu.dma_semaphore, #tpu.memory_space<semaphore_mem>>)
      } else {
      }
      %mul3A_84 = arith.constant 3 : i32
      %mul3A_85 = arith.muli %scan3A_38, %mul3A_84 : i32
      %add3A_86 = arith.constant 2 : i32
      %add3A_87 = arith.addi %mul3A_85, %add3A_86 : i32
      %ge3A_88 = arith.constant 3 : i32
      %ge3A_89 = arith.cmpi sge, %add3A_87, %ge3A_88 : i32
      %lt3A_90 = arith.constant 128 : i32
      %lt3A_91 = arith.cmpi slt, %add3A_87, %lt3A_90 : i32
      %and3A_92 = arith.andi %ge3A_89, %lt3A_91 : i1
      %convert_element_type3A_93 = arith.extui %and3A_92 : i1 to i32
      %cond3A_94 = arith.constant 0 : i32
      %cond3A_95 = arith.cmpi ne, %convert_element_type3A_93, %cond3A_94 : i32
      scf.if %cond3A_95 {
        %sub3A = arith.constant 3 : i32
        %sub3A_110 = arith.subi %add3A_87, %sub3A : i32
        %jit3A = arith.constant 16 : i32
        %eq3A = arith.constant 0 : i32
        %eq3A_111 = arith.cmpi eq, %jit3A, %eq3A : i32
        %jit3A_112 = arith.constant 1 : i32
        %select_n3A = arith.select %eq3A_111, %jit3A_112, %jit3A : i32
        %rem3A = arith.remsi %sub3A_110, %select_n3A : i32
        %ne3A = arith.constant 0 : i32
        %ne3A_113 = arith.cmpi ne, %rem3A, %ne3A : i32
        %lt3A_114 = arith.constant 0 : i32
        %lt3A_115 = arith.cmpi slt, %rem3A, %lt3A_114 : i32
        %lt3A_116 = arith.constant 0 : i32
        %lt3A_117 = arith.cmpi slt, %select_n3A, %lt3A_116 : i32
        %ne3A_118 = arith.xori %lt3A_115, %lt3A_117 : i1
        %and3A_119 = arith.andi %ne3A_118, %ne3A_113 : i1
        %add3A_120 = arith.addi %rem3A, %select_n3A : i32
        %select_n3A_121 = arith.select %and3A_119, %add3A_120, %rem3A : i32
        %mul3A_122 = arith.constant 64 : i32
        %mul3A_123 = arith.muli %select_n3A_121, %mul3A_122 : i32
        %jit3A_124 = arith.constant 16 : i32
        %div3A = arith.divsi %sub3A_110, %jit3A_124 : i32
        %sign3A = arith.constant 0 : i32
        %sign3A_125 = arith.cmpi sgt, %sub3A_110, %sign3A : i32
        %sign3A_126 = arith.extui %sign3A_125 : i1 to i32
        %sign3A_127 = arith.constant 0 : i32
        %sign3A_128 = arith.cmpi slt, %sub3A_110, %sign3A_127 : i32
        %sign3A_129 = arith.extui %sign3A_128 : i1 to i32
        %sign3A_130 = arith.subi %sign3A_126, %sign3A_129 : i32
        %sign3A_131 = arith.constant 0 : i32
        %sign3A_132 = arith.cmpi sgt, %jit3A_124, %sign3A_131 : i32
        %sign3A_133 = arith.extui %sign3A_132 : i1 to i32
        %sign3A_134 = arith.constant 0 : i32
        %sign3A_135 = arith.cmpi slt, %jit3A_124, %sign3A_134 : i32
        %sign3A_136 = arith.extui %sign3A_135 : i1 to i32
        %sign3A_137 = arith.subi %sign3A_133, %sign3A_136 : i32
        %ne3A_138 = arith.cmpi ne, %sign3A_130, %sign3A_137 : i32
        %rem3A_139 = arith.remsi %sub3A_110, %jit3A_124 : i32
        %ne3A_140 = arith.constant 0 : i32
        %ne3A_141 = arith.cmpi ne, %rem3A_139, %ne3A_140 : i32
        %and3A_142 = arith.andi %ne3A_138, %ne3A_141 : i1
        %sub3A_143 = arith.constant 1 : i32
        %sub3A_144 = arith.subi %div3A, %sub3A_143 : i32
        %select_n3A_145 = arith.select %and3A_142, %sub3A_144, %div3A : i32
        %add3A_146 = arith.addi %mul3A_2, %select_n3A_145 : i32
        %dma_wait3A_147 = arith.constant 0 : i32
        %dma_wait3A_148 = tpu.memref_slice %arg5[%mul3A_123, %add3A_146, %dma_wait3A_147] : memref<1024x256x512xf32, #tpu.memory_space<hbm>> -> memref<64x1x512xf32, #tpu.memory_space<hbm>>
        %dma_wait3A_149 = tpu.memref_squeeze %dma_wait3A_148 : memref<64x1x512xf32, #tpu.memory_space<hbm>> -> memref<64x512xf32, #tpu.memory_space<hbm>>
        %dma_wait3A_150 = arith.constant 0 : i32
        %dma_wait3A_151 = tpu.memref_slice %arg5[%mul3A_123, %add3A_146, %dma_wait3A_150] : memref<1024x256x512xf32, #tpu.memory_space<hbm>> -> memref<64x1x512xf32, #tpu.memory_space<hbm>>
        %dma_wait3A_152 = tpu.memref_squeeze %dma_wait3A_151 : memref<64x1x512xf32, #tpu.memory_space<hbm>> -> memref<64x512xf32, #tpu.memory_space<hbm>>
        tpu.wait_dma2 semaphore(%arg16 : memref<!tpu.dma_semaphore, #tpu.memory_space<semaphore_mem>>) src(%arg10 : memref<64x512xf32, #tpu.memory_space<vmem>>) dst(%dma_wait3A_152 : memref<64x512xf32, #tpu.memory_space<hbm>>)
      } else {
      }
      %lt3A_96 = arith.constant 128 : i32
      %lt3A_97 = arith.cmpi slt, %add3A_87, %lt3A_96 : i32
      %convert_element_type3A_98 = arith.extui %lt3A_97 : i1 to i32
      %cond3A_99 = arith.constant 0 : i32
      %cond3A_100 = arith.cmpi ne, %convert_element_type3A_98, %cond3A_99 : i32
      scf.if %cond3A_100 {
        %jit3A = arith.constant 16 : i32
        %div3A = arith.divsi %add3A_87, %jit3A : i32
        %sign3A = arith.constant 0 : i32
        %sign3A_110 = arith.cmpi sgt, %add3A_87, %sign3A : i32
        %sign3A_111 = arith.extui %sign3A_110 : i1 to i32
        %sign3A_112 = arith.constant 0 : i32
        %sign3A_113 = arith.cmpi slt, %add3A_87, %sign3A_112 : i32
        %sign3A_114 = arith.extui %sign3A_113 : i1 to i32
        %sign3A_115 = arith.subi %sign3A_111, %sign3A_114 : i32
        %sign3A_116 = arith.constant 0 : i32
        %sign3A_117 = arith.cmpi sgt, %jit3A, %sign3A_116 : i32
        %sign3A_118 = arith.extui %sign3A_117 : i1 to i32
        %sign3A_119 = arith.constant 0 : i32
        %sign3A_120 = arith.cmpi slt, %jit3A, %sign3A_119 : i32
        %sign3A_121 = arith.extui %sign3A_120 : i1 to i32
        %sign3A_122 = arith.subi %sign3A_118, %sign3A_121 : i32
        %ne3A = arith.cmpi ne, %sign3A_115, %sign3A_122 : i32
        %rem3A = arith.remsi %add3A_87, %jit3A : i32
        %ne3A_123 = arith.constant 0 : i32
        %ne3A_124 = arith.cmpi ne, %rem3A, %ne3A_123 : i32
        %and3A_125 = arith.andi %ne3A, %ne3A_124 : i1
        %sub3A = arith.constant 1 : i32
        %sub3A_126 = arith.subi %div3A, %sub3A : i32
        %select_n3A = arith.select %and3A_125, %sub3A_126, %div3A : i32
        %jit3A_127 = arith.constant 16 : i32
        %eq3A = arith.constant 0 : i32
        %eq3A_128 = arith.cmpi eq, %jit3A_127, %eq3A : i32
        %jit3A_129 = arith.constant 1 : i32
        %select_n3A_130 = arith.select %eq3A_128, %jit3A_129, %jit3A_127 : i32
        %rem3A_131 = arith.remsi %add3A_87, %select_n3A_130 : i32
        %ne3A_132 = arith.constant 0 : i32
        %ne3A_133 = arith.cmpi ne, %rem3A_131, %ne3A_132 : i32
        %lt3A_134 = arith.constant 0 : i32
        %lt3A_135 = arith.cmpi slt, %rem3A_131, %lt3A_134 : i32
        %lt3A_136 = arith.constant 0 : i32
        %lt3A_137 = arith.cmpi slt, %select_n3A_130, %lt3A_136 : i32
        %ne3A_138 = arith.xori %lt3A_135, %lt3A_137 : i1
        %and3A_139 = arith.andi %ne3A_138, %ne3A_133 : i1
        %add3A_140 = arith.addi %rem3A_131, %select_n3A_130 : i32
        %select_n3A_141 = arith.select %and3A_139, %add3A_140, %rem3A_131 : i32
        %mul3A_142 = arith.constant 64 : i32
        %mul3A_143 = arith.muli %select_n3A_141, %mul3A_142 : i32
        %dma_start3A = tpu.memref_slice %arg6[%select_n3A, %mul3A_143] : memref<8x1024xi32, #tpu.memory_space<vmem>> -> memref<1x64xi32, #tpu.memory_space<vmem>>
        %dma_start3A_144 = tpu.memref_squeeze %dma_start3A : memref<1x64xi32, #tpu.memory_space<vmem>> -> memref<64xi32, #tpu.memory_space<vmem>>
        %dma_start3A_145 = arith.constant 0 : i32
        %dma_start3A_146 = arith.constant 0 : i32
        %dma_start3A_147 = tpu.memref_slice %arg3[%dma_start3A_145, %dma_start3A_146] : memref<100000x512xf32, #tpu.memory_space<hbm>> -> memref<100000x512xf32, #tpu.memory_space<hbm>>
        tpu.enqueue_indirect_dma source(%dma_start3A_147 : memref<100000x512xf32, #tpu.memory_space<hbm>>) target(%arg10 : memref<64x512xf32, #tpu.memory_space<vmem>>) offsets(%dma_start3A_144 : memref<64xi32, #tpu.memory_space<vmem>>) semaphore(%arg13 : memref<!tpu.dma_semaphore, #tpu.memory_space<semaphore_mem>>)
      } else {
      }
      %ge3A_101 = arith.constant 1 : i32
      %ge3A_102 = arith.cmpi sge, %add3A_87, %ge3A_101 : i32
      %le3A_103 = arith.constant 128 : i32
      %le3A_104 = arith.cmpi sle, %add3A_87, %le3A_103 : i32
      %and3A_105 = arith.andi %ge3A_102, %le3A_104 : i1
      %convert_element_type3A_106 = arith.extui %and3A_105 : i1 to i32
      %cond3A_107 = arith.constant 0 : i32
      %cond3A_108 = arith.cmpi ne, %convert_element_type3A_106, %cond3A_107 : i32
      scf.if %cond3A_108 {
        %sub3A = arith.constant 1 : i32
        %sub3A_110 = arith.subi %add3A_87, %sub3A : i32
        %jit3A = arith.constant 16 : i32
        %div3A = arith.divsi %sub3A_110, %jit3A : i32
        %sign3A = arith.constant 0 : i32
        %sign3A_111 = arith.cmpi sgt, %sub3A_110, %sign3A : i32
        %sign3A_112 = arith.extui %sign3A_111 : i1 to i32
        %sign3A_113 = arith.constant 0 : i32
        %sign3A_114 = arith.cmpi slt, %sub3A_110, %sign3A_113 : i32
        %sign3A_115 = arith.extui %sign3A_114 : i1 to i32
        %sign3A_116 = arith.subi %sign3A_112, %sign3A_115 : i32
        %sign3A_117 = arith.constant 0 : i32
        %sign3A_118 = arith.cmpi sgt, %jit3A, %sign3A_117 : i32
        %sign3A_119 = arith.extui %sign3A_118 : i1 to i32
        %sign3A_120 = arith.constant 0 : i32
        %sign3A_121 = arith.cmpi slt, %jit3A, %sign3A_120 : i32
        %sign3A_122 = arith.extui %sign3A_121 : i1 to i32
        %sign3A_123 = arith.subi %sign3A_119, %sign3A_122 : i32
        %ne3A = arith.cmpi ne, %sign3A_116, %sign3A_123 : i32
        %rem3A = arith.remsi %sub3A_110, %jit3A : i32
        %ne3A_124 = arith.constant 0 : i32
        %ne3A_125 = arith.cmpi ne, %rem3A, %ne3A_124 : i32
        %and3A_126 = arith.andi %ne3A, %ne3A_125 : i1
        %sub3A_127 = arith.constant 1 : i32
        %sub3A_128 = arith.subi %div3A, %sub3A_127 : i32
        %select_n3A = arith.select %and3A_126, %sub3A_128, %div3A : i32
        %jit3A_129 = arith.constant 16 : i32
        %eq3A = arith.constant 0 : i32
        %eq3A_130 = arith.cmpi eq, %jit3A_129, %eq3A : i32
        %jit3A_131 = arith.constant 1 : i32
        %select_n3A_132 = arith.select %eq3A_130, %jit3A_131, %jit3A_129 : i32
        %rem3A_133 = arith.remsi %sub3A_110, %select_n3A_132 : i32
        %ne3A_134 = arith.constant 0 : i32
        %ne3A_135 = arith.cmpi ne, %rem3A_133, %ne3A_134 : i32
        %lt3A_136 = arith.constant 0 : i32
        %lt3A_137 = arith.cmpi slt, %rem3A_133, %lt3A_136 : i32
        %lt3A_138 = arith.constant 0 : i32
        %lt3A_139 = arith.cmpi slt, %select_n3A_132, %lt3A_138 : i32
        %ne3A_140 = arith.xori %lt3A_137, %lt3A_139 : i1
        %and3A_141 = arith.andi %ne3A_140, %ne3A_135 : i1
        %add3A_142 = arith.addi %rem3A_133, %select_n3A_132 : i32
        %select_n3A_143 = arith.select %and3A_141, %add3A_142, %rem3A_133 : i32
        %mul3A_144 = arith.constant 64 : i32
        %mul3A_145 = arith.muli %select_n3A_143, %mul3A_144 : i32
        %dma_wait3A_146 = tpu.memref_slice %arg6[%select_n3A, %mul3A_145] : memref<8x1024xi32, #tpu.memory_space<vmem>> -> memref<1x64xi32, #tpu.memory_space<vmem>>
        %dma_wait3A_147 = tpu.memref_squeeze %dma_wait3A_146 : memref<1x64xi32, #tpu.memory_space<vmem>> -> memref<64xi32, #tpu.memory_space<vmem>>
        %dma_wait3A_148 = arith.constant 0 : i32
        %dma_wait3A_149 = arith.constant 0 : i32
        %dma_wait3A_150 = tpu.memref_slice %arg3[%dma_wait3A_148, %dma_wait3A_149] : memref<100000x512xf32, #tpu.memory_space<hbm>> -> memref<100000x512xf32, #tpu.memory_space<hbm>>
        tpu.wait_indirect_dma semaphore(%arg12 : memref<!tpu.dma_semaphore, #tpu.memory_space<semaphore_mem>>) src(%dma_wait3A_150 : memref<100000x512xf32, #tpu.memory_space<hbm>>) dst(%arg9 : memref<64x512xf32, #tpu.memory_space<vmem>>)
        %jit3A_151 = arith.constant 16 : i32
        %div3A_152 = arith.divsi %sub3A_110, %jit3A_151 : i32
        %sign3A_153 = arith.constant 0 : i32
        %sign3A_154 = arith.cmpi sgt, %sub3A_110, %sign3A_153 : i32
        %sign3A_155 = arith.extui %sign3A_154 : i1 to i32
        %sign3A_156 = arith.constant 0 : i32
        %sign3A_157 = arith.cmpi slt, %sub3A_110, %sign3A_156 : i32
        %sign3A_158 = arith.extui %sign3A_157 : i1 to i32
        %sign3A_159 = arith.subi %sign3A_155, %sign3A_158 : i32
        %sign3A_160 = arith.constant 0 : i32
        %sign3A_161 = arith.cmpi sgt, %jit3A_151, %sign3A_160 : i32
        %sign3A_162 = arith.extui %sign3A_161 : i1 to i32
        %sign3A_163 = arith.constant 0 : i32
        %sign3A_164 = arith.cmpi slt, %jit3A_151, %sign3A_163 : i32
        %sign3A_165 = arith.extui %sign3A_164 : i1 to i32
        %sign3A_166 = arith.subi %sign3A_162, %sign3A_165 : i32
        %ne3A_167 = arith.cmpi ne, %sign3A_159, %sign3A_166 : i32
        %rem3A_168 = arith.remsi %sub3A_110, %jit3A_151 : i32
        %ne3A_169 = arith.constant 0 : i32
        %ne3A_170 = arith.cmpi ne, %rem3A_168, %ne3A_169 : i32
        %and3A_171 = arith.andi %ne3A_167, %ne3A_170 : i1
        %sub3A_172 = arith.constant 1 : i32
        %sub3A_173 = arith.subi %div3A_152, %sub3A_172 : i32
        %select_n3A_174 = arith.select %and3A_171, %sub3A_173, %div3A_152 : i32
        %get3A = arith.index_cast %select_n3A_174 : i32 to index
        %get3A_175 = arith.constant 0 : index
        %get3A_176 = tpu.vector_load %arg7[%get3A, %get3A_175] {strides = array<i32>} : memref<8x512xf32, #tpu.memory_space<vmem>>, vector<1x16xf32>,
        %get3A_177 = vector.shape_cast %get3A_176 : vector<1x16xf32> to vector<16xf32>
        %get3A_178 = arith.index_cast %select_n3A_174 : i32 to index
        %get3A_179 = arith.constant 16 : index
        %get3A_180 = tpu.vector_load %arg7[%get3A_178, %get3A_179] {strides = array<i32>} : memref<8x512xf32, #tpu.memory_space<vmem>>, vector<1x16xf32>,
        %get3A_181 = vector.shape_cast %get3A_180 : vector<1x16xf32> to vector<16xf32>
        %get3A_182 = arith.index_cast %select_n3A_174 : i32 to index
        %get3A_183 = arith.constant 32 : index
        %get3A_184 = tpu.vector_load %arg7[%get3A_182, %get3A_183] {strides = array<i32>} : memref<8x512xf32, #tpu.memory_space<vmem>>, vector<1x16xf32>,
        %get3A_185 = vector.shape_cast %get3A_184 : vector<1x16xf32> to vector<16xf32>
        %get3A_186 = arith.index_cast %select_n3A_174 : i32 to index
        %get3A_187 = arith.constant 48 : index
        %get3A_188 = tpu.vector_load %arg7[%get3A_186, %get3A_187] {strides = array<i32>} : memref<8x512xf32, #tpu.memory_space<vmem>>, vector<1x16xf32>,
        %get3A_189 = vector.shape_cast %get3A_188 : vector<1x16xf32> to vector<16xf32>
        %get3A_190 = arith.index_cast %select_n3A_174 : i32 to index
        %get3A_191 = arith.constant 64 : index
        %get3A_192 = tpu.vector_load %arg7[%get3A_190, %get3A_191] {strides = array<i32>} : memref<8x512xf32, #tpu.memory_space<vmem>>, vector<1x16xf32>,
        %get3A_193 = vector.shape_cast %get3A_192 : vector<1x16xf32> to vector<16xf32>
        %get3A_194 = arith.index_cast %select_n3A_174 : i32 to index
        %get3A_195 = arith.constant 80 : index
        %get3A_196 = tpu.vector_load %arg7[%get3A_194, %get3A_195] {strides = array<i32>} : memref<8x512xf32, #tpu.memory_space<vmem>>, vector<1x16xf32>,
        %get3A_197 = vector.shape_cast %get3A_196 : vector<1x16xf32> to vector<16xf32>
        %get3A_198 = arith.index_cast %select_n3A_174 : i32 to index
        %get3A_199 = arith.constant 96 : index
        %get3A_200 = tpu.vector_load %arg7[%get3A_198, %get3A_199] {strides = array<i32>} : memref<8x512xf32, #tpu.memory_space<vmem>>, vector<1x16xf32>,
        %get3A_201 = vector.shape_cast %get3A_200 : vector<1x16xf32> to vector<16xf32>
        %get3A_202 = arith.index_cast %select_n3A_174 : i32 to index
        %get3A_203 = arith.constant 112 : index
        %get3A_204 = tpu.vector_load %arg7[%get3A_202, %get3A_203] {strides = array<i32>} : memref<8x512xf32, #tpu.memory_space<vmem>>, vector<1x16xf32>,
        %get3A_205 = vector.shape_cast %get3A_204 : vector<1x16xf32> to vector<16xf32>
        %get3A_206 = arith.index_cast %select_n3A_174 : i32 to index
        %get3A_207 = arith.constant 128 : index
        %get3A_208 = tpu.vector_load %arg7[%get3A_206, %get3A_207] {strides = array<i32>} : memref<8x512xf32, #tpu.memory_space<vmem>>, vector<1x16xf32>,
        %get3A_209 = vector.shape_cast %get3A_208 : vector<1x16xf32> to vector<16xf32>
        %get3A_210 = arith.index_cast %select_n3A_174 : i32 to index
        %get3A_211 = arith.constant 144 : index
        %get3A_212 = tpu.vector_load %arg7[%get3A_210, %get3A_211] {strides = array<i32>} : memref<8x512xf32, #tpu.memory_space<vmem>>, vector<1x16xf32>,
        %get3A_213 = vector.shape_cast %get3A_212 : vector<1x16xf32> to vector<16xf32>
        %get3A_214 = arith.index_cast %select_n3A_174 : i32 to index
        %get3A_215 = arith.constant 160 : index
        %get3A_216 = tpu.vector_load %arg7[%get3A_214, %get3A_215] {strides = array<i32>} : memref<8x512xf32, #tpu.memory_space<vmem>>, vector<1x16xf32>,
        %get3A_217 = vector.shape_cast %get3A_216 : vector<1x16xf32> to vector<16xf32>
        %get3A_218 = arith.index_cast %select_n3A_174 : i32 to index
        %get3A_219 = arith.constant 176 : index
        %get3A_220 = tpu.vector_load %arg7[%get3A_218, %get3A_219] {strides = array<i32>} : memref<8x512xf32, #tpu.memory_space<vmem>>, vector<1x16xf32>,
        %get3A_221 = vector.shape_cast %get3A_220 : vector<1x16xf32> to vector<16xf32>
        %get3A_222 = arith.index_cast %select_n3A_174 : i32 to index
        %get3A_223 = arith.constant 192 : index
        %get3A_224 = tpu.vector_load %arg7[%get3A_222, %get3A_223] {strides = array<i32>} : memref<8x512xf32, #tpu.memory_space<vmem>>, vector<1x16xf32>,
        %get3A_225 = vector.shape_cast %get3A_224 : vector<1x16xf32> to vector<16xf32>
        %get3A_226 = arith.index_cast %select_n3A_174 : i32 to index
        %get3A_227 = arith.constant 208 : index
        %get3A_228 = tpu.vector_load %arg7[%get3A_226, %get3A_227] {strides = array<i32>} : memref<8x512xf32, #tpu.memory_space<vmem>>, vector<1x16xf32>,
        %get3A_229 = vector.shape_cast %get3A_228 : vector<1x16xf32> to vector<16xf32>
        %get3A_230 = arith.index_cast %select_n3A_174 : i32 to index
        %get3A_231 = arith.constant 224 : index
        %get3A_232 = tpu.vector_load %arg7[%get3A_230, %get3A_231] {strides = array<i32>} : memref<8x512xf32, #tpu.memory_space<vmem>>, vector<1x16xf32>,
        %get3A_233 = vector.shape_cast %get3A_232 : vector<1x16xf32> to vector<16xf32>
        %get3A_234 = arith.index_cast %select_n3A_174 : i32 to index
        %get3A_235 = arith.constant 240 : index
        %get3A_236 = tpu.vector_load %arg7[%get3A_234, %get3A_235] {strides = array<i32>} : memref<8x512xf32, #tpu.memory_space<vmem>>, vector<1x16xf32>,
        %get3A_237 = vector.shape_cast %get3A_236 : vector<1x16xf32> to vector<16xf32>
        %get3A_238 = arith.index_cast %select_n3A_174 : i32 to index
        %get3A_239 = arith.constant 256 : index
        %get3A_240 = tpu.vector_load %arg7[%get3A_238, %get3A_239] {strides = array<i32>} : memref<8x512xf32, #tpu.memory_space<vmem>>, vector<1x16xf32>,
        %get3A_241 = vector.shape_cast %get3A_240 : vector<1x16xf32> to vector<16xf32>
        %get3A_242 = arith.index_cast %select_n3A_174 : i32 to index
        %get3A_243 = arith.constant 272 : index
        %get3A_244 = tpu.vector_load %arg7[%get3A_242, %get3A_243] {strides = array<i32>} : memref<8x512xf32, #tpu.memory_space<vmem>>, vector<1x16xf32>,
        %get3A_245 = vector.shape_cast %get3A_244 : vector<1x16xf32> to vector<16xf32>
        %get3A_246 = arith.index_cast %select_n3A_174 : i32 to index
        %get3A_247 = arith.constant 288 : index
        %get3A_248 = tpu.vector_load %arg7[%get3A_246, %get3A_247] {strides = array<i32>} : memref<8x512xf32, #tpu.memory_space<vmem>>, vector<1x16xf32>,
        %get3A_249 = vector.shape_cast %get3A_248 : vector<1x16xf32> to vector<16xf32>
        %get3A_250 = arith.index_cast %select_n3A_174 : i32 to index
        %get3A_251 = arith.constant 304 : index
        %get3A_252 = tpu.vector_load %arg7[%get3A_250, %get3A_251] {strides = array<i32>} : memref<8x512xf32, #tpu.memory_space<vmem>>, vector<1x16xf32>,
        %get3A_253 = vector.shape_cast %get3A_252 : vector<1x16xf32> to vector<16xf32>
        %get3A_254 = arith.index_cast %select_n3A_174 : i32 to index
        %get3A_255 = arith.constant 320 : index
        %get3A_256 = tpu.vector_load %arg7[%get3A_254, %get3A_255] {strides = array<i32>} : memref<8x512xf32, #tpu.memory_space<vmem>>, vector<1x16xf32>,
        %get3A_257 = vector.shape_cast %get3A_256 : vector<1x16xf32> to vector<16xf32>
        %get3A_258 = arith.index_cast %select_n3A_174 : i32 to index
        %get3A_259 = arith.constant 336 : index
        %get3A_260 = tpu.vector_load %arg7[%get3A_258, %get3A_259] {strides = array<i32>} : memref<8x512xf32, #tpu.memory_space<vmem>>, vector<1x16xf32>,
        %get3A_261 = vector.shape_cast %get3A_260 : vector<1x16xf32> to vector<16xf32>
        %get3A_262 = arith.index_cast %select_n3A_174 : i32 to index
        %get3A_263 = arith.constant 352 : index
        %get3A_264 = tpu.vector_load %arg7[%get3A_262, %get3A_263] {strides = array<i32>} : memref<8x512xf32, #tpu.memory_space<vmem>>, vector<1x16xf32>,
        %get3A_265 = vector.shape_cast %get3A_264 : vector<1x16xf32> to vector<16xf32>
        %get3A_266 = arith.index_cast %select_n3A_174 : i32 to index
        %get3A_267 = arith.constant 368 : index
        %get3A_268 = tpu.vector_load %arg7[%get3A_266, %get3A_267] {strides = array<i32>} : memref<8x512xf32, #tpu.memory_space<vmem>>, vector<1x16xf32>,
        %get3A_269 = vector.shape_cast %get3A_268 : vector<1x16xf32> to vector<16xf32>
        %get3A_270 = arith.index_cast %select_n3A_174 : i32 to index
        %get3A_271 = arith.constant 384 : index
        %get3A_272 = tpu.vector_load %arg7[%get3A_270, %get3A_271] {strides = array<i32>} : memref<8x512xf32, #tpu.memory_space<vmem>>, vector<1x16xf32>,
        %get3A_273 = vector.shape_cast %get3A_272 : vector<1x16xf32> to vector<16xf32>
        %get3A_274 = arith.index_cast %select_n3A_174 : i32 to index
        %get3A_275 = arith.constant 400 : index
        %get3A_276 = tpu.vector_load %arg7[%get3A_274, %get3A_275] {strides = array<i32>} : memref<8x512xf32, #tpu.memory_space<vmem>>, vector<1x16xf32>,
        %get3A_277 = vector.shape_cast %get3A_276 : vector<1x16xf32> to vector<16xf32>
        %get3A_278 = arith.index_cast %select_n3A_174 : i32 to index
        %get3A_279 = arith.constant 416 : index
        %get3A_280 = tpu.vector_load %arg7[%get3A_278, %get3A_279] {strides = array<i32>} : memref<8x512xf32, #tpu.memory_space<vmem>>, vector<1x16xf32>,
        %get3A_281 = vector.shape_cast %get3A_280 : vector<1x16xf32> to vector<16xf32>
        %get3A_282 = arith.index_cast %select_n3A_174 : i32 to index
        %get3A_283 = arith.constant 432 : index
        %get3A_284 = tpu.vector_load %arg7[%get3A_282, %get3A_283] {strides = array<i32>} : memref<8x512xf32, #tpu.memory_space<vmem>>, vector<1x16xf32>,
        %get3A_285 = vector.shape_cast %get3A_284 : vector<1x16xf32> to vector<16xf32>
        %get3A_286 = arith.index_cast %select_n3A_174 : i32 to index
        %get3A_287 = arith.constant 448 : index
        %get3A_288 = tpu.vector_load %arg7[%get3A_286, %get3A_287] {strides = array<i32>} : memref<8x512xf32, #tpu.memory_space<vmem>>, vector<1x16xf32>,
        %get3A_289 = vector.shape_cast %get3A_288 : vector<1x16xf32> to vector<16xf32>
        %get3A_290 = arith.index_cast %select_n3A_174 : i32 to index
        %get3A_291 = arith.constant 464 : index
        %get3A_292 = tpu.vector_load %arg7[%get3A_290, %get3A_291] {strides = array<i32>} : memref<8x512xf32, #tpu.memory_space<vmem>>, vector<1x16xf32>,
        %get3A_293 = vector.shape_cast %get3A_292 : vector<1x16xf32> to vector<16xf32>
        %get3A_294 = arith.index_cast %select_n3A_174 : i32 to index
        %get3A_295 = arith.constant 480 : index
        %get3A_296 = tpu.vector_load %arg7[%get3A_294, %get3A_295] {strides = array<i32>} : memref<8x512xf32, #tpu.memory_space<vmem>>, vector<1x16xf32>,
        %get3A_297 = vector.shape_cast %get3A_296 : vector<1x16xf32> to vector<16xf32>
        %get3A_298 = arith.index_cast %select_n3A_174 : i32 to index
        %get3A_299 = arith.constant 496 : index
        %get3A_300 = tpu.vector_load %arg7[%get3A_298, %get3A_299] {strides = array<i32>} : memref<8x512xf32, #tpu.memory_space<vmem>>, vector<1x16xf32>,
        %get3A_301 = vector.shape_cast %get3A_300 : vector<1x16xf32> to vector<16xf32>
        %scan3A_302 = arith.constant 0 : i32
        %scan3A_303 = arith.constant 0 : i32
        %scan3A_304 = arith.constant 64 : i32
        %scan3A_305 = arith.addi %scan3A_303, %scan3A_304 : i32
        %scan3A_306 = arith.constant 1 : i32
        %scan3A_307 = scf.for %scan3A_357 = %scan3A_303 to %scan3A_305 step %scan3A_306 iter_args(%scan3A_358 = %scan3A_302) -> (i32)  : i32 {
          %get3A_359 = arith.index_cast %scan3A_357 : i32 to index
          %get3A_360 = arith.constant 0 : index
          %get3A_361 = tpu.vector_load %arg9[%get3A_359, %get3A_360] {strides = array<i32>} : memref<64x512xf32, #tpu.memory_space<vmem>>, vector<1x16xf32>,
          %get3A_362 = vector.shape_cast %get3A_361 : vector<1x16xf32> to vector<16xf32>
          %add3A_363 = arith.addf %get3A_362, %get3A_177 : vector<16xf32>
          %swap3A = arith.index_cast %scan3A_357 : i32 to index
          %swap3A_364 = arith.constant 0 : index
          %swap3A_365 = tpu.vector_load %arg9[%swap3A, %swap3A_364] {strides = array<i32>} : memref<64x512xf32, #tpu.memory_space<vmem>>, vector<1x16xf32>,
          %swap3A_366 = vector.shape_cast %swap3A_365 : vector<1x16xf32> to vector<16xf32>
          %swap3A_367 = vector.shape_cast %add3A_363 : vector<16xf32> to vector<1x16xf32>
          tpu.vector_store %arg9[%swap3A, %swap3A_364], %swap3A_367 {strides = array<i32>} : memref<64x512xf32, #tpu.memory_space<vmem>>, vector<1x16xf32>,
          %get3A_368 = arith.index_cast %scan3A_357 : i32 to index
          %get3A_369 = arith.constant 16 : index
          %get3A_370 = tpu.vector_load %arg9[%get3A_368, %get3A_369] {strides = array<i32>} : memref<64x512xf32, #tpu.memory_space<vmem>>, vector<1x16xf32>,
          %get3A_371 = vector.shape_cast %get3A_370 : vector<1x16xf32> to vector<16xf32>
          %add3A_372 = arith.addf %get3A_371, %get3A_181 : vector<16xf32>
          %swap3A_373 = arith.index_cast %scan3A_357 : i32 to index
          %swap3A_374 = arith.constant 16 : index
          %swap3A_375 = tpu.vector_load %arg9[%swap3A_373, %swap3A_374] {strides = array<i32>} : memref<64x512xf32, #tpu.memory_space<vmem>>, vector<1x16xf32>,
          %swap3A_376 = vector.shape_cast %swap3A_375 : vector<1x16xf32> to vector<16xf32>
          %swap3A_377 = vector.shape_cast %add3A_372 : vector<16xf32> to vector<1x16xf32>
          tpu.vector_store %arg9[%swap3A_373, %swap3A_374], %swap3A_377 {strides = array<i32>} : memref<64x512xf32, #tpu.memory_space<vmem>>, vector<1x16xf32>,
          %get3A_378 = arith.index_cast %scan3A_357 : i32 to index
          %get3A_379 = arith.constant 32 : index
          %get3A_380 = tpu.vector_load %arg9[%get3A_378, %get3A_379] {strides = array<i32>} : memref<64x512xf32, #tpu.memory_space<vmem>>, vector<1x16xf32>,
          %get3A_381 = vector.shape_cast %get3A_380 : vector<1x16xf32> to vector<16xf32>
          %add3A_382 = arith.addf %get3A_381, %get3A_185 : vector<16xf32>
          %swap3A_383 = arith.index_cast %scan3A_357 : i32 to index
          %swap3A_384 = arith.constant 32 : index
          %swap3A_385 = tpu.vector_load %arg9[%swap3A_383, %swap3A_384] {strides = array<i32>} : memref<64x512xf32, #tpu.memory_space<vmem>>, vector<1x16xf32>,
          %swap3A_386 = vector.shape_cast %swap3A_385 : vector<1x16xf32> to vector<16xf32>
          %swap3A_387 = vector.shape_cast %add3A_382 : vector<16xf32> to vector<1x16xf32>
          tpu.vector_store %arg9[%swap3A_383, %swap3A_384], %swap3A_387 {strides = array<i32>} : memref<64x512xf32, #tpu.memory_space<vmem>>, vector<1x16xf32>,
          %get3A_388 = arith.index_cast %scan3A_357 : i32 to index
          %get3A_389 = arith.constant 48 : index
          %get3A_390 = tpu.vector_load %arg9[%get3A_388, %get3A_389] {strides = array<i32>} : memref<64x512xf32, #tpu.memory_space<vmem>>, vector<1x16xf32>,
          %get3A_391 = vector.shape_cast %get3A_390 : vector<1x16xf32> to vector<16xf32>
          %add3A_392 = arith.addf %get3A_391, %get3A_189 : vector<16xf32>
          %swap3A_393 = arith.index_cast %scan3A_357 : i32 to index
          %swap3A_394 = arith.constant 48 : index
          %swap3A_395 = tpu.vector_load %arg9[%swap3A_393, %swap3A_394] {strides = array<i32>} : memref<64x512xf32, #tpu.memory_space<vmem>>, vector<1x16xf32>,
          %swap3A_396 = vector.shape_cast %swap3A_395 : vector<1x16xf32> to vector<16xf32>
          %swap3A_397 = vector.shape_cast %add3A_392 : vector<16xf32> to vector<1x16xf32>
          tpu.vector_store %arg9[%swap3A_393, %swap3A_394], %swap3A_397 {strides = array<i32>} : memref<64x512xf32, #tpu.memory_space<vmem>>, vector<1x16xf32>,
          %get3A_398 = arith.index_cast %scan3A_357 : i32 to index
          %get3A_399 = arith.constant 64 : index
          %get3A_400 = tpu.vector_load %arg9[%get3A_398, %get3A_399] {strides = array<i32>} : memref<64x512xf32, #tpu.memory_space<vmem>>, vector<1x16xf32>,
          %get3A_401 = vector.shape_cast %get3A_400 : vector<1x16xf32> to vector<16xf32>
          %add3A_402 = arith.addf %get3A_401, %get3A_193 : vector<16xf32>
          %swap3A_403 = arith.index_cast %scan3A_357 : i32 to index
          %swap3A_404 = arith.constant 64 : index
          %swap3A_405 = tpu.vector_load %arg9[%swap3A_403, %swap3A_404] {strides = array<i32>} : memref<64x512xf32, #tpu.memory_space<vmem>>, vector<1x16xf32>,
          %swap3A_406 = vector.shape_cast %swap3A_405 : vector<1x16xf32> to vector<16xf32>
          %swap3A_407 = vector.shape_cast %add3A_402 : vector<16xf32> to vector<1x16xf32>
          tpu.vector_store %arg9[%swap3A_403, %swap3A_404], %swap3A_407 {strides = array<i32>} : memref<64x512xf32, #tpu.memory_space<vmem>>, vector<1x16xf32>,
          %get3A_408 = arith.index_cast %scan3A_357 : i32 to index
          %get3A_409 = arith.constant 80 : index
          %get3A_410 = tpu.vector_load %arg9[%get3A_408, %get3A_409] {strides = array<i32>} : memref<64x512xf32, #tpu.memory_space<vmem>>, vector<1x16xf32>,
          %get3A_411 = vector.shape_cast %get3A_410 : vector<1x16xf32> to vector<16xf32>
          %add3A_412 = arith.addf %get3A_411, %get3A_197 : vector<16xf32>
          %swap3A_413 = arith.index_cast %scan3A_357 : i32 to index
          %swap3A_414 = arith.constant 80 : index
          %swap3A_415 = tpu.vector_load %arg9[%swap3A_413, %swap3A_414] {strides = array<i32>} : memref<64x512xf32, #tpu.memory_space<vmem>>, vector<1x16xf32>,
          %swap3A_416 = vector.shape_cast %swap3A_415 : vector<1x16xf32> to vector<16xf32>
          %swap3A_417 = vector.shape_cast %add3A_412 : vector<16xf32> to vector<1x16xf32>
          tpu.vector_store %arg9[%swap3A_413, %swap3A_414], %swap3A_417 {strides = array<i32>} : memref<64x512xf32, #tpu.memory_space<vmem>>, vector<1x16xf32>,
          %get3A_418 = arith.index_cast %scan3A_357 : i32 to index
          %get3A_419 = arith.constant 96 : index
          %get3A_420 = tpu.vector_load %arg9[%get3A_418, %get3A_419] {strides = array<i32>} : memref<64x512xf32, #tpu.memory_space<vmem>>, vector<1x16xf32>,
          %get3A_421 = vector.shape_cast %get3A_420 : vector<1x16xf32> to vector<16xf32>
          %add3A_422 = arith.addf %get3A_421, %get3A_201 : vector<16xf32>
          %swap3A_423 = arith.index_cast %scan3A_357 : i32 to index
          %swap3A_424 = arith.constant 96 : index
          %swap3A_425 = tpu.vector_load %arg9[%swap3A_423, %swap3A_424] {strides = array<i32>} : memref<64x512xf32, #tpu.memory_space<vmem>>, vector<1x16xf32>,
          %swap3A_426 = vector.shape_cast %swap3A_425 : vector<1x16xf32> to vector<16xf32>
          %swap3A_427 = vector.shape_cast %add3A_422 : vector<16xf32> to vector<1x16xf32>
          tpu.vector_store %arg9[%swap3A_423, %swap3A_424], %swap3A_427 {strides = array<i32>} : memref<64x512xf32, #tpu.memory_space<vmem>>, vector<1x16xf32>,
          %get3A_428 = arith.index_cast %scan3A_357 : i32 to index
          %get3A_429 = arith.constant 112 : index
          %get3A_430 = tpu.vector_load %arg9[%get3A_428, %get3A_429] {strides = array<i32>} : memref<64x512xf32, #tpu.memory_space<vmem>>, vector<1x16xf32>,
          %get3A_431 = vector.shape_cast %get3A_430 : vector<1x16xf32> to vector<16xf32>
          %add3A_432 = arith.addf %get3A_431, %get3A_205 : vector<16xf32>
          %swap3A_433 = arith.index_cast %scan3A_357 : i32 to index
          %swap3A_434 = arith.constant 112 : index
          %swap3A_435 = tpu.vector_load %arg9[%swap3A_433, %swap3A_434] {strides = array<i32>} : memref<64x512xf32, #tpu.memory_space<vmem>>, vector<1x16xf32>,
          %swap3A_436 = vector.shape_cast %swap3A_435 : vector<1x16xf32> to vector<16xf32>
          %swap3A_437 = vector.shape_cast %add3A_432 : vector<16xf32> to vector<1x16xf32>
          tpu.vector_store %arg9[%swap3A_433, %swap3A_434], %swap3A_437 {strides = array<i32>} : memref<64x512xf32, #tpu.memory_space<vmem>>, vector<1x16xf32>,
          %get3A_438 = arith.index_cast %scan3A_357 : i32 to index
          %get3A_439 = arith.constant 128 : index
          %get3A_440 = tpu.vector_load %arg9[%get3A_438, %get3A_439] {strides = array<i32>} : memref<64x512xf32, #tpu.memory_space<vmem>>, vector<1x16xf32>,
          %get3A_441 = vector.shape_cast %get3A_440 : vector<1x16xf32> to vector<16xf32>
          %add3A_442 = arith.addf %get3A_441, %get3A_209 : vector<16xf32>
          %swap3A_443 = arith.index_cast %scan3A_357 : i32 to index
          %swap3A_444 = arith.constant 128 : index
          %swap3A_445 = tpu.vector_load %arg9[%swap3A_443, %swap3A_444] {strides = array<i32>} : memref<64x512xf32, #tpu.memory_space<vmem>>, vector<1x16xf32>,
          %swap3A_446 = vector.shape_cast %swap3A_445 : vector<1x16xf32> to vector<16xf32>
          %swap3A_447 = vector.shape_cast %add3A_442 : vector<16xf32> to vector<1x16xf32>
          tpu.vector_store %arg9[%swap3A_443, %swap3A_444], %swap3A_447 {strides = array<i32>} : memref<64x512xf32, #tpu.memory_space<vmem>>, vector<1x16xf32>,
          %get3A_448 = arith.index_cast %scan3A_357 : i32 to index
          %get3A_449 = arith.constant 144 : index
          %get3A_450 = tpu.vector_load %arg9[%get3A_448, %get3A_449] {strides = array<i32>} : memref<64x512xf32, #tpu.memory_space<vmem>>, vector<1x16xf32>,
          %get3A_451 = vector.shape_cast %get3A_450 : vector<1x16xf32> to vector<16xf32>
          %add3A_452 = arith.addf %get3A_451, %get3A_213 : vector<16xf32>
          %swap3A_453 = arith.index_cast %scan3A_357 : i32 to index
          %swap3A_454 = arith.constant 144 : index
          %swap3A_455 = tpu.vector_load %arg9[%swap3A_453, %swap3A_454] {strides = array<i32>} : memref<64x512xf32, #tpu.memory_space<vmem>>, vector<1x16xf32>,
          %swap3A_456 = vector.shape_cast %swap3A_455 : vector<1x16xf32> to vector<16xf32>
          %swap3A_457 = vector.shape_cast %add3A_452 : vector<16xf32> to vector<1x16xf32>
          tpu.vector_store %arg9[%swap3A_453, %swap3A_454], %swap3A_457 {strides = array<i32>} : memref<64x512xf32, #tpu.memory_space<vmem>>, vector<1x16xf32>,
          %get3A_458 = arith.index_cast %scan3A_357 : i32 to index
          %get3A_459 = arith.constant 160 : index
          %get3A_460 = tpu.vector_load %arg9[%get3A_458, %get3A_459] {strides = array<i32>} : memref<64x512xf32, #tpu.memory_space<vmem>>, vector<1x16xf32>,
          %get3A_461 = vector.shape_cast %get3A_460 : vector<1x16xf32> to vector<16xf32>
          %add3A_462 = arith.addf %get3A_461, %get3A_217 : vector<16xf32>
          %swap3A_463 = arith.index_cast %scan3A_357 : i32 to index
          %swap3A_464 = arith.constant 160 : index
          %swap3A_465 = tpu.vector_load %arg9[%swap3A_463, %swap3A_464] {strides = array<i32>} : memref<64x512xf32, #tpu.memory_space<vmem>>, vector<1x16xf32>,
          %swap3A_466 = vector.shape_cast %swap3A_465 : vector<1x16xf32> to vector<16xf32>
          %swap3A_467 = vector.shape_cast %add3A_462 : vector<16xf32> to vector<1x16xf32>
          tpu.vector_store %arg9[%swap3A_463, %swap3A_464], %swap3A_467 {strides = array<i32>} : memref<64x512xf32, #tpu.memory_space<vmem>>, vector<1x16xf32>,
          %get3A_468 = arith.index_cast %scan3A_357 : i32 to index
          %get3A_469 = arith.constant 176 : index
          %get3A_470 = tpu.vector_load %arg9[%get3A_468, %get3A_469] {strides = array<i32>} : memref<64x512xf32, #tpu.memory_space<vmem>>, vector<1x16xf32>,
          %get3A_471 = vector.shape_cast %get3A_470 : vector<1x16xf32> to vector<16xf32>
          %add3A_472 = arith.addf %get3A_471, %get3A_221 : vector<16xf32>
          %swap3A_473 = arith.index_cast %scan3A_357 : i32 to index
          %swap3A_474 = arith.constant 176 : index
          %swap3A_475 = tpu.vector_load %arg9[%swap3A_473, %swap3A_474] {strides = array<i32>} : memref<64x512xf32, #tpu.memory_space<vmem>>, vector<1x16xf32>,
          %swap3A_476 = vector.shape_cast %swap3A_475 : vector<1x16xf32> to vector<16xf32>
          %swap3A_477 = vector.shape_cast %add3A_472 : vector<16xf32> to vector<1x16xf32>
          tpu.vector_store %arg9[%swap3A_473, %swap3A_474], %swap3A_477 {strides = array<i32>} : memref<64x512xf32, #tpu.memory_space<vmem>>, vector<1x16xf32>,
          %get3A_478 = arith.index_cast %scan3A_357 : i32 to index
          %get3A_479 = arith.constant 192 : index
          %get3A_480 = tpu.vector_load %arg9[%get3A_478, %get3A_479] {strides = array<i32>} : memref<64x512xf32, #tpu.memory_space<vmem>>, vector<1x16xf32>,
          %get3A_481 = vector.shape_cast %get3A_480 : vector<1x16xf32> to vector<16xf32>
          %add3A_482 = arith.addf %get3A_481, %get3A_225 : vector<16xf32>
          %swap3A_483 = arith.index_cast %scan3A_357 : i32 to index
          %swap3A_484 = arith.constant 192 : index
          %swap3A_485 = tpu.vector_load %arg9[%swap3A_483, %swap3A_484] {strides = array<i32>} : memref<64x512xf32, #tpu.memory_space<vmem>>, vector<1x16xf32>,
          %swap3A_486 = vector.shape_cast %swap3A_485 : vector<1x16xf32> to vector<16xf32>
          %swap3A_487 = vector.shape_cast %add3A_482 : vector<16xf32> to vector<1x16xf32>
          tpu.vector_store %arg9[%swap3A_483, %swap3A_484], %swap3A_487 {strides = array<i32>} : memref<64x512xf32, #tpu.memory_space<vmem>>, vector<1x16xf32>,
          %get3A_488 = arith.index_cast %scan3A_357 : i32 to index
          %get3A_489 = arith.constant 208 : index
          %get3A_490 = tpu.vector_load %arg9[%get3A_488, %get3A_489] {strides = array<i32>} : memref<64x512xf32, #tpu.memory_space<vmem>>, vector<1x16xf32>,
          %get3A_491 = vector.shape_cast %get3A_490 : vector<1x16xf32> to vector<16xf32>
          %add3A_492 = arith.addf %get3A_491, %get3A_229 : vector<16xf32>
          %swap3A_493 = arith.index_cast %scan3A_357 : i32 to index
          %swap3A_494 = arith.constant 208 : index
          %swap3A_495 = tpu.vector_load %arg9[%swap3A_493, %swap3A_494] {strides = array<i32>} : memref<64x512xf32, #tpu.memory_space<vmem>>, vector<1x16xf32>,
          %swap3A_496 = vector.shape_cast %swap3A_495 : vector<1x16xf32> to vector<16xf32>
          %swap3A_497 = vector.shape_cast %add3A_492 : vector<16xf32> to vector<1x16xf32>
          tpu.vector_store %arg9[%swap3A_493, %swap3A_494], %swap3A_497 {strides = array<i32>} : memref<64x512xf32, #tpu.memory_space<vmem>>, vector<1x16xf32>,
          %get3A_498 = arith.index_cast %scan3A_357 : i32 to index
          %get3A_499 = arith.constant 224 : index
          %get3A_500 = tpu.vector_load %arg9[%get3A_498, %get3A_499] {strides = array<i32>} : memref<64x512xf32, #tpu.memory_space<vmem>>, vector<1x16xf32>,
          %get3A_501 = vector.shape_cast %get3A_500 : vector<1x16xf32> to vector<16xf32>
          %add3A_502 = arith.addf %get3A_501, %get3A_233 : vector<16xf32>
          %swap3A_503 = arith.index_cast %scan3A_357 : i32 to index
          %swap3A_504 = arith.constant 224 : index
          %swap3A_505 = tpu.vector_load %arg9[%swap3A_503, %swap3A_504] {strides = array<i32>} : memref<64x512xf32, #tpu.memory_space<vmem>>, vector<1x16xf32>,
          %swap3A_506 = vector.shape_cast %swap3A_505 : vector<1x16xf32> to vector<16xf32>
          %swap3A_507 = vector.shape_cast %add3A_502 : vector<16xf32> to vector<1x16xf32>
          tpu.vector_store %arg9[%swap3A_503, %swap3A_504], %swap3A_507 {strides = array<i32>} : memref<64x512xf32, #tpu.memory_space<vmem>>, vector<1x16xf32>,
          %get3A_508 = arith.index_cast %scan3A_357 : i32 to index
          %get3A_509 = arith.constant 240 : index
          %get3A_510 = tpu.vector_load %arg9[%get3A_508, %get3A_509] {strides = array<i32>} : memref<64x512xf32, #tpu.memory_space<vmem>>, vector<1x16xf32>,
          %get3A_511 = vector.shape_cast %get3A_510 : vector<1x16xf32> to vector<16xf32>
          %add3A_512 = arith.addf %get3A_511, %get3A_237 : vector<16xf32>
          %swap3A_513 = arith.index_cast %scan3A_357 : i32 to index
          %swap3A_514 = arith.constant 240 : index
          %swap3A_515 = tpu.vector_load %arg9[%swap3A_513, %swap3A_514] {strides = array<i32>} : memref<64x512xf32, #tpu.memory_space<vmem>>, vector<1x16xf32>,
          %swap3A_516 = vector.shape_cast %swap3A_515 : vector<1x16xf32> to vector<16xf32>
          %swap3A_517 = vector.shape_cast %add3A_512 : vector<16xf32> to vector<1x16xf32>
          tpu.vector_store %arg9[%swap3A_513, %swap3A_514], %swap3A_517 {strides = array<i32>} : memref<64x512xf32, #tpu.memory_space<vmem>>, vector<1x16xf32>,
          %get3A_518 = arith.index_cast %scan3A_357 : i32 to index
          %get3A_519 = arith.constant 256 : index
          %get3A_520 = tpu.vector_load %arg9[%get3A_518, %get3A_519] {strides = array<i32>} : memref<64x512xf32, #tpu.memory_space<vmem>>, vector<1x16xf32>,
          %get3A_521 = vector.shape_cast %get3A_520 : vector<1x16xf32> to vector<16xf32>
          %add3A_522 = arith.addf %get3A_521, %get3A_241 : vector<16xf32>
          %swap3A_523 = arith.index_cast %scan3A_357 : i32 to index
          %swap3A_524 = arith.constant 256 : index
          %swap3A_525 = tpu.vector_load %arg9[%swap3A_523, %swap3A_524] {strides = array<i32>} : memref<64x512xf32, #tpu.memory_space<vmem>>, vector<1x16xf32>,
          %swap3A_526 = vector.shape_cast %swap3A_525 : vector<1x16xf32> to vector<16xf32>
          %swap3A_527 = vector.shape_cast %add3A_522 : vector<16xf32> to vector<1x16xf32>
          tpu.vector_store %arg9[%swap3A_523, %swap3A_524], %swap3A_527 {strides = array<i32>} : memref<64x512xf32, #tpu.memory_space<vmem>>, vector<1x16xf32>,
          %get3A_528 = arith.index_cast %scan3A_357 : i32 to index
          %get3A_529 = arith.constant 272 : index
          %get3A_530 = tpu.vector_load %arg9[%get3A_528, %get3A_529] {strides = array<i32>} : memref<64x512xf32, #tpu.memory_space<vmem>>, vector<1x16xf32>,
          %get3A_531 = vector.shape_cast %get3A_530 : vector<1x16xf32> to vector<16xf32>
          %add3A_532 = arith.addf %get3A_531, %get3A_245 : vector<16xf32>
          %swap3A_533 = arith.index_cast %scan3A_357 : i32 to index
          %swap3A_534 = arith.constant 272 : index
          %swap3A_535 = tpu.vector_load %arg9[%swap3A_533, %swap3A_534] {strides = array<i32>} : memref<64x512xf32, #tpu.memory_space<vmem>>, vector<1x16xf32>,
          %swap3A_536 = vector.shape_cast %swap3A_535 : vector<1x16xf32> to vector<16xf32>
          %swap3A_537 = vector.shape_cast %add3A_532 : vector<16xf32> to vector<1x16xf32>
          tpu.vector_store %arg9[%swap3A_533, %swap3A_534], %swap3A_537 {strides = array<i32>} : memref<64x512xf32, #tpu.memory_space<vmem>>, vector<1x16xf32>,
          %get3A_538 = arith.index_cast %scan3A_357 : i32 to index
          %get3A_539 = arith.constant 288 : index
          %get3A_540 = tpu.vector_load %arg9[%get3A_538, %get3A_539] {strides = array<i32>} : memref<64x512xf32, #tpu.memory_space<vmem>>, vector<1x16xf32>,
          %get3A_541 = vector.shape_cast %get3A_540 : vector<1x16xf32> to vector<16xf32>
          %add3A_542 = arith.addf %get3A_541, %get3A_249 : vector<16xf32>
          %swap3A_543 = arith.index_cast %scan3A_357 : i32 to index
          %swap3A_544 = arith.constant 288 : index
          %swap3A_545 = tpu.vector_load %arg9[%swap3A_543, %swap3A_544] {strides = array<i32>} : memref<64x512xf32, #tpu.memory_space<vmem>>, vector<1x16xf32>,
          %swap3A_546 = vector.shape_cast %swap3A_545 : vector<1x16xf32> to vector<16xf32>
          %swap3A_547 = vector.shape_cast %add3A_542 : vector<16xf32> to vector<1x16xf32>
          tpu.vector_store %arg9[%swap3A_543, %swap3A_544], %swap3A_547 {strides = array<i32>} : memref<64x512xf32, #tpu.memory_space<vmem>>, vector<1x16xf32>,
          %get3A_548 = arith.index_cast %scan3A_357 : i32 to index
          %get3A_549 = arith.constant 304 : index
          %get3A_550 = tpu.vector_load %arg9[%get3A_548, %get3A_549] {strides = array<i32>} : memref<64x512xf32, #tpu.memory_space<vmem>>, vector<1x16xf32>,
          %get3A_551 = vector.shape_cast %get3A_550 : vector<1x16xf32> to vector<16xf32>
          %add3A_552 = arith.addf %get3A_551, %get3A_253 : vector<16xf32>
          %swap3A_553 = arith.index_cast %scan3A_357 : i32 to index
          %swap3A_554 = arith.constant 304 : index
          %swap3A_555 = tpu.vector_load %arg9[%swap3A_553, %swap3A_554] {strides = array<i32>} : memref<64x512xf32, #tpu.memory_space<vmem>>, vector<1x16xf32>,
          %swap3A_556 = vector.shape_cast %swap3A_555 : vector<1x16xf32> to vector<16xf32>
          %swap3A_557 = vector.shape_cast %add3A_552 : vector<16xf32> to vector<1x16xf32>
          tpu.vector_store %arg9[%swap3A_553, %swap3A_554], %swap3A_557 {strides = array<i32>} : memref<64x512xf32, #tpu.memory_space<vmem>>, vector<1x16xf32>,
          %get3A_558 = arith.index_cast %scan3A_357 : i32 to index
          %get3A_559 = arith.constant 320 : index
          %get3A_560 = tpu.vector_load %arg9[%get3A_558, %get3A_559] {strides = array<i32>} : memref<64x512xf32, #tpu.memory_space<vmem>>, vector<1x16xf32>,
          %get3A_561 = vector.shape_cast %get3A_560 : vector<1x16xf32> to vector<16xf32>
          %add3A_562 = arith.addf %get3A_561, %get3A_257 : vector<16xf32>
          %swap3A_563 = arith.index_cast %scan3A_357 : i32 to index
          %swap3A_564 = arith.constant 320 : index
          %swap3A_565 = tpu.vector_load %arg9[%swap3A_563, %swap3A_564] {strides = array<i32>} : memref<64x512xf32, #tpu.memory_space<vmem>>, vector<1x16xf32>,
          %swap3A_566 = vector.shape_cast %swap3A_565 : vector<1x16xf32> to vector<16xf32>
          %swap3A_567 = vector.shape_cast %add3A_562 : vector<16xf32> to vector<1x16xf32>
          tpu.vector_store %arg9[%swap3A_563, %swap3A_564], %swap3A_567 {strides = array<i32>} : memref<64x512xf32, #tpu.memory_space<vmem>>, vector<1x16xf32>,
          %get3A_568 = arith.index_cast %scan3A_357 : i32 to index
          %get3A_569 = arith.constant 336 : index
          %get3A_570 = tpu.vector_load %arg9[%get3A_568, %get3A_569] {strides = array<i32>} : memref<64x512xf32, #tpu.memory_space<vmem>>, vector<1x16xf32>,
          %get3A_571 = vector.shape_cast %get3A_570 : vector<1x16xf32> to vector<16xf32>
          %add3A_572 = arith.addf %get3A_571, %get3A_261 : vector<16xf32>
          %swap3A_573 = arith.index_cast %scan3A_357 : i32 to index
          %swap3A_574 = arith.constant 336 : index
          %swap3A_575 = tpu.vector_load %arg9[%swap3A_573, %swap3A_574] {strides = array<i32>} : memref<64x512xf32, #tpu.memory_space<vmem>>, vector<1x16xf32>,
          %swap3A_576 = vector.shape_cast %swap3A_575 : vector<1x16xf32> to vector<16xf32>
          %swap3A_577 = vector.shape_cast %add3A_572 : vector<16xf32> to vector<1x16xf32>
          tpu.vector_store %arg9[%swap3A_573, %swap3A_574], %swap3A_577 {strides = array<i32>} : memref<64x512xf32, #tpu.memory_space<vmem>>, vector<1x16xf32>,
          %get3A_578 = arith.index_cast %scan3A_357 : i32 to index
          %get3A_579 = arith.constant 352 : index
          %get3A_580 = tpu.vector_load %arg9[%get3A_578, %get3A_579] {strides = array<i32>} : memref<64x512xf32, #tpu.memory_space<vmem>>, vector<1x16xf32>,
          %get3A_581 = vector.shape_cast %get3A_580 : vector<1x16xf32> to vector<16xf32>
          %add3A_582 = arith.addf %get3A_581, %get3A_265 : vector<16xf32>
          %swap3A_583 = arith.index_cast %scan3A_357 : i32 to index
          %swap3A_584 = arith.constant 352 : index
          %swap3A_585 = tpu.vector_load %arg9[%swap3A_583, %swap3A_584] {strides = array<i32>} : memref<64x512xf32, #tpu.memory_space<vmem>>, vector<1x16xf32>,
          %swap3A_586 = vector.shape_cast %swap3A_585 : vector<1x16xf32> to vector<16xf32>
          %swap3A_587 = vector.shape_cast %add3A_582 : vector<16xf32> to vector<1x16xf32>
          tpu.vector_store %arg9[%swap3A_583, %swap3A_584], %swap3A_587 {strides = array<i32>} : memref<64x512xf32, #tpu.memory_space<vmem>>, vector<1x16xf32>,
          %get3A_588 = arith.index_cast %scan3A_357 : i32 to index
          %get3A_589 = arith.constant 368 : index
          %get3A_590 = tpu.vector_load %arg9[%get3A_588, %get3A_589] {strides = array<i32>} : memref<64x512xf32, #tpu.memory_space<vmem>>, vector<1x16xf32>,
          %get3A_591 = vector.shape_cast %get3A_590 : vector<1x16xf32> to vector<16xf32>
          %add3A_592 = arith.addf %get3A_591, %get3A_269 : vector<16xf32>
          %swap3A_593 = arith.index_cast %scan3A_357 : i32 to index
          %swap3A_594 = arith.constant 368 : index
          %swap3A_595 = tpu.vector_load %arg9[%swap3A_593, %swap3A_594] {strides = array<i32>} : memref<64x512xf32, #tpu.memory_space<vmem>>, vector<1x16xf32>,
          %swap3A_596 = vector.shape_cast %swap3A_595 : vector<1x16xf32> to vector<16xf32>
          %swap3A_597 = vector.shape_cast %add3A_592 : vector<16xf32> to vector<1x16xf32>
          tpu.vector_store %arg9[%swap3A_593, %swap3A_594], %swap3A_597 {strides = array<i32>} : memref<64x512xf32, #tpu.memory_space<vmem>>, vector<1x16xf32>,
          %get3A_598 = arith.index_cast %scan3A_357 : i32 to index
          %get3A_599 = arith.constant 384 : index
          %get3A_600 = tpu.vector_load %arg9[%get3A_598, %get3A_599] {strides = array<i32>} : memref<64x512xf32, #tpu.memory_space<vmem>>, vector<1x16xf32>,
          %get3A_601 = vector.shape_cast %get3A_600 : vector<1x16xf32> to vector<16xf32>
          %add3A_602 = arith.addf %get3A_601, %get3A_273 : vector<16xf32>
          %swap3A_603 = arith.index_cast %scan3A_357 : i32 to index
          %swap3A_604 = arith.constant 384 : index
          %swap3A_605 = tpu.vector_load %arg9[%swap3A_603, %swap3A_604] {strides = array<i32>} : memref<64x512xf32, #tpu.memory_space<vmem>>, vector<1x16xf32>,
          %swap3A_606 = vector.shape_cast %swap3A_605 : vector<1x16xf32> to vector<16xf32>
          %swap3A_607 = vector.shape_cast %add3A_602 : vector<16xf32> to vector<1x16xf32>
          tpu.vector_store %arg9[%swap3A_603, %swap3A_604], %swap3A_607 {strides = array<i32>} : memref<64x512xf32, #tpu.memory_space<vmem>>, vector<1x16xf32>,
          %get3A_608 = arith.index_cast %scan3A_357 : i32 to index
          %get3A_609 = arith.constant 400 : index
          %get3A_610 = tpu.vector_load %arg9[%get3A_608, %get3A_609] {strides = array<i32>} : memref<64x512xf32, #tpu.memory_space<vmem>>, vector<1x16xf32>,
          %get3A_611 = vector.shape_cast %get3A_610 : vector<1x16xf32> to vector<16xf32>
          %add3A_612 = arith.addf %get3A_611, %get3A_277 : vector<16xf32>
          %swap3A_613 = arith.index_cast %scan3A_357 : i32 to index
          %swap3A_614 = arith.constant 400 : index
          %swap3A_615 = tpu.vector_load %arg9[%swap3A_613, %swap3A_614] {strides = array<i32>} : memref<64x512xf32, #tpu.memory_space<vmem>>, vector<1x16xf32>,
          %swap3A_616 = vector.shape_cast %swap3A_615 : vector<1x16xf32> to vector<16xf32>
          %swap3A_617 = vector.shape_cast %add3A_612 : vector<16xf32> to vector<1x16xf32>
          tpu.vector_store %arg9[%swap3A_613, %swap3A_614], %swap3A_617 {strides = array<i32>} : memref<64x512xf32, #tpu.memory_space<vmem>>, vector<1x16xf32>,
          %get3A_618 = arith.index_cast %scan3A_357 : i32 to index
          %get3A_619 = arith.constant 416 : index
          %get3A_620 = tpu.vector_load %arg9[%get3A_618, %get3A_619] {strides = array<i32>} : memref<64x512xf32, #tpu.memory_space<vmem>>, vector<1x16xf32>,
          %get3A_621 = vector.shape_cast %get3A_620 : vector<1x16xf32> to vector<16xf32>
          %add3A_622 = arith.addf %get3A_621, %get3A_281 : vector<16xf32>
          %swap3A_623 = arith.index_cast %scan3A_357 : i32 to index
          %swap3A_624 = arith.constant 416 : index
          %swap3A_625 = tpu.vector_load %arg9[%swap3A_623, %swap3A_624] {strides = array<i32>} : memref<64x512xf32, #tpu.memory_space<vmem>>, vector<1x16xf32>,
          %swap3A_626 = vector.shape_cast %swap3A_625 : vector<1x16xf32> to vector<16xf32>
          %swap3A_627 = vector.shape_cast %add3A_622 : vector<16xf32> to vector<1x16xf32>
          tpu.vector_store %arg9[%swap3A_623, %swap3A_624], %swap3A_627 {strides = array<i32>} : memref<64x512xf32, #tpu.memory_space<vmem>>, vector<1x16xf32>,
          %get3A_628 = arith.index_cast %scan3A_357 : i32 to index
          %get3A_629 = arith.constant 432 : index
          %get3A_630 = tpu.vector_load %arg9[%get3A_628, %get3A_629] {strides = array<i32>} : memref<64x512xf32, #tpu.memory_space<vmem>>, vector<1x16xf32>,
          %get3A_631 = vector.shape_cast %get3A_630 : vector<1x16xf32> to vector<16xf32>
          %add3A_632 = arith.addf %get3A_631, %get3A_285 : vector<16xf32>
          %swap3A_633 = arith.index_cast %scan3A_357 : i32 to index
          %swap3A_634 = arith.constant 432 : index
          %swap3A_635 = tpu.vector_load %arg9[%swap3A_633, %swap3A_634] {strides = array<i32>} : memref<64x512xf32, #tpu.memory_space<vmem>>, vector<1x16xf32>,
          %swap3A_636 = vector.shape_cast %swap3A_635 : vector<1x16xf32> to vector<16xf32>
          %swap3A_637 = vector.shape_cast %add3A_632 : vector<16xf32> to vector<1x16xf32>
          tpu.vector_store %arg9[%swap3A_633, %swap3A_634], %swap3A_637 {strides = array<i32>} : memref<64x512xf32, #tpu.memory_space<vmem>>, vector<1x16xf32>,
          %get3A_638 = arith.index_cast %scan3A_357 : i32 to index
          %get3A_639 = arith.constant 448 : index
          %get3A_640 = tpu.vector_load %arg9[%get3A_638, %get3A_639] {strides = array<i32>} : memref<64x512xf32, #tpu.memory_space<vmem>>, vector<1x16xf32>,
          %get3A_641 = vector.shape_cast %get3A_640 : vector<1x16xf32> to vector<16xf32>
          %add3A_642 = arith.addf %get3A_641, %get3A_289 : vector<16xf32>
          %swap3A_643 = arith.index_cast %scan3A_357 : i32 to index
          %swap3A_644 = arith.constant 448 : index
          %swap3A_645 = tpu.vector_load %arg9[%swap3A_643, %swap3A_644] {strides = array<i32>} : memref<64x512xf32, #tpu.memory_space<vmem>>, vector<1x16xf32>,
          %swap3A_646 = vector.shape_cast %swap3A_645 : vector<1x16xf32> to vector<16xf32>
          %swap3A_647 = vector.shape_cast %add3A_642 : vector<16xf32> to vector<1x16xf32>
          tpu.vector_store %arg9[%swap3A_643, %swap3A_644], %swap3A_647 {strides = array<i32>} : memref<64x512xf32, #tpu.memory_space<vmem>>, vector<1x16xf32>,
          %get3A_648 = arith.index_cast %scan3A_357 : i32 to index
          %get3A_649 = arith.constant 464 : index
          %get3A_650 = tpu.vector_load %arg9[%get3A_648, %get3A_649] {strides = array<i32>} : memref<64x512xf32, #tpu.memory_space<vmem>>, vector<1x16xf32>,
          %get3A_651 = vector.shape_cast %get3A_650 : vector<1x16xf32> to vector<16xf32>
          %add3A_652 = arith.addf %get3A_651, %get3A_293 : vector<16xf32>
          %swap3A_653 = arith.index_cast %scan3A_357 : i32 to index
          %swap3A_654 = arith.constant 464 : index
          %swap3A_655 = tpu.vector_load %arg9[%swap3A_653, %swap3A_654] {strides = array<i32>} : memref<64x512xf32, #tpu.memory_space<vmem>>, vector<1x16xf32>,
          %swap3A_656 = vector.shape_cast %swap3A_655 : vector<1x16xf32> to vector<16xf32>
          %swap3A_657 = vector.shape_cast %add3A_652 : vector<16xf32> to vector<1x16xf32>
          tpu.vector_store %arg9[%swap3A_653, %swap3A_654], %swap3A_657 {strides = array<i32>} : memref<64x512xf32, #tpu.memory_space<vmem>>, vector<1x16xf32>,
          %get3A_658 = arith.index_cast %scan3A_357 : i32 to index
          %get3A_659 = arith.constant 480 : index
          %get3A_660 = tpu.vector_load %arg9[%get3A_658, %get3A_659] {strides = array<i32>} : memref<64x512xf32, #tpu.memory_space<vmem>>, vector<1x16xf32>,
          %get3A_661 = vector.shape_cast %get3A_660 : vector<1x16xf32> to vector<16xf32>
          %add3A_662 = arith.addf %get3A_661, %get3A_297 : vector<16xf32>
          %swap3A_663 = arith.index_cast %scan3A_357 : i32 to index
          %swap3A_664 = arith.constant 480 : index
          %swap3A_665 = tpu.vector_load %arg9[%swap3A_663, %swap3A_664] {strides = array<i32>} : memref<64x512xf32, #tpu.memory_space<vmem>>, vector<1x16xf32>,
          %swap3A_666 = vector.shape_cast %swap3A_665 : vector<1x16xf32> to vector<16xf32>
          %swap3A_667 = vector.shape_cast %add3A_662 : vector<16xf32> to vector<1x16xf32>
          tpu.vector_store %arg9[%swap3A_663, %swap3A_664], %swap3A_667 {strides = array<i32>} : memref<64x512xf32, #tpu.memory_space<vmem>>, vector<1x16xf32>,
          %get3A_668 = arith.index_cast %scan3A_357 : i32 to index
          %get3A_669 = arith.constant 496 : index
          %get3A_670 = tpu.vector_load %arg9[%get3A_668, %get3A_669] {strides = array<i32>} : memref<64x512xf32, #tpu.memory_space<vmem>>, vector<1x16xf32>,
          %get3A_671 = vector.shape_cast %get3A_670 : vector<1x16xf32> to vector<16xf32>
          %add3A_672 = arith.addf %get3A_671, %get3A_301 : vector<16xf32>
          %swap3A_673 = arith.index_cast %scan3A_357 : i32 to index
          %swap3A_674 = arith.constant 496 : index
          %swap3A_675 = tpu.vector_load %arg9[%swap3A_673, %swap3A_674] {strides = array<i32>} : memref<64x512xf32, #tpu.memory_space<vmem>>, vector<1x16xf32>,
          %swap3A_676 = vector.shape_cast %swap3A_675 : vector<1x16xf32> to vector<16xf32>
          %swap3A_677 = vector.shape_cast %add3A_672 : vector<16xf32> to vector<1x16xf32>
          tpu.vector_store %arg9[%swap3A_673, %swap3A_674], %swap3A_677 {strides = array<i32>} : memref<64x512xf32, #tpu.memory_space<vmem>>, vector<1x16xf32>,
          %scan3A_678 = arith.constant 0 : i32
          scf.yield %scan3A_678 : i32
        }
        %scan3A_308 = arith.constant 64 : i32
        %jit3A_309 = arith.constant 16 : i32
        %eq3A_310 = arith.constant 0 : i32
        %eq3A_311 = arith.cmpi eq, %jit3A_309, %eq3A_310 : i32
        %jit3A_312 = arith.constant 1 : i32
        %select_n3A_313 = arith.select %eq3A_311, %jit3A_312, %jit3A_309 : i32
        %rem3A_314 = arith.remsi %sub3A_110, %select_n3A_313 : i32
        %ne3A_315 = arith.constant 0 : i32
        %ne3A_316 = arith.cmpi ne, %rem3A_314, %ne3A_315 : i32
        %lt3A_317 = arith.constant 0 : i32
        %lt3A_318 = arith.cmpi slt, %rem3A_314, %lt3A_317 : i32
        %lt3A_319 = arith.constant 0 : i32
        %lt3A_320 = arith.cmpi slt, %select_n3A_313, %lt3A_319 : i32
        %ne3A_321 = arith.xori %lt3A_318, %lt3A_320 : i1
        %and3A_322 = arith.andi %ne3A_321, %ne3A_316 : i1
        %add3A_323 = arith.addi %rem3A_314, %select_n3A_313 : i32
        %select_n3A_324 = arith.select %and3A_322, %add3A_323, %rem3A_314 : i32
        %mul3A_325 = arith.constant 64 : i32
        %mul3A_326 = arith.muli %select_n3A_324, %mul3A_325 : i32
        %jit3A_327 = arith.constant 16 : i32
        %div3A_328 = arith.divsi %sub3A_110, %jit3A_327 : i32
        %sign3A_329 = arith.constant 0 : i32
        %sign3A_330 = arith.cmpi sgt, %sub3A_110, %sign3A_329 : i32
        %sign3A_331 = arith.extui %sign3A_330 : i1 to i32
        %sign3A_332 = arith.constant 0 : i32
        %sign3A_333 = arith.cmpi slt, %sub3A_110, %sign3A_332 : i32
        %sign3A_334 = arith.extui %sign3A_333 : i1 to i32
        %sign3A_335 = arith.subi %sign3A_331, %sign3A_334 : i32
        %sign3A_336 = arith.constant 0 : i32
        %sign3A_337 = arith.cmpi sgt, %jit3A_327, %sign3A_336 : i32
        %sign3A_338 = arith.extui %sign3A_337 : i1 to i32
        %sign3A_339 = arith.constant 0 : i32
        %sign3A_340 = arith.cmpi slt, %jit3A_327, %sign3A_339 : i32
        %sign3A_341 = arith.extui %sign3A_340 : i1 to i32
        %sign3A_342 = arith.subi %sign3A_338, %sign3A_341 : i32
        %ne3A_343 = arith.cmpi ne, %sign3A_335, %sign3A_342 : i32
        %rem3A_344 = arith.remsi %sub3A_110, %jit3A_327 : i32
        %ne3A_345 = arith.constant 0 : i32
        %ne3A_346 = arith.cmpi ne, %rem3A_344, %ne3A_345 : i32
        %and3A_347 = arith.andi %ne3A_343, %ne3A_346 : i1
        %sub3A_348 = arith.constant 1 : i32
        %sub3A_349 = arith.subi %div3A_328, %sub3A_348 : i32
        %select_n3A_350 = arith.select %and3A_347, %sub3A_349, %div3A_328 : i32
        %add3A_351 = arith.addi %mul3A_2, %select_n3A_350 : i32
        %dma_start3A = arith.constant 0 : i32
        %dma_start3A_352 = tpu.memref_slice %arg5[%mul3A_326, %add3A_351, %dma_start3A] : memref<1024x256x512xf32, #tpu.memory_space<hbm>> -> memref<64x1x512xf32, #tpu.memory_space<hbm>>
        %dma_start3A_353 = tpu.memref_squeeze %dma_start3A_352 : memref<64x1x512xf32, #tpu.memory_space<hbm>> -> memref<64x512xf32, #tpu.memory_space<hbm>>
        %dma_start3A_354 = arith.constant 0 : i32
        %dma_start3A_355 = tpu.memref_slice %arg5[%mul3A_326, %add3A_351, %dma_start3A_354] : memref<1024x256x512xf32, #tpu.memory_space<hbm>> -> memref<64x1x512xf32, #tpu.memory_space<hbm>>
        %dma_start3A_356 = tpu.memref_squeeze %dma_start3A_355 : memref<64x1x512xf32, #tpu.memory_space<hbm>> -> memref<64x512xf32, #tpu.memory_space<hbm>>
        tpu.enqueue_dma source(%arg9 : memref<64x512xf32, #tpu.memory_space<vmem>>) target(%dma_start3A_356 : memref<64x512xf32, #tpu.memory_space<hbm>>) target_semaphore(%arg15 : memref<!tpu.dma_semaphore, #tpu.memory_space<semaphore_mem>>)
      } else {
      }
      %scan3A_109 = arith.constant 0 : i32
      scf.yield %scan3A_109 : i32
    }
    %scan3A_8 = arith.constant 43 : i32
    %add3A_9 = arith.constant 7 : i32
    %add3A_10 = arith.addi %mul3A_2, %add3A_9 : i32
    %dma_wait3A = arith.constant 832 : i32
    %dma_wait3A_11 = arith.constant 0 : i32
    %dma_wait3A_12 = tpu.memref_slice %arg5[%dma_wait3A, %add3A_10, %dma_wait3A_11] : memref<1024x256x512xf32, #tpu.memory_space<hbm>> -> memref<64x1x512xf32, #tpu.memory_space<hbm>>
    %dma_wait3A_13 = tpu.memref_squeeze %dma_wait3A_12 : memref<64x1x512xf32, #tpu.memory_space<hbm>> -> memref<64x512xf32, #tpu.memory_space<hbm>>
    %dma_wait3A_14 = arith.constant 832 : i32
    %dma_wait3A_15 = arith.constant 0 : i32
    %dma_wait3A_16 = tpu.memref_slice %arg5[%dma_wait3A_14, %add3A_10, %dma_wait3A_15] : memref<1024x256x512xf32, #tpu.memory_space<hbm>> -> memref<64x1x512xf32, #tpu.memory_space<hbm>>
    %dma_wait3A_17 = tpu.memref_squeeze %dma_wait3A_16 : memref<64x1x512xf32, #tpu.memory_space<hbm>> -> memref<64x512xf32, #tpu.memory_space<hbm>>
    tpu.wait_dma2 semaphore(%arg16 : memref<!tpu.dma_semaphore, #tpu.memory_space<semaphore_mem>>) src(%arg10 : memref<64x512xf32, #tpu.memory_space<vmem>>) dst(%dma_wait3A_17 : memref<64x512xf32, #tpu.memory_space<hbm>>)
    %add3A_18 = arith.constant 7 : i32
    %add3A_19 = arith.addi %mul3A_2, %add3A_18 : i32
    %dma_wait3A_20 = arith.constant 896 : i32
    %dma_wait3A_21 = arith.constant 0 : i32
    %dma_wait3A_22 = tpu.memref_slice %arg5[%dma_wait3A_20, %add3A_19, %dma_wait3A_21] : memref<1024x256x512xf32, #tpu.memory_space<hbm>> -> memref<64x1x512xf32, #tpu.memory_space<hbm>>
    %dma_wait3A_23 = tpu.memref_squeeze %dma_wait3A_22 : memref<64x1x512xf32, #tpu.memory_space<hbm>> -> memref<64x512xf32, #tpu.memory_space<hbm>>
    %dma_wait3A_24 = arith.constant 896 : i32
    %dma_wait3A_25 = arith.constant 0 : i32
    %dma_wait3A_26 = tpu.memref_slice %arg5[%dma_wait3A_24, %add3A_19, %dma_wait3A_25] : memref<1024x256x512xf32, #tpu.memory_space<hbm>> -> memref<64x1x512xf32, #tpu.memory_space<hbm>>
    %dma_wait3A_27 = tpu.memref_squeeze %dma_wait3A_26 : memref<64x1x512xf32, #tpu.memory_space<hbm>> -> memref<64x512xf32, #tpu.memory_space<hbm>>
    tpu.wait_dma2 semaphore(%arg14 : memref<!tpu.dma_semaphore, #tpu.memory_space<semaphore_mem>>) src(%arg8 : memref<64x512xf32, #tpu.memory_space<vmem>>) dst(%dma_wait3A_27 : memref<64x512xf32, #tpu.memory_space<hbm>>)
    %add3A_28 = arith.constant 7 : i32
    %add3A_29 = arith.addi %mul3A_2, %add3A_28 : i32
    %dma_wait3A_30 = arith.constant 960 : i32
    %dma_wait3A_31 = arith.constant 0 : i32
    %dma_wait3A_32 = tpu.memref_slice %arg5[%dma_wait3A_30, %add3A_29, %dma_wait3A_31] : memref<1024x256x512xf32, #tpu.memory_space<hbm>> -> memref<64x1x512xf32, #tpu.memory_space<hbm>>
    %dma_wait3A_33 = tpu.memref_squeeze %dma_wait3A_32 : memref<64x1x512xf32, #tpu.memory_space<hbm>> -> memref<64x512xf32, #tpu.memory_space<hbm>>
    %dma_wait3A_34 = arith.constant 960 : i32
    %dma_wait3A_35 = arith.constant 0 : i32
    %dma_wait3A_36 = tpu.memref_slice %arg5[%dma_wait3A_34, %add3A_29, %dma_wait3A_35] : memref<1024x256x512xf32, #tpu.memory_space<hbm>> -> memref<64x1x512xf32, #tpu.memory_space<hbm>>
    %dma_wait3A_37 = tpu.memref_squeeze %dma_wait3A_36 : memref<64x1x512xf32, #tpu.memory_space<hbm>> -> memref<64x512xf32, #tpu.memory_space<hbm>>
    tpu.wait_dma2 semaphore(%arg15 : memref<!tpu.dma_semaphore, #tpu.memory_space<semaphore_mem>>) src(%arg9 : memref<64x512xf32, #tpu.memory_space<vmem>>) dst(%dma_wait3A_37 : memref<64x512xf32, #tpu.memory_space<hbm>>)
    return
  }
}

</mosaic_0001>

<sc_bundles>
// kernel: kernel.3.cloned.1.call-start
scs
__scs_entry_jumppad:
0x0: {  	(pc) =	sbr.rel $0x88, $3  }
0x1: {  	(tag) =	ssettag $0x0;
	lr =	simm.s32 $0x1  }
0x2: {  	[smem:$0x3F9F] =	sst lr;
	_ =	strace $0xD0000000  }
0x3: {  	_ = 	snop  }
0x4: {  	_ = 	snop  }
0x5: {  	_ = 	snop  }
0x6: {  	_ = 	snop  }
0x7: {  	_ = 	snop  }
__scs_overlays_trampoline_lowered:
0x8: {  	[smem:$0x3FAE] =	sst s0  }
0x9: {  	[smem:$0x3FAF] =	sst s1  }
0xa: {  	[smem:$0x3FB0] =	sst s2  }
0xb: {  	[smem:$0x3FB1] =	sst s3  }
0xc: {  	[smem:$0x3FB2] =	sst s4  }
0xd: {  	[smem:$0x3FB3] =	sst s5  }
0xe: {  	[smem:$0x3FB4] =	sst s6  }
0xf: {  	[smem:$0x3FB5] =	sst s7  }
0x10: {  	[smem:$0x3FB6] =	sst s8  }
0x11: {  	[smem:$0x3FB7] =	sst s9;
	s0 =	simm.s32 @!p0 $0x0  }
0x12: {  	s1 =	sld [smem:$0x3F9D];
	s0 =	simm.s32 @p0 $0x1  }
0x13: {  	[smem:$0x3FB8] =	sst s0;
	s0 =	simm.s32 @!p1 $0x0  }
0x14: {  	s2 =	sld [smem:$0x3F9C];
	s0 =	simm.s32 @p1 $0x1  }
0x15: {  	[smem:$0x3FB9] =	sst s0;
	s0 =	simm.s32 @!p2 $0x0  }
0x16: {  	s3 =	sld [smem:$0x3FDB];
	s0 =	simm.s32 @p2 $0x1  }
0x17: {  	s4 =	simm.s32 $0x1BF5;
	[smem:$0x3FBB] =	sst s0  }
0x18: {  	s0 =	sld [smem:$0x3F9E];
	_ =	swait.ge [sflag:s4], $0x0  }
0x19: {  	s7 =	sld [smem:$0x3F9F]  }
0x1a: {  	s8 =	sadd.s32 $0xFFFFE003, lr  }
0x1b: {  	s9 =	sadd.s32 $0xFFFFFEF7, lr;
	s5 =	simm.s32 $0xFFFFFFFF;
	p2 =	slt.u32 s8, $0xFFFFF086  }
0x1c: {  	p1 =	slt.u32 s9, $0xF7A;
	s5 =	simm.s32 @!p2 $0x0  }
0x1d: {  	s5 =	simm.s32 @p1 $0x1;
	p0 =	seq.s32 s7, s2  }
0x1e: {  	s7 =	smul.u32 @!p0 $0xF7A, s2;
	p2 =	seq.s32 @!p0 s5, $0x0  }
0x1f: {  	s9 =	smul.u32 $0xF7A, s1;
	s8 =	simm.s32 @!p0 $0x1BF5;
	p2 =	por !p2, p0  }
0x20: {  	[sflag:s8] =	ssyncset.s32 @!p0 $0xFFFFF086;
	s6 =	sadd.s32 @!p0 s3, s7;
	s7 =	simm.s32 @!p0 $0x108  }
0x21: {  	s3 =	sadd.s32 s3, s9;
	s6 =	sadd.s32 @!p0 $0x88, s6;
	s7 =	simm.s32 @p2 $0x1082  }
0x22: {  	[simem:s7], [sflag:s8] =	dma.local @!p0 [hbm:s6], $0xF7A  }
0x23: {  	s9 =	sor.u32 $0xD0000000, s2;
	s6 =	simm.s32 $0x108;
	_ =	swait.ge @!p0 [sflag:s8], $0x0  }
0x24: {  	s3 =	sadd.s32 $0x88, s3;
	s6 =	simm.s32 @!p1 $0x1082;
	[sflag:s4] =	ssyncset.s32 $0xFFFFF086  }
0x25: {  	[simem:s6], [sflag:s4] =	dma.local [hbm:s3], $0xF7A  }
0x26: {  	[smem:$0x3F9F] =	sst s1;
	(tag) =	ssettag s2;
	_ =	strace s9  }
0x27: {  	s1 =	sld [smem:$0x3FAF]  }
0x28: {  	s2 =	sld [smem:$0x3FB0]  }
0x29: {  	s4 =	sld [smem:$0x3FB2]  }
0x2a: {  	p0 =	seq.s32 s5, $0x0;
	s5 =	sld [smem:$0x3FB3]  }
0x2b: {  	s6 =	sld [smem:$0x3FB4]  }
0x2c: {  	s7 =	sld [smem:$0x3FB5]  }
0x2d: {  	s3 =	simm.s32 $0x108;
	s8 =	sld [smem:$0x3FB6]  }
0x2e: {  	s3 =	simm.s32 @!p0 $0x1082;
	s9 =	sld [smem:$0x3FB7]  }
0x2f: {  	lr =	sadd.s32 s0, s3;
	s0 =	sld [smem:$0x3FAE]  }
0x30: {  	s3 =	sld [smem:$0x3FB1]  }
0x31: {  	[smem:$0x3FBA] =	sst s10  }
0x32: {  	s10 =	sld [smem:$0x3FB8];
	_ =	sdelay $0x3  }
0x33: {  	p0 =	seq.s32 s10, $0x1;
	s10 =	sld [smem:$0x3FBA];
	_ =	sdelay $0x3  }
0x34: {  	[smem:$0x3FBA] =	sst s10  }
0x35: {  	s10 =	sld [smem:$0x3FB9];
	_ =	sdelay $0x3  }
0x36: {  	p1 =	seq.s32 s10, $0x1;
	s10 =	sld [smem:$0x3FBA];
	_ =	sdelay $0x3  }
0x37: {  	[smem:$0x3FBA] =	sst s10  }
0x38: {  	s10 =	sld [smem:$0x3FBB]  }
0x39: {  	_ = 	snop;
	(pc) =	sbr.ind lr, $3  }
0x3a: {  	_ = 	snop  }
0x3b: {  	_ = 	snop  }
0x3c: {  	p2 =	seq.s32 s10, $0x1;
	s10 =	sld [smem:$0x3FBA]  }
0x3d: {  	_ =	shalt  }
0x3e: {  	_ =	shalt  }
0x3f: {  	_ =	shalt  }
0x40: {  	_ =	shalt  }
0x41: {  	_ =	shalt  }
0x42: {  	_ =	shalt  }
0x43: {  	_ =	shalt  }
0x44: {  	_ =	shalt  }
0x45: {  	_ =	shalt  }
0x46: {  	_ =	shalt  }
0x47: {  	_ =	shalt  }
0x48: {  	_ =	shalt  }
0x49: {  	_ =	shalt  }
0x4a: {  	_ =	shalt  }
0x4b: {  	_ =	shalt  }
0x4c: {  	_ =	shalt  }
0x4d: {  	_ =	shalt  }
0x4e: {  	_ =	shalt  }
0x4f: {  	_ =	shalt  }
0x50: {  	_ =	shalt  }
0x51: {  	_ =	shalt  }
0x52: {  	_ =	shalt  }
0x53: {  	_ =	shalt  }
0x54: {  	_ =	shalt  }
0x55: {  	_ =	shalt  }
0x56: {  	_ =	shalt  }
0x57: {  	_ =	shalt  }
0x58: {  	_ =	shalt  }
0x59: {  	_ =	shalt  }
0x5a: {  	_ =	shalt  }
0x5b: {  	_ =	shalt  }
0x5c: {  	_ =	shalt  }
0x5d: {  	_ =	shalt  }
0x5e: {  	_ =	shalt  }
0x5f: {  	_ =	shalt  }
0x60: {  	_ =	shalt  }
0x61: {  	_ =	shalt  }
0x62: {  	_ =	shalt  }
0x63: {  	_ =	shalt  }
0x64: {  	_ =	shalt  }
0x65: {  	_ =	shalt  }
0x66: {  	_ =	shalt  }
0x67: {  	_ =	shalt  }
0x68: {  	_ =	shalt  }
0x69: {  	_ =	shalt  }
0x6a: {  	_ =	shalt  }
0x6b: {  	_ =	shalt  }
0x6c: {  	_ =	shalt  }
0x6d: {  	_ =	shalt  }
0x6e: {  	_ =	shalt  }
0x6f: {  	_ =	shalt  }
0x70: {  	_ =	shalt  }
0x71: {  	_ =	shalt  }
0x72: {  	_ =	shalt  }
0x73: {  	_ =	shalt  }
0x74: {  	_ =	shalt  }
0x75: {  	_ =	shalt  }
0x76: {  	_ =	shalt  }
0x77: {  	_ =	shalt  }
0x78: {  	_ =	shalt  }
0x79: {  	_ =	shalt  }
0x7a: {  	_ =	shalt  }
0x7b: {  	_ =	shalt  }
0x7c: {  	_ =	shalt  }
0x7d: {  	_ =	shalt  }
0x7e: {  	_ =	shalt  }
0x7f: {  	_ =	shalt  }
0x80: {  	_ =	shalt  }
0x81: {  	_ =	shalt  }
0x82: {  	_ =	shalt  }
0x83: {  	_ =	shalt  }
0x84: {  	_ =	shalt  }
0x85: {  	_ =	shalt  }
0x86: {  	_ =	shalt  }
0x87: {  	_ =	shalt  }
.Lfunc_end0:
.L_simem_size_0:
called_computation_lowered:
.L_overlay_start_0:
0x88: {  	s2 =	sld [smem:$0x3FD9]  }
0x89: {  	s3 =	sld [smem:$0x3FFE];
	_ =	sdelay $0x1  }
0x8a: {  	s1 =	srdreg.scid  }
0x8b: {  	s0 =	sand.u32 $0x1, s1  }
0x8c: {  	s17 =	sshll.u32 s0, $0xA;
	s2 =	sadd.s32 s3, s2  }
0x8d: {  	s2 =	sadd.s32 s2, s17  }
0x8e: {  	[smem:$0x3FC6] =	sst s2  }
0x8f: {  	_ = 	snop  }
0x90: {  	s2 =	sld [smem:$0x3FC8]  }
0x91: {  	s18 =	sld [smem:$0x3FD0];
	(tm) =	ssettm $0x1  }
0x92: {  	s4 =	sld [smem:$0x3FFB];
	_ =	sdelay $0x3  }
0x93: {  	_ =	strace s4  }
0x94: {  	s4 =	sld [smem:$0x3FFC];
	_ =	sdelay $0x3  }
0x95: {  	_ =	strace s4  }
0x96: {  	s4 =	sld [smem:$0x3FFD];
	_ =	sdelay $0x3  }
0x97: {  	_ =	strace s4  }
0x98: {  	_ =	strace $0x8FFFFFFF  }
0x99: {  	s19 =	sld [smem:$0x3FDB];
	_ =	sdelay $0x1  }
0x9a: {  	s5 =	simm.s32 $_scs_section_size  }
0x9b: {  	s6 =	simm.s32 $_size__tile_overlayer_lowered;
	s7 =	simm.s32 $_tile_overlayer_lowered  }
0x9c: {  	s22 =	simm.s32 $0x1BFF;
	s21 =	sshll.u32 s7, $0x1;
	s4 =	sadd.s32 s5, s19  }
0x9d: {  	s8 =	simm.s32 $0x0;
	s20 =	sshll.u32 s6, $0x1;
	s6 =	sadd.s32 s21, s4  }
0x9e: {  	[timem:s8], [sflag:s22] =	dma.local [hbm:s6], s20  }
0x9f: {  	_ =	swait.ge [sflag:s22], s20  }
0xa0: {  	s5 =	ssub.s32 $0x0, s20;
	[sflag:s22] =	ssyncset.done $0x0  }
0xa1: {  	[sflag:s22] =	ssyncadd.s32 s5;
	_ =	sdelay $0x1  }
0xa2: {  	s23 =	simm.s32 $0x1B8B  }
0xa3: {  	_ =	swait.ge [sflag:s23], $0x1  }
0xa4: {  	[sflag:s23] =	ssyncset.done $0x0  }
0xa5: {  	s25 =	simm.s32 $0x1B8E;
	s24 =	sld [smem:$0x3FFE];
	[sflag:s23] =	ssyncadd.s32 $0xFFFFFFFF  }
0xa6: {  	s26 =	simm.s32 $execute0_lowered;
	[smem:$0x3FD2] =	sst s25  }
0xa7: {  	s6 =	sshll.u32 s26, $0x1;
	_ =	strace $0x80000046;
	[dreg:$0x1] =	wrdreg $0xFFFFFFFF  }
0xa8: {  	s28 =	simm.s32 $_size_execute0_lowered;
	s4 =	sadd.s32 s4, s6;
	[dreg:$0x0] =	wrdreg $0x0  }
0xa9: {  	s6 =	sshll.u32 s28, $0x1;
	[dreg:$0x2] =	wrdreg s4  }
0xaa: {  	[dreg:$0x3] =	wrdreg s6  }
0xab: {  	[dreg:$0x4] =	wrdreg $0xC0  }
0xac: {  	_ =	task [dreg:s8], $0x5FFFF  }
0xad: {  	[dreg:$0x1] =	wrdreg $0xFFFFFFFF  }
0xae: {  	[dreg:$0x0] =	wrdreg $0x60  }
0xaf: {  	[dreg:$0x2] =	wrdreg s24  }
0xb0: {  	[dreg:$0x3] =	wrdreg s2  }
0xb1: {  	[dreg:$0x4] =	wrdreg s18  }
0xb2: {  	[dreg:$0x5] =	wrdreg $0x9  }
0xb3: {  	_ =	task.clear_ibuf [dreg:s8], $0x6FFFF;
	_ =	strace $0x90000046  }
0xb4: {  	s29 =	simm.s32 $0x9;
	_ =	strace $0x80000048  }
0xb5: {  	_ =	swait.ge [sflag:s29], $0x1  }
0xb6: {  	[sflag:s29] =	ssyncadd.s32 $0xFFFFFFFF  }
0xb7: {  	_ =	strace $0x90000048  }
0xb8: {  	_ =	sfence  }
0xb9: {  	s30 =	sld [smem:$0x0];
	_ =	sdelay $0x2  }
0xba: {  	s31 =	sshll.u32 s1, $0xD;
	s1 =	sshrl.u32 s1, $0x2  }
0xbb: {  	s3 =	sand.u32 $0x4000, s31;
	s1 =	sadd.s32 s1, s30  }
0xbc: {  	s0 =	sor.u32 s3, s0;
	s1 =	sshll.u32 s1, $0x11  }
0xbd: {  	s0 =	sor.u32 s1, s0  }
0xbe: {  	s0 =	sadd.s32 $0x8F2B, s0  }
0xbf: {  	[sflag:s0] =	ssyncadd.remote.s32 $0x1  }
0xc0: {  	_ =	sfence.sel $0xFFFF  }
0xc1: {  	[dreg:$0x0] =	wrdreg $0xFFFFFFFF;
	(pc) =	sbr.abs _section_cstart, $3  }
0xc2: {  	[dreg:$0x1] =	wrdreg $0xFFFFFFFF  }
0xc3: {  	_ =	task.clear_ibuf [dreg:s8], $0x2FFFF;
	_ =	strace $0x9FFFFFFF  }
0xc4: {  	(tm) =	ssettm $0x7FFFFFFF  }
0xc5: {  	_ =	shalt  }
tec
execute0_lowered:
.L_overlay_start_1:
0x0: {  	(tag) =	ssettag $0x1  }
0x1: {  	s0 =	rddreg [dreg:$0x0]  }
0x2: {  	s2 =	rddreg [dreg:$0x1]  }
0x3: {  	s3 =	rddreg [dreg:$0x2]  }
0x4: {  	s1 =	srdreg.scid;
	s5 =	stileid.u32;
	s4 =	simm.s32 $0x0  }
0x5: {  	s28 =	simm.s32 $0x3000;
	s30 =	simm.s32 $0x3800;
	s31 =	simm.s32 $0x1  }
0x6: {  	s9 =	simm.s32 $0xE000;
	s13 =	simm.s32 $0xE800;
	s14 =	simm.s32 $0xF000  }
0x7: {  	s15 =	simm.s32 $0xF800;
	s16 =	simm.s32 $0x10000;
	s17 =	simm.s32 $0x10800  }
0x8: {  	s18 =	simm.s32 $0x11000;
	s19 =	simm.s32 $0x11800;
	s20 =	simm.s32 $0x12000  }
0x9: {  	s21 =	simm.s32 $0x12800;
	s22 =	simm.s32 $0x2;
	s1 =	sand.u32 $0x1, s1  }
0xa: {  	s10 =	simm.s32 $0x0;
	s5 =	sshll.u32 s5, $0x4;
	s6 =	sshll.u32 s1, $0x3  }
0xb: {  	[smem:$0x7FF] =	sst s4;
	s1 =	ssub.s32 $0x2, s1;
	s5 =	sor.u32 s6, s5  }
0xc: {  	_ =	strace $0x80000047;
	s8 =	sshrl.u32 s1, $0x1;
	s6 =	sshll.u32 s5, $0x7  }
0xd: {  	s7 =	sshll.u32 s5, $0x6;
	s1 =	ssub.s32 s1, s8;
	s26 =	sshll.u32 s5, $0x9  }
0xe: {  	s6 =	sadd.s32 s6, s0;
	[dreg:$0x6] =	wrdreg s26;
	s29 =	smax.u32 s1, $0x1  }
0xf: {  	v2 =	vlaneseq.u32;
	s0 =	sadd.s32 s7, s0;
	s6 =	sadd.s32 $0x400, s6;
	[dreg:$0x7] =	wrdreg s29  }
0x10: {  	vm0 =	vmmov $0xffff;
	v1 =	vshrl.u32 v2, $0x3;
	s8 =	sadd.s32 $0x100, s2;
	s0 =	sadd.s32 $0x8400, s0;
	[dreg:$0x4] =	wrdreg s6  }
0x11: {  	v0 =	vand.u32 $0x7, v2;
	v2 =	vor.u32 $0x8, v2;
	v1 =	vmul.u32 $0x8, v1;
	s1 =	simm.s32 $0x20000;
	[dreg:$0x5] =	wrdreg s0;
	s0 =	simm.s32 $0x80  }
.LBB2_1:
0x12: {  	[dreg:$0x8] =	wrdreg s10  }
0x13: {  	s6 =	rddreg [dreg:$0x4];
	s7 =	simm.s32 $0x7  }
0x14: {  	[tilespmem:s4], [sflag:$0x7] =	stream.linear.gather [hbm4b:s6+s4], $0x2000, $0x38;
	[tilespmem:$0x1B000] =	vst v63  }
0x15: {  	_ =	swait.ge [sflag:s7], $0x2000  }
0x16: {  	[sflag:s7] =	ssyncset.done $0x0  }
0x17: {  	s29 =	simm.s32 $0x2000;
	s26 =	rddreg [dreg:$0x5];
	[sflag:s7] =	ssyncadd.s32 $0xFFFFE000  }
0x18: {  	[tilespmem:s29], [sflag:$0x7] =	stream.linear.gather [hbm4b:s26+s4], $0x1000, $0x38;
	[tilespmem:$0x1B000] =	vst v63  }
0x19: {  	_ =	swait.ge [sflag:s7], $0x1000  }
0x1a: {  	[sflag:s7] =	ssyncset.done $0x0  }
0x1b: {  	s23 =	simm.s32 $0x0;
	[sflag:s7] =	ssyncadd.s32 $0xFFFFF000  }
.LBB2_2:
0x1c: {  	s24 =	smul.u32 $0x3, s23  }
0x1d: {  	s25 =	smul.u32 $0x600, s23  }
0x1e: {  	s6 =	sadd.s32 $0xFFFFFFFD, s24;
	s10 =	sshll.u32 s24, $0x6  }
0x1f: {  	s11 =	sand.u32 $0x1C00, s25;
	s25 =	sshll.u32 s23, $0x6;
	p0 =	sgt.u32 s6, $0x7C  }
0x20: {  	s10 =	sand.u32 $0x2000, s10;
	s6 =	sshll.u32 s24, $0x3;
	s7 =	simm.s32 @!p0 $0x4  }
0x21: {  	s10 =	sor.u32 s11, s10;
	s26 =	sand.u32 $0x380, s6;
	_ =	swait.ge @!p0 [sflag:s7], $0x8000  }
0x22: {  	s25 =	sand.u32 $0x40, s25;
	s10 =	sor.u32 s26, s10;
	[sflag:s7] =	ssyncset.done @!p0 $0x0  }
0x23: {  	[sflag:s7] =	ssyncadd.s32 @!p0 $0xFFFF8000;
	s7 =	sor.u32 s25, s10  }
0x24: {  	v3 =	vld [tilespmem:s7+$0x0];
	_ =	sdelay $0x4  }
0x25: {  	v4 =	vshll.u32 v3, $0x2  }
0x26: {  	v3 =	vand.u32 $0x7, v3;
	v4 =	vand.u32 $0xFFFFFFE0, v4  }
0x27: {  	v3 =	vor.u32 v3, v4  }
0x28: {  	v4 =	vperm.xlane v3, v0;
	_ =	sdelay $0x1  }
0x29: {  	v4 =	vadd.s32 v1, v4;
	_ =	sdelay $0x1  }
0x2a: {  	v3 =	vperm.xlane v3, v2;
	_ =	sdelay $0x1  }
0x2b: {  	v3 =	vadd.s32 v1, v3  }
0x2c: {  	[tilespmem:s28], [sflag:$0x1] =	stream.indirect_vreg.gather [hbm4b:s2+s4], $0x80, v4, vm0, $0xb8;
	[tilespmem:$0x1B000] =	vst v63  }
0x2d: {  	_ = 	snop  }
0x2e: {  	[tilespmem:s30], [sflag:$0x1] =	stream.indirect_vreg.gather [hbm4b:s8+s4], $0x80, v4, vm0, $0xb8;
	[tilespmem:$0x1B000] =	vst v63  }
0x2f: {  	s29 =	simm.s32 $0x4000  }
0x30: {  	[tilespmem:s29], [sflag:$0x1] =	stream.indirect_vreg.gather [hbm4b:s2+s4], $0x80, v3, vm0, $0xb8;
	[tilespmem:$0x1B000] =	vst v63  }
0x31: {  	s30 =	simm.s32 $0x4800  }
0x32: {  	[tilespmem:s30], [sflag:$0x1] =	stream.indirect_vreg.gather [hbm4b:s8+s4], $0x80, v3, vm0, $0xb8;
	[tilespmem:$0x1B000] =	vst v63  }
0x33: {  	v3 =	vld [tilespmem:s7+$0x10];
	_ =	sdelay $0x4  }
0x34: {  	v61 =	vshll.u32 v3, $0x2  }
0x35: {  	v3 =	vand.u32 $0x7, v3;
	v4 =	vand.u32 $0xFFFFFFE0, v61  }
0x36: {  	v3 =	vor.u32 v3, v4  }
0x37: {  	v4 =	vperm.xlane v3, v0;
	_ =	sdelay $0x1  }
0x38: {  	v4 =	vadd.s32 v1, v4;
	_ =	sdelay $0x1  }
0x39: {  	v3 =	vperm.xlane v3, v2;
	_ =	sdelay $0x1  }
0x3a: {  	s11 =	simm.s32 $0x5000;
	v3 =	vadd.s32 v1, v3  }
0x3b: {  	[tilespmem:s11], [sflag:$0x1] =	stream.indirect_vreg.gather [hbm4b:s2+s4], $0x80, v4, vm0, $0xb8;
	[tilespmem:$0x1B000] =	vst v63  }
0x3c: {  	s12 =	simm.s32 $0x5800  }
0x3d: {  	[tilespmem:s12], [sflag:$0x1] =	stream.indirect_vreg.gather [hbm4b:s8+s4], $0x80, v4, vm0, $0xb8;
	[tilespmem:$0x1B000] =	vst v63  }
0x3e: {  	s25 =	simm.s32 $0x6000  }
0x3f: {  	[tilespmem:s25], [sflag:$0x1] =	stream.indirect_vreg.gather [hbm4b:s2+s4], $0x80, v3, vm0, $0xb8;
	[tilespmem:$0x1B000] =	vst v63  }
0x40: {  	s26 =	simm.s32 $0x6800  }
0x41: {  	[tilespmem:s26], [sflag:$0x1] =	stream.indirect_vreg.gather [hbm4b:s8+s4], $0x80, v3, vm0, $0xb8;
	[tilespmem:$0x1B000] =	vst v63  }
0x42: {  	v3 =	vld [tilespmem:s7+$0x20];
	_ =	sdelay $0x4  }
0x43: {  	v62 =	vshll.u32 v3, $0x2  }
0x44: {  	v3 =	vand.u32 $0x7, v3;
	v4 =	vand.u32 $0xFFFFFFE0, v62  }
0x45: {  	v3 =	vor.u32 v3, v4  }
0x46: {  	v4 =	vperm.xlane v3, v0;
	_ =	sdelay $0x1  }
0x47: {  	v4 =	vadd.s32 v1, v4;
	_ =	sdelay $0x1  }
0x48: {  	v3 =	vperm.xlane v3, v2;
	_ =	sdelay $0x1  }
0x49: {  	s29 =	simm.s32 $0x7000;
	v3 =	vadd.s32 v1, v3  }
0x4a: {  	[tilespmem:s29], [sflag:$0x1] =	stream.indirect_vreg.gather [hbm4b:s2+s4], $0x80, v4, vm0, $0xb8;
	[tilespmem:$0x1B000] =	vst v63  }
0x4b: {  	s30 =	simm.s32 $0x7800  }
0x4c: {  	[tilespmem:s30], [sflag:$0x1] =	stream.indirect_vreg.gather [hbm4b:s8+s4], $0x80, v4, vm0, $0xb8;
	[tilespmem:$0x1B000] =	vst v63  }
0x4d: {  	s11 =	simm.s32 $0x8000  }
0x4e: {  	[tilespmem:s11], [sflag:$0x1] =	stream.indirect_vreg.gather [hbm4b:s2+s4], $0x80, v3, vm0, $0xb8;
	[tilespmem:$0x1B000] =	vst v63  }
0x4f: {  	s12 =	simm.s32 $0x8800  }
0x50: {  	[tilespmem:s12], [sflag:$0x1] =	stream.indirect_vreg.gather [hbm4b:s8+s4], $0x80, v3, vm0, $0xb8;
	[tilespmem:$0x1B000] =	vst v63  }
0x51: {  	v3 =	vld [tilespmem:s7+$0x30];
	_ =	sdelay $0x4  }
0x52: {  	v63 =	vshll.u32 v3, $0x2  }
0x53: {  	v3 =	vand.u32 $0x7, v3;
	v4 =	vand.u32 $0xFFFFFFE0, v63  }
0x54: {  	v3 =	vor.u32 v3, v4  }
0x55: {  	v4 =	vperm.xlane v3, v0;
	_ =	sdelay $0x1  }
0x56: {  	v4 =	vadd.s32 v1, v4;
	_ =	sdelay $0x3  }
0x57: {  	s25 =	simm.s32 $0x9000;
	v3 =	vperm.xlane v3, v2  }
0x58: {  	[tilespmem:s25], [sflag:$0x1] =	stream.indirect_vreg.gather [hbm4b:s2+s4], $0x80, v4, vm0, $0xb8;
	[tilespmem:$0x1B000] =	vst v63  }
0x59: {  	v3 =	vadd.s32 v1, v3;
	s25 =	sadd.s32 $0xFFFFFFFF, s24  }
0x5a: {  	s26 =	simm.s32 $0x9800;
	p0 =	sgt.u32 s25, $0x7F  }
0x5b: {  	[tilespmem:s26], [sflag:$0x1] =	stream.indirect_vreg.gather [hbm4b:s8+s4], $0x80, v4, vm0, $0xb8;
	[tilespmem:$0x1B000] =	vst v63  }
.Ltmp0:
0x5c: {  	_ = 	snop;
	(pc) =	sbr.rel @p0 .LBB2_6-.Ltmp0, $4  }
0x5d: {  	s29 =	simm.s32 $0xA000  }
0x5e: {  	[tilespmem:s29], [sflag:$0x1] =	stream.indirect_vreg.gather [hbm4b:s2+s4], $0x80, v3, vm0, $0xb8;
	[tilespmem:$0x1B000] =	vst v63  }
0x5f: {  	s28 =	sand.u32 $0xFFFFFF80, s6;
	s30 =	simm.s32 $0xA800;
	s26 =	simm.s32 $0x1  }
0x60: {  	[tilespmem:s30], [sflag:$0x1] =	stream.indirect_vreg.gather [hbm4b:s8+s4], $0x80, v3, vm0, $0xb8;
	[tilespmem:$0x1B000] =	vst v63  }
0x61: {  	s10 =	simm.s32 $0x3  }
0x62: {  	_ =	swait.ge [sflag:s10], $0x8000  }
0x63: {  	s12 =	simm.s32 $0x0;
	[sflag:s10] =	ssyncset.done $0x0  }
0x64: {  	s11 =	sand.u32 $0x7000, s12;
	[sflag:s10] =	ssyncadd.s32 $0xFFFF8000;
	s10 =	sand.u32 $0x380, s12  }
0x65: {  	s30 =	sor.u32 s10, s11  }
0x66: {  	s29 =	sadd.s32 $0x13000, s30;
	v35 =	vld [tilespmem:s30+$0x13000]  }
0x67: {  	v36 =	vld [tilespmem:s29+$0x810]  }
0x68: {  	v37 =	vld [tilespmem:s29+$0x800]  }
0x69: {  	v38 =	vld [tilespmem:s29+$0x470]  }
0x6a: {  	v39 =	vld [tilespmem:s29+$0x450]  }
0x6b: {  	v40 =	vld [tilespmem:s29+$0x440]  }
0x6c: {  	s6 =	sand.u32 $0xF, s25;
	v41 =	vld [tilespmem:s29+$0x430]  }
0x6d: {  	p0 =	seq.s32 s23, $0x0;
	p1 =	sne.s32 s6, $0x0;
	v42 =	vld [tilespmem:s29+$0x420]  }
0x6e: {  	p0 =	por !p0, !p1;
	v43 =	vld [tilespmem:s29+$0x410]  }
0x6f: {  	s6 =	simm.s32 $0x1;
	p0 =	por !p0, !p0;
	v44 =	vld [tilespmem:s29+$0xC70]  }
0x70: {  	s7 =	sshrl.u32 s25, $0x4;
	s6 =	simm.s32 @!p0 $0x0;
	v45 =	vld [tilespmem:s29+$0x400]  }
0x71: {  	s26 =	ssub.s32 s7, s6;
	v46 =	vld [tilespmem:s29+$0xC20]  }
0x72: {  	s6 =	sshll.u32 s26, $0x9;
	s7 =	sshll.u32 s26, $0x7;
	v47 =	vld [tilespmem:s29+$0xC40]  }
0x73: {  	v52 =	vld [tilespmem:s29+$0x70];
	s6 =	sand.u32 $0xFFFFF000, s6;
	s7 =	sand.u32 $0x380, s7  }
0x74: {  	v49 =	vld [tilespmem:s29+$0x460];
	s6 =	sor.u32 s7, s6  }
0x75: {  	v7 =	vld [tilespmem:s6+$0x2000]  }
0x76: {  	v8 =	vld [tilespmem:s6+$0x2010]  }
0x77: {  	v9 =	vld [tilespmem:s6+$0x2020]  }
0x78: {  	v10 =	vld [tilespmem:s6+$0x2030]  }
0x79: {  	v11 =	vld [tilespmem:s6+$0x2040]  }
0x7a: {  	v3 =	vld [tilespmem:s6+$0x2050]  }
0x7b: {  	v4 =	vld [tilespmem:s6+$0x2060]  }
0x7c: {  	v13 =	vld [tilespmem:s6+$0x2070]  }
0x7d: {  	v14 =	vld [tilespmem:s6+$0x2400]  }
0x7e: {  	v15 =	vld [tilespmem:s6+$0x2410]  }
0x7f: {  	v16 =	vld [tilespmem:s6+$0x2420]  }
0x80: {  	v17 =	vld [tilespmem:s6+$0x2430]  }
0x81: {  	v18 =	vld [tilespmem:s6+$0x2440]  }
0x82: {  	v19 =	vld [tilespmem:s6+$0x2450]  }
0x83: {  	v21 =	vld [tilespmem:s6+$0x2460]  }
0x84: {  	v22 =	vld [tilespmem:s6+$0x2470]  }
0x85: {  	v23 =	vld [tilespmem:s6+$0x2800]  }
0x86: {  	v24 =	vld [tilespmem:s6+$0x2810]  }
0x87: {  	v25 =	vld [tilespmem:s6+$0x2820]  }
0x88: {  	v26 =	vld [tilespmem:s6+$0x2830]  }
0x89: {  	v27 =	vld [tilespmem:s6+$0x2840]  }
0x8a: {  	v29 =	vld [tilespmem:s6+$0x2850]  }
0x8b: {  	v30 =	vld [tilespmem:s6+$0x2860]  }
0x8c: {  	v31 =	vld [tilespmem:s6+$0x2870]  }
0x8d: {  	v12 =	vld [tilespmem:s6+$0x2C00]  }
0x8e: {  	v5 =	vld [tilespmem:s6+$0x2C10]  }
0x8f: {  	v32 =	vld [tilespmem:s6+$0x2C20]  }
0x90: {  	v34 =	vld [tilespmem:s6+$0x2C70]  }
0x91: {  	v6 =	vld [tilespmem:s6+$0x2C30]  }
0x92: {  	v33 =	vld [tilespmem:s6+$0x2C40];
	v35 =	vadd.f32 v35, v7  }
0x93: {  	v20 =	vld [tilespmem:s6+$0x2C50];
	v42 =	vadd.f32 v42, v16  }
0x94: {  	v28 =	vld [tilespmem:s6+$0x2C60];
	v43 =	vadd.f32 v43, v15;
	[tilespmem:s30+$0x13000] =	vst v35  }
0x95: {  	v56 =	vld [tilespmem:s29+$0x820];
	v53 =	vadd.f32 v44, v34;
	[tilespmem:s29+$0x420] =	vst v42  }
0x96: {  	v57 =	vld [tilespmem:s29+$0x830];
	v45 =	vadd.f32 v45, v14;
	[tilespmem:s29+$0x410] =	vst v43  }
0x97: {  	v59 =	vld [tilespmem:s29+$0x840];
	v46 =	vadd.f32 v46, v32;
	[tilespmem:s29+$0xC70] =	vst v53  }
0x98: {  	v60 =	vld [tilespmem:s29+$0x850];
	v61 =	vadd.f32 v47, v33;
	[tilespmem:s29+$0x400] =	vst v45  }
0x99: {  	v41 =	vadd.f32 v41, v17;
	[tilespmem:s29+$0xC20] =	vst v46;
	v54 =	vld [tilespmem:s29+$0x20]  }
0x9a: {  	v50 =	vld [tilespmem:s29+$0x860];
	v51 =	vadd.f32 v40, v18;
	[tilespmem:s29+$0xC40] =	vst v61  }
0x9b: {  	v62 =	vadd.f32 v39, v19;
	[tilespmem:s29+$0x430] =	vst v41;
	v48 =	vld [tilespmem:s29+$0x30]  }
0x9c: {  	v49 =	vadd.f32 v49, v21;
	[tilespmem:s29+$0x440] =	vst v51;
	v55 =	vld [tilespmem:s29+$0x10]  }
0x9d: {  	v63 =	vld [tilespmem:s29+$0x40];
	v40 =	vadd.f32 v37, v23;
	v35 =	vadd.f32 v52, v13;
	[tilespmem:s29+$0x450] =	vst v62  }
0x9e: {  	v39 =	vadd.f32 v57, v26;
	v52 =	vld [tilespmem:s29+$0x870];
	[tilespmem:s29+$0x460] =	vst v49;
	v44 =	vadd.f32 v54, v9  }
0x9f: {  	v47 =	vld [tilespmem:s29+$0x50];
	v37 =	vadd.f32 v59, v27;
	v53 =	vadd.f32 v38, v22;
	[tilespmem:s29+$0x70] =	vst v35  }
0xa0: {  	v38 =	vadd.f32 v36, v24;
	v58 =	vadd.f32 v48, v10;
	[tilespmem:s29+$0x20] =	vst v44;
	v44 =	vld [tilespmem:s29+$0xC00]  }
0xa1: {  	v36 =	vadd.f32 v56, v25;
	v41 =	vld [tilespmem:s29+$0xC10];
	[tilespmem:s29+$0x470] =	vst v53;
	v43 =	vadd.f32 v55, v8  }
0xa2: {  	v42 =	vadd.f32 v60, v29;
	v46 =	vadd.f32 v63, v11;
	v48 =	vld [tilespmem:s29+$0x60];
	[tilespmem:s29+$0x30] =	vst v58  }
0xa3: {  	s10 =	simm.s32 $0x200;
	s11 =	simm.s32 $0x80;
	v45 =	vld [tilespmem:s29+$0xC30];
	v35 =	vadd.f32 v52, v31;
	[tilespmem:s29+$0x10] =	vst v43;
	v43 =	vadd.f32 v50, v30  }
.LBB2_4:
0xa4: {  	s6 =	smov.u32 s10  }
0xa5: {  	s12 =	sand.u32 $0x7000, s10;
	s30 =	sand.u32 $0x380, s11;
	[tilespmem:s29+$0x800] =	vst v40;
	v40 =	vadd.f32 v44, v12;
	v44 =	vld [tilespmem:s29+$0xC50];
	s6 =	sadd.s32 $0x200, s10  }
0xa6: {  	p0 =	sne.s32 s10, $0x7E00;
	s12 =	sor.u32 s30, s12;
	v47 =	vadd.f32 v47, v3;
	[tilespmem:s29+$0x810] =	vst v38;
	v38 =	vld [tilespmem:s29+$0xC60]  }
0xa7: {  	s10 =	sadd.s32 $0x13000, s12;
	v48 =	vadd.f32 v48, v4;
	v49 =	vld [tilespmem:s12+$0x13000];
	[tilespmem:s29+$0x820] =	vst v36  }
0xa8: {  	v36 =	vld [tilespmem:s10+$0x810];
	[tilespmem:s29+$0x830] =	vst v39;
	v39 =	vadd.f32 v41, v5  }
0xa9: {  	v41 =	vld [tilespmem:s10+$0x800];
	[tilespmem:s29+$0x840] =	vst v37;
	v37 =	vadd.f32 v45, v6  }
0xaa: {  	v45 =	vld [tilespmem:s10+$0x470];
	[tilespmem:s29+$0x850] =	vst v42;
	v42 =	vadd.f32 v44, v20  }
0xab: {  	v44 =	vld [tilespmem:s10+$0x460];
	[tilespmem:s29+$0x860] =	vst v43;
	v38 =	vadd.f32 v38, v28  }
0xac: {  	v43 =	vadd.f32 v49, v7;
	v49 =	vld [tilespmem:s10+$0x450];
	[tilespmem:s29+$0x40] =	vst v46  }
0xad: {  	v46 =	vld [tilespmem:s10+$0x440];
	[tilespmem:s29+$0xC60] =	vst v38  }
0xae: {  	v38 =	vld [tilespmem:s10+$0x430];
	[tilespmem:s29+$0x60] =	vst v48  }
0xaf: {  	v48 =	vld [tilespmem:s10+$0x420];
	[tilespmem:s29+$0x50] =	vst v47  }
0xb0: {  	v47 =	vld [tilespmem:s10+$0x410];
	[tilespmem:s29+$0xC50] =	vst v42  }
0xb1: {  	v42 =	vld [tilespmem:s10+$0xC70];
	[tilespmem:s29+$0xC00] =	vst v40  }
0xb2: {  	v40 =	vld [tilespmem:s10+$0x400];
	[tilespmem:s29+$0x870] =	vst v35  }
0xb3: {  	v35 =	vld [tilespmem:s10+$0xC20];
	[tilespmem:s29+$0xC10] =	vst v39  }
0xb4: {  	v39 =	vadd.f32 v48, v16;
	v48 =	vld [tilespmem:s10+$0xC40];
	[tilespmem:s29+$0xC30] =	vst v37;
	s29 =	smov.u32 s10  }
0xb5: {  	[tilespmem:s12+$0x13000] =	vst v43;
	v37 =	vld [tilespmem:s29+$0x70];
	v43 =	vadd.f32 v47, v15  }
0xb6: {  	v47 =	vld [tilespmem:s29+$0x30];
	[tilespmem:s29+$0x420] =	vst v39;
	v39 =	vadd.f32 v42, v34  }
0xb7: {  	v42 =	vld [tilespmem:s29+$0x20];
	v40 =	vadd.f32 v40, v14;
	[tilespmem:s29+$0x410] =	vst v43;
	v43 =	vadd.f32 v38, v17  }
0xb8: {  	v46 =	vadd.f32 v46, v18;
	v38 =	vld [tilespmem:s29+$0x10];
	v35 =	vadd.f32 v35, v32;
	[tilespmem:s29+$0xC70] =	vst v39  }
0xb9: {  	v49 =	vadd.f32 v49, v19;
	[tilespmem:s29+$0x400] =	vst v40;
	v39 =	vld [tilespmem:s29+$0x820];
	v40 =	vadd.f32 v48, v33  }
0xba: {  	v50 =	vadd.f32 v44, v21;
	v37 =	vadd.f32 v37, v13;
	v44 =	vld [tilespmem:s29+$0x830];
	[tilespmem:s29+$0xC20] =	vst v35  }
0xbb: {  	v45 =	vadd.f32 v45, v22;
	v35 =	vadd.f32 v47, v10;
	v47 =	vld [tilespmem:s29+$0x840];
	[tilespmem:s29+$0xC40] =	vst v40  }
0xbc: {  	v40 =	vadd.f32 v41, v23;
	v42 =	vadd.f32 v42, v9;
	[tilespmem:s29+$0x70] =	vst v37;
	v41 =	vld [tilespmem:s29+$0x850]  }
0xbd: {  	v37 =	vadd.f32 v38, v8;
	[tilespmem:s29+$0x30] =	vst v35;
	v38 =	vadd.f32 v36, v24;
	v35 =	vld [tilespmem:s29+$0x860]  }
0xbe: {  	[tilespmem:s29+$0x20] =	vst v42;
	v36 =	vadd.f32 v39, v25;
	v51 =	vld [tilespmem:s29+$0x870]  }
0xbf: {  	[tilespmem:s29+$0x10] =	vst v37;
	v52 =	vld [tilespmem:s29+$0x40];
	v39 =	vadd.f32 v44, v26  }
.Ltmp1:
0xc0: {  	[tilespmem:s29+$0x430] =	vst v43;
	v37 =	vadd.f32 v47, v27;
	v44 =	vld [tilespmem:s29+$0xC00];
	(pc) =	sbr.rel @p0 .LBB2_4-.Ltmp1, $4  }
0xc1: {  	v47 =	vld [tilespmem:s29+$0x50];
	[tilespmem:s29+$0x440] =	vst v46;
	v42 =	vadd.f32 v41, v29  }
0xc2: {  	v48 =	vld [tilespmem:s29+$0x60];
	[tilespmem:s29+$0x450] =	vst v49;
	v43 =	vadd.f32 v35, v30  }
0xc3: {  	[tilespmem:s29+$0x460] =	vst v50;
	v35 =	vadd.f32 v51, v31;
	v41 =	vld [tilespmem:s29+$0xC10]  }
0xc4: {  	s11 =	sadd.s32 $0x80, s11;
	s10 =	smov.u32 s6;
	v46 =	vadd.f32 v52, v11;
	[tilespmem:s29+$0x470] =	vst v45;
	v45 =	vld [tilespmem:s29+$0xC30]  }
0xc5: {  	[tilespmem:s29+$0x800] =	vst v40  }
0xc6: {  	[tilespmem:s29+$0x810] =	vst v38  }
0xc7: {  	[tilespmem:s29+$0x820] =	vst v36  }
0xc8: {  	[tilespmem:s29+$0x830] =	vst v39  }
0xc9: {  	[tilespmem:s29+$0x840] =	vst v37  }
0xca: {  	[tilespmem:s29+$0x850] =	vst v42  }
0xcb: {  	[tilespmem:s29+$0x860] =	vst v43  }
0xcc: {  	v7 =	vld [tilespmem:s29+$0xC60];
	v62 =	vadd.f32 v44, v12;
	[tilespmem:s29+$0x870] =	vst v35  }
0xcd: {  	v8 =	vld [tilespmem:s29+$0xC50];
	[tilespmem:s29+$0x40] =	vst v46;
	v3 =	vadd.f32 v47, v3  }
0xce: {  	s6 =	sadd.s32 s5, s26;
	v4 =	vadd.f32 v48, v4;
	[tilespmem:s29+$0xC00] =	vst v62  }
0xcf: {  	s10 =	sshll.u32 s25, $0x17;
	s6 =	sshll.u32 s6, $0x9;
	[tilespmem:s29+$0x50] =	vst v3;
	v3 =	vadd.f32 v41, v5  }
0xd0: {  	s10 =	sand.u32 $0x7800000, s10;
	s6 =	sand.u32 $0xFFFFF000, s6;
	[tilespmem:s29+$0x60] =	vst v4;
	v63 =	vadd.f32 v45, v6  }
0xd1: {  	s6 =	sadd.s32 s10, s6;
	v7 =	vadd.f32 v7, v28;
	[tilespmem:s29+$0xC10] =	vst v3  }
0xd2: {  	s6 =	sor.u32 s7, s6;
	v61 =	vadd.f32 v8, v20;
	[tilespmem:s29+$0xC30] =	vst v63  }
0xd3: {  	s6 =	sshrl.u32 s6, $0x3;
	[tilespmem:s29+$0xC60] =	vst v7  }
0xd4: {  	s26 =	simm.s32 $0x13000;
	s6 =	sadd.s32 s3, s6;
	[tilespmem:s29+$0xC50] =	vst v61  }
0xd5: {  	[hbm4b:s6+s0] =	stream.strided.scatter [tilespmem:s26], [sflag:$0x6], $0x400, s1, s0, $0x38;
	[tilespmem:$0x1B000] =	vst v63  }
0xd6: {  	s30 =	simm.s32 $0x13400;
	s29 =	sadd.s32 $0x80, s6  }
0xd7: {  	[hbm4b:s29+s0] =	stream.strided.scatter [tilespmem:s30], [sflag:$0x6], $0x400, s1, s0, $0x38;
	[tilespmem:$0x1B000] =	vst v63  }
0xd8: {  	s12 =	simm.s32 $0x13800;
	s11 =	sadd.s32 $0x100, s6  }
0xd9: {  	[hbm4b:s11+s0] =	stream.strided.scatter [tilespmem:s12], [sflag:$0x6], $0x400, s1, s0, $0x38;
	[tilespmem:$0x1B000] =	vst v63  }
0xda: {  	s26 =	sadd.s32 $0x180, s6;
	s29 =	simm.s32 $0x13C00  }
0xdb: {  	[hbm4b:s26+s0] =	stream.strided.scatter [tilespmem:s29], [sflag:$0x6], $0x400, s1, s0, $0x38;
	[tilespmem:$0x1B000] =	vst v63  }
0xdc: {  	s30 =	sadd.s32 $0x20000, s6;
	s11 =	simm.s32 $0x14000  }
0xdd: {  	[hbm4b:s30+s0] =	stream.strided.scatter [tilespmem:s11], [sflag:$0x6], $0x400, s1, s0, $0x38;
	[tilespmem:$0x1B000] =	vst v63  }
0xde: {  	s12 =	sadd.s32 $0x80, s30;
	s11 =	simm.s32 $0x14400  }
0xdf: {  	[hbm4b:s12+s0] =	stream.strided.scatter [tilespmem:s11], [sflag:$0x6], $0x400, s1, s0, $0x38;
	[tilespmem:$0x1B000] =	vst v63  }
0xe0: {  	s26 =	sadd.s32 $0x100, s30;
	s29 =	simm.s32 $0x14800  }
0xe1: {  	[hbm4b:s26+s0] =	stream.strided.scatter [tilespmem:s29], [sflag:$0x6], $0x400, s1, s0, $0x38;
	[tilespmem:$0x1B000] =	vst v63  }
0xe2: {  	s7 =	sadd.s32 $0x180, s30;
	s30 =	simm.s32 $0x14C00  }
0xe3: {  	[hbm4b:s7+s0] =	stream.strided.scatter [tilespmem:s30], [sflag:$0x6], $0x400, s1, s0, $0x38;
	[tilespmem:$0x1B000] =	vst v63  }
0xe4: {  	s11 =	simm.s32 $0x15000;
	s7 =	sadd.s32 $0x40000, s6  }
0xe5: {  	[hbm4b:s7+s0] =	stream.strided.scatter [tilespmem:s11], [sflag:$0x6], $0x400, s1, s0, $0x38;
	[tilespmem:$0x1B000] =	vst v63  }
0xe6: {  	s26 =	simm.s32 $0x15400;
	s12 =	sadd.s32 $0x80, s7  }
0xe7: {  	[hbm4b:s12+s0] =	stream.strided.scatter [tilespmem:s26], [sflag:$0x6], $0x400, s1, s0, $0x38;
	[tilespmem:$0x1B000] =	vst v63  }
0xe8: {  	s30 =	simm.s32 $0x15800;
	s29 =	sadd.s32 $0x100, s7  }
0xe9: {  	[hbm4b:s29+s0] =	stream.strided.scatter [tilespmem:s30], [sflag:$0x6], $0x400, s1, s0, $0x38;
	[tilespmem:$0x1B000] =	vst v63  }
0xea: {  	s7 =	sadd.s32 $0x180, s7;
	s12 =	simm.s32 $0x15C00  }
0xeb: {  	[hbm4b:s7+s0] =	stream.strided.scatter [tilespmem:s12], [sflag:$0x6], $0x400, s1, s0, $0x38;
	[tilespmem:$0x1B000] =	vst v63  }
0xec: {  	s26 =	simm.s32 $0x16000;
	s7 =	sadd.s32 $0x60000, s6  }
0xed: {  	[hbm4b:s7+s0] =	stream.strided.scatter [tilespmem:s26], [sflag:$0x6], $0x400, s1, s0, $0x38;
	[tilespmem:$0x1B000] =	vst v63  }
0xee: {  	s30 =	simm.s32 $0x16400;
	s29 =	sadd.s32 $0x80, s7  }
0xef: {  	[hbm4b:s29+s0] =	stream.strided.scatter [tilespmem:s30], [sflag:$0x6], $0x400, s1, s0, $0x38;
	[tilespmem:$0x1B000] =	vst v63  }
0xf0: {  	s12 =	sadd.s32 $0x100, s7;
	s26 =	simm.s32 $0x16800  }
0xf1: {  	[hbm4b:s12+s0] =	stream.strided.scatter [tilespmem:s26], [sflag:$0x6], $0x400, s1, s0, $0x38;
	[tilespmem:$0x1B000] =	vst v63  }
0xf2: {  	s7 =	sadd.s32 $0x180, s7;
	s29 =	simm.s32 $0x16C00  }
0xf3: {  	[hbm4b:s7+s0] =	stream.strided.scatter [tilespmem:s29], [sflag:$0x6], $0x400, s1, s0, $0x38;
	[tilespmem:$0x1B000] =	vst v63  }
0xf4: {  	s30 =	simm.s32 $0x17000;
	s7 =	sadd.s32 $0x80000, s6  }
0xf5: {  	[hbm4b:s7+s0] =	stream.strided.scatter [tilespmem:s30], [sflag:$0x6], $0x400, s1, s0, $0x38;
	[tilespmem:$0x1B000] =	vst v63  }
0xf6: {  	s12 =	simm.s32 $0x17400;
	s11 =	sadd.s32 $0x80, s7  }
0xf7: {  	[hbm4b:s11+s0] =	stream.strided.scatter [tilespmem:s12], [sflag:$0x6], $0x400, s1, s0, $0x38;
	[tilespmem:$0x1B000] =	vst v63  }
0xf8: {  	s29 =	simm.s32 $0x17800;
	s26 =	sadd.s32 $0x100, s7  }
0xf9: {  	[hbm4b:s26+s0] =	stream.strided.scatter [tilespmem:s29], [sflag:$0x6], $0x400, s1, s0, $0x38;
	[tilespmem:$0x1B000] =	vst v63  }
0xfa: {  	s7 =	sadd.s32 $0x180, s7;
	s30 =	simm.s32 $0x17C00  }
0xfb: {  	[hbm4b:s7+s0] =	stream.strided.scatter [tilespmem:s30], [sflag:$0x6], $0x400, s1, s0, $0x38;
	[tilespmem:$0x1B000] =	vst v63  }
0xfc: {  	s11 =	simm.s32 $0x18000;
	s7 =	sadd.s32 $0xA0000, s6  }
0xfd: {  	[hbm4b:s7+s0] =	stream.strided.scatter [tilespmem:s11], [sflag:$0x6], $0x400, s1, s0, $0x38;
	[tilespmem:$0x1B000] =	vst v63  }
0xfe: {  	s26 =	simm.s32 $0x18400;
	s12 =	sadd.s32 $0x80, s7  }
0xff: {  	[hbm4b:s12+s0] =	stream.strided.scatter [tilespmem:s26], [sflag:$0x6], $0x400, s1, s0, $0x38;
	[tilespmem:$0x1B000] =	vst v63  }
0x100: {  	s30 =	simm.s32 $0x18800;
	s29 =	sadd.s32 $0x100, s7  }
0x101: {  	[hbm4b:s29+s0] =	stream.strided.scatter [tilespmem:s30], [sflag:$0x6], $0x400, s1, s0, $0x38;
	[tilespmem:$0x1B000] =	vst v63  }
0x102: {  	s7 =	sadd.s32 $0x180, s7;
	s12 =	simm.s32 $0x18C00  }
0x103: {  	[hbm4b:s7+s0] =	stream.strided.scatter [tilespmem:s12], [sflag:$0x6], $0x400, s1, s0, $0x38;
	[tilespmem:$0x1B000] =	vst v63  }
0x104: {  	s26 =	simm.s32 $0x19000;
	s7 =	sadd.s32 $0xC0000, s6  }
0x105: {  	[hbm4b:s7+s0] =	stream.strided.scatter [tilespmem:s26], [sflag:$0x6], $0x400, s1, s0, $0x38;
	[tilespmem:$0x1B000] =	vst v63  }
0x106: {  	s30 =	simm.s32 $0x19400;
	s29 =	sadd.s32 $0x80, s7  }
0x107: {  	[hbm4b:s29+s0] =	stream.strided.scatter [tilespmem:s30], [sflag:$0x6], $0x400, s1, s0, $0x38;
	[tilespmem:$0x1B000] =	vst v63  }
0x108: {  	s12 =	sadd.s32 $0x100, s7;
	s26 =	simm.s32 $0x19800  }
0x109: {  	[hbm4b:s12+s0] =	stream.strided.scatter [tilespmem:s26], [sflag:$0x6], $0x400, s1, s0, $0x38;
	[tilespmem:$0x1B000] =	vst v63  }
0x10a: {  	s7 =	sadd.s32 $0x180, s7;
	s29 =	simm.s32 $0x19C00  }
0x10b: {  	[hbm4b:s7+s0] =	stream.strided.scatter [tilespmem:s29], [sflag:$0x6], $0x400, s1, s0, $0x38;
	[tilespmem:$0x1B000] =	vst v63  }
0x10c: {  	s6 =	sadd.s32 $0xE0000, s6;
	s30 =	simm.s32 $0x1A000  }
0x10d: {  	[hbm4b:s6+s0] =	stream.strided.scatter [tilespmem:s30], [sflag:$0x6], $0x400, s1, s0, $0x38;
	[tilespmem:$0x1B000] =	vst v63  }
0x10e: {  	s11 =	simm.s32 $0x1A400;
	s10 =	sadd.s32 $0x80, s6  }
0x10f: {  	[hbm4b:s10+s0] =	stream.strided.scatter [tilespmem:s11], [sflag:$0x6], $0x400, s1, s0, $0x38;
	[tilespmem:$0x1B000] =	vst v63  }
0x110: {  	s12 =	sadd.s32 $0x100, s6;
	s26 =	simm.s32 $0x1A800;
	s30 =	sadd.s32 $0xFFFFFFFE, s24  }
0x111: {  	[hbm4b:s12+s0] =	stream.strided.scatter [tilespmem:s26], [sflag:$0x6], $0x400, s1, s0, $0x38;
	[tilespmem:$0x1B000] =	vst v63  }
0x112: {  	s29 =	simm.s32 $0x1AC00;
	s6 =	sadd.s32 $0x180, s6;
	p0 =	sgt.u32 s30, $0x7C  }
0x113: {  	[hbm4b:s6+s0] =	stream.strided.scatter [tilespmem:s29], [sflag:$0x6], $0x400, s1, s0, $0x38;
	[tilespmem:$0x1B000] =	vst v63  }
0x114: {  	s6 =	simm.s32 @!p0 $0x5  }
0x115: {  	_ =	swait.ge @!p0 [sflag:s6], $0x8000  }
0x116: {  	[sflag:s6] =	ssyncset.done @!p0 $0x0  }
0x117: {  	s26 =	sadd.s32 $0x1, s24;
	[sflag:s6] =	ssyncadd.s32 @!p0 $0xFFFF8000  }
.LBB2_6:
0x118: {  	s6 =	sshll.u32 s26, $0x6;
	s7 =	sshll.u32 s26, $0x9  }
0x119: {  	s12 =	sshll.u32 s26, $0x3;
	s10 =	sand.u32 $0x6000, s6;
	s11 =	sand.u32 $0x1C00, s7  }
0x11a: {  	s7 =	sand.u32 $0x380, s12;
	s10 =	sor.u32 s11, s10  }
0x11b: {  	s6 =	sand.u32 $0x40, s6;
	s10 =	sor.u32 s7, s10  }
0x11c: {  	s10 =	sor.u32 s6, s10  }
0x11d: {  	v3 =	vld [tilespmem:s10+$0x0];
	_ =	sdelay $0x4  }
0x11e: {  	v4 =	vshll.u32 v3, $0x2  }
0x11f: {  	v3 =	vand.u32 $0x7, v3;
	v4 =	vand.u32 $0xFFFFFFE0, v4  }
0x120: {  	v3 =	vor.u32 v3, v4  }
0x121: {  	v4 =	vperm.xlane v3, v0;
	_ =	sdelay $0x1  }
0x122: {  	v4 =	vadd.s32 v1, v4;
	_ =	sdelay $0x1  }
0x123: {  	v3 =	vperm.xlane v3, v2;
	_ =	sdelay $0x1  }
0x124: {  	s30 =	simm.s32 $0xB000;
	s6 =	simm.s32 $0x0;
	v3 =	vadd.s32 v1, v3  }
0x125: {  	[tilespmem:s30], [sflag:$0x2] =	stream.indirect_vreg.gather [hbm4b:s2+s6], $0x80, v4, vm0, $0xb8;
	[tilespmem:$0x1B000] =	vst v63  }
0x126: {  	s12 =	simm.s32 $0xB800  }
0x127: {  	[tilespmem:s12], [sflag:$0x2] =	stream.indirect_vreg.gather [hbm4b:s8+s6], $0x80, v4, vm0, $0xb8;
	[tilespmem:$0x1B000] =	vst v63  }
0x128: {  	s30 =	simm.s32 $0xC000  }
0x129: {  	[tilespmem:s30], [sflag:$0x2] =	stream.indirect_vreg.gather [hbm4b:s2+s6], $0x80, v3, vm0, $0xb8;
	[tilespmem:$0x1B000] =	vst v63  }
0x12a: {  	s12 =	simm.s32 $0xC800  }
0x12b: {  	[tilespmem:s12], [sflag:$0x2] =	stream.indirect_vreg.gather [hbm4b:s8+s6], $0x80, v3, vm0, $0xb8;
	[tilespmem:$0x1B000] =	vst v63  }
0x12c: {  	v3 =	vld [tilespmem:s10+$0x10];
	_ =	sdelay $0x4  }
0x12d: {  	v4 =	vshll.u32 v3, $0x2  }
0x12e: {  	v3 =	vand.u32 $0x7, v3;
	v4 =	vand.u32 $0xFFFFFFE0, v4  }
0x12f: {  	v3 =	vor.u32 v3, v4  }
0x130: {  	v4 =	vperm.xlane v3, v0;
	_ =	sdelay $0x1  }
0x131: {  	v4 =	vadd.s32 v1, v4;
	_ =	sdelay $0x1  }
0x132: {  	v3 =	vperm.xlane v3, v2;
	_ =	sdelay $0x1  }
0x133: {  	s30 =	simm.s32 $0xD000;
	v3 =	vadd.s32 v1, v3  }
0x134: {  	[tilespmem:s30], [sflag:$0x2] =	stream.indirect_vreg.gather [hbm4b:s2+s6], $0x80, v4, vm0, $0xb8;
	[tilespmem:$0x1B000] =	vst v63  }
0x135: {  	s12 =	simm.s32 $0xD800  }
0x136: {  	[tilespmem:s12], [sflag:$0x2] =	stream.indirect_vreg.gather [hbm4b:s8+s6], $0x80, v4, vm0, $0xb8;
	[tilespmem:$0x1B000] =	vst v63  }
0x137: {  	_ = 	snop  }
0x138: {  	[tilespmem:s9], [sflag:$0x2] =	stream.indirect_vreg.gather [hbm4b:s2+s6], $0x80, v3, vm0, $0xb8;
	[tilespmem:$0x1B000] =	vst v63  }
0x139: {  	_ = 	snop  }
0x13a: {  	[tilespmem:s13], [sflag:$0x2] =	stream.indirect_vreg.gather [hbm4b:s8+s6], $0x80, v3, vm0, $0xb8;
	[tilespmem:$0x1B000] =	vst v63  }
0x13b: {  	v3 =	vld [tilespmem:s10+$0x20];
	_ =	sdelay $0x4  }
0x13c: {  	v4 =	vshll.u32 v3, $0x2  }
0x13d: {  	v3 =	vand.u32 $0x7, v3;
	v4 =	vand.u32 $0xFFFFFFE0, v4  }
0x13e: {  	v3 =	vor.u32 v3, v4  }
0x13f: {  	v4 =	vperm.xlane v3, v0;
	_ =	sdelay $0x1  }
0x140: {  	v4 =	vadd.s32 v1, v4;
	_ =	sdelay $0x1  }
0x141: {  	v3 =	vperm.xlane v3, v2;
	_ =	sdelay $0x1  }
0x142: {  	v3 =	vadd.s32 v1, v3  }
0x143: {  	[tilespmem:s14], [sflag:$0x2] =	stream.indirect_vreg.gather [hbm4b:s2+s6], $0x80, v4, vm0, $0xb8;
	[tilespmem:$0x1B000] =	vst v63  }
0x144: {  	_ = 	snop  }
0x145: {  	[tilespmem:s15], [sflag:$0x2] =	stream.indirect_vreg.gather [hbm4b:s8+s6], $0x80, v4, vm0, $0xb8;
	[tilespmem:$0x1B000] =	vst v63  }
0x146: {  	_ = 	snop  }
0x147: {  	[tilespmem:s16], [sflag:$0x2] =	stream.indirect_vreg.gather [hbm4b:s2+s6], $0x80, v3, vm0, $0xb8;
	[tilespmem:$0x1B000] =	vst v63  }
0x148: {  	_ = 	snop  }
0x149: {  	[tilespmem:s17], [sflag:$0x2] =	stream.indirect_vreg.gather [hbm4b:s8+s6], $0x80, v3, vm0, $0xb8;
	[tilespmem:$0x1B000] =	vst v63  }
0x14a: {  	v3 =	vld [tilespmem:s10+$0x30];
	_ =	sdelay $0x4  }
0x14b: {  	v4 =	vshll.u32 v3, $0x2  }
0x14c: {  	v3 =	vand.u32 $0x7, v3;
	v4 =	vand.u32 $0xFFFFFFE0, v4  }
0x14d: {  	v3 =	vor.u32 v3, v4  }
0x14e: {  	v4 =	vperm.xlane v3, v0;
	_ =	sdelay $0x1  }
0x14f: {  	v4 =	vadd.s32 v1, v4;
	_ =	sdelay $0x1  }
0x150: {  	v3 =	vperm.xlane v3, v2;
	_ =	sdelay $0x1  }
0x151: {  	v3 =	vadd.s32 v1, v3  }
0x152: {  	[tilespmem:s18], [sflag:$0x2] =	stream.indirect_vreg.gather [hbm4b:s2+s6], $0x80, v4, vm0, $0xb8;
	[tilespmem:$0x1B000] =	vst v63  }
0x153: {  	_ = 	snop  }
0x154: {  	[tilespmem:s19], [sflag:$0x2] =	stream.indirect_vreg.gather [hbm4b:s8+s6], $0x80, v4, vm0, $0xb8;
	[tilespmem:$0x1B000] =	vst v63  }
0x155: {  	_ = 	snop  }
0x156: {  	[tilespmem:s20], [sflag:$0x2] =	stream.indirect_vreg.gather [hbm4b:s2+s6], $0x80, v3, vm0, $0xb8;
	[tilespmem:$0x1B000] =	vst v63  }
0x157: {  	_ = 	snop  }
0x158: {  	[tilespmem:s21], [sflag:$0x2] =	stream.indirect_vreg.gather [hbm4b:s8+s6], $0x80, v3, vm0, $0xb8;
	[tilespmem:$0x1B000] =	vst v63  }
0x159: {  	_ =	swait.ge [sflag:s31], $0x8000  }
0x15a: {  	[sflag:s31] =	ssyncset.done $0x0  }
0x15b: {  	[sflag:s31] =	ssyncadd.s32 $0xFFFF8000  }
0x15c: {  	v3 =	vld [tilespmem:s28+$0x2000]  }
0x15d: {  	v4 =	vld [tilespmem:s28+$0x2010]  }
0x15e: {  	v5 =	vld [tilespmem:s28+$0x2020]  }
0x15f: {  	v6 =	vld [tilespmem:s28+$0x2030]  }
0x160: {  	v7 =	vld [tilespmem:s28+$0x2040]  }
0x161: {  	v8 =	vld [tilespmem:s28+$0x2050]  }
0x162: {  	v9 =	vld [tilespmem:s28+$0x2060]  }
0x163: {  	v10 =	vld [tilespmem:s28+$0x2070]  }
0x164: {  	v11 =	vld [tilespmem:s28+$0x2400]  }
0x165: {  	v12 =	vld [tilespmem:s28+$0x2410]  }
0x166: {  	v13 =	vld [tilespmem:s28+$0x2420]  }
0x167: {  	v14 =	vld [tilespmem:s28+$0x2430]  }
0x168: {  	v15 =	vld [tilespmem:s28+$0x2440]  }
0x169: {  	v16 =	vld [tilespmem:s28+$0x2450]  }
0x16a: {  	v19 =	vld [tilespmem:s28+$0x2460]  }
0x16b: {  	v20 =	vld [tilespmem:s28+$0x2470]  }
0x16c: {  	v22 =	vld [tilespmem:s28+$0x2800]  }
0x16d: {  	v24 =	vld [tilespmem:s28+$0x2810]  }
0x16e: {  	v25 =	vld [tilespmem:s28+$0x2820]  }
0x16f: {  	v27 =	vld [tilespmem:s28+$0x2830]  }
0x170: {  	v28 =	vld [tilespmem:s28+$0x2840]  }
0x171: {  	v30 =	vld [tilespmem:s28+$0x2850]  }
0x172: {  	v31 =	vld [tilespmem:s28+$0x2860]  }
0x173: {  	v33 =	vld [tilespmem:s28+$0x2870]  }
0x174: {  	v34 =	vld [tilespmem:s28+$0x2C00]  }
0x175: {  	v32 =	vld [tilespmem:s28+$0x2C10]  }
0x176: {  	v29 =	vld [tilespmem:s28+$0x2C20]  }
0x177: {  	v26 =	vld [tilespmem:s28+$0x2C30]  }
0x178: {  	v23 =	vld [tilespmem:s28+$0x2C40]  }
0x179: {  	v21 =	vld [tilespmem:s28+$0x2C50]  }
0x17a: {  	s30 =	sand.u32 $0x7000, s6;
	s6 =	sand.u32 $0x380, s6;
	v17 =	vld [tilespmem:s28+$0x2C60]  }
0x17b: {  	s11 =	sor.u32 s6, s30;
	v18 =	vld [tilespmem:s28+$0x2C70]  }
0x17c: {  	v35 =	vld [tilespmem:s11+$0x3000]  }
0x17d: {  	v36 =	vld [tilespmem:s11+$0x3010]  }
0x17e: {  	v37 =	vld [tilespmem:s11+$0x3020]  }
0x17f: {  	v38 =	vld [tilespmem:s11+$0x3030]  }
0x180: {  	v39 =	vld [tilespmem:s11+$0x3040]  }
0x181: {  	v40 =	vld [tilespmem:s11+$0x3050];
	v35 =	vadd.f32 v35, v3  }
0x182: {  	v41 =	vld [tilespmem:s11+$0x3060];
	v36 =	vadd.f32 v36, v4  }
0x183: {  	v49 =	vld [tilespmem:s11+$0x3070];
	v48 =	vadd.f32 v37, v5;
	[tilespmem:s11+$0x3000] =	vst v35  }
0x184: {  	v51 =	vld [tilespmem:s11+$0x3400];
	v50 =	vadd.f32 v38, v6;
	[tilespmem:s11+$0x3010] =	vst v36  }
0x185: {  	v53 =	vld [tilespmem:s11+$0x3410];
	v52 =	vadd.f32 v39, v7;
	[tilespmem:s11+$0x3020] =	vst v48  }
0x186: {  	v55 =	vld [tilespmem:s11+$0x3420];
	v54 =	vadd.f32 v40, v8;
	[tilespmem:s11+$0x3030] =	vst v50  }
0x187: {  	v57 =	vld [tilespmem:s11+$0x3430];
	v56 =	vadd.f32 v41, v9;
	[tilespmem:s11+$0x3040] =	vst v52  }
0x188: {  	v42 =	vld [tilespmem:s11+$0x3860];
	v58 =	vadd.f32 v49, v10;
	[tilespmem:s11+$0x3050] =	vst v54  }
0x189: {  	v59 =	vld [tilespmem:s11+$0x3440];
	v60 =	vadd.f32 v51, v11;
	[tilespmem:s11+$0x3060] =	vst v56  }
0x18a: {  	v61 =	vld [tilespmem:s11+$0x3450];
	v62 =	vadd.f32 v53, v12;
	[tilespmem:s11+$0x3070] =	vst v58  }
0x18b: {  	v63 =	vld [tilespmem:s11+$0x3460];
	v44 =	vadd.f32 v55, v13;
	[tilespmem:s11+$0x3400] =	vst v60  }
0x18c: {  	v45 =	vld [tilespmem:s11+$0x3470];
	v46 =	vadd.f32 v57, v14;
	[tilespmem:s11+$0x3410] =	vst v62  }
0x18d: {  	v47 =	vld [tilespmem:s11+$0x3800];
	v42 =	vadd.f32 v42, v31;
	[tilespmem:s11+$0x3420] =	vst v44  }
0x18e: {  	v49 =	vld [tilespmem:s11+$0x3810];
	v48 =	vadd.f32 v59, v15;
	[tilespmem:s11+$0x3430] =	vst v46  }
0x18f: {  	v51 =	vld [tilespmem:s11+$0x3820];
	v50 =	vadd.f32 v61, v16;
	[tilespmem:s11+$0x3860] =	vst v42  }
0x190: {  	v53 =	vld [tilespmem:s11+$0x3830];
	v52 =	vadd.f32 v63, v19;
	[tilespmem:s11+$0x3440] =	vst v48  }
0x191: {  	v55 =	vld [tilespmem:s11+$0x3840];
	v54 =	vadd.f32 v45, v20;
	[tilespmem:s11+$0x3450] =	vst v50  }
0x192: {  	v57 =	vld [tilespmem:s11+$0x3850];
	v56 =	vadd.f32 v47, v22;
	[tilespmem:s11+$0x3460] =	vst v52  }
0x193: {  	v43 =	vld [tilespmem:s11+$0x3870];
	[tilespmem:s11+$0x3470] =	vst v54;
	v58 =	vadd.f32 v49, v24  }
0x194: {  	v61 =	vld [tilespmem:s11+$0x3C00];
	[tilespmem:s11+$0x3800] =	vst v56;
	v59 =	vadd.f32 v51, v25  }
0x195: {  	v38 =	vld [tilespmem:s11+$0x3C10];
	v60 =	vadd.f32 v53, v27;
	[tilespmem:s11+$0x3810] =	vst v58  }
0x196: {  	v37 =	vld [tilespmem:s11+$0x3C20];
	v62 =	vadd.f32 v55, v28;
	[tilespmem:s11+$0x3820] =	vst v59  }
0x197: {  	v36 =	vld [tilespmem:s11+$0x3C30];
	v63 =	vadd.f32 v57, v30;
	[tilespmem:s11+$0x3830] =	vst v60  }
0x198: {  	v41 =	vadd.f32 v43, v33;
	v35 =	vld [tilespmem:s11+$0x3C40];
	[tilespmem:s11+$0x3840] =	vst v62  }
0x199: {  	s29 =	sshrl.u32 s26, $0x4;
	s10 =	simm.s32 $0x80;
	s6 =	simm.s32 $0x200;
	v39 =	vld [tilespmem:s11+$0x3C50];
	[tilespmem:s11+$0x3850] =	vst v63;
	v40 =	vadd.f32 v61, v34  }
.LBB2_7:
0x19a: {  	s12 =	sand.u32 $0x7000, s6;
	s30 =	sand.u32 $0x380, s10;
	p0 =	sne.s32 s6, $0x7E00;
	[tilespmem:s11+$0x3870] =	vst v41;
	v38 =	vadd.f32 v38, v32;
	v41 =	vld [tilespmem:s11+$0x3C60]  }
0x19b: {  	s12 =	sor.u32 s30, s12;
	[tilespmem:s11+$0x3C00] =	vst v40;
	v37 =	vadd.f32 v37, v29;
	v40 =	vld [tilespmem:s11+$0x3C70]  }
0x19c: {  	v42 =	vld [tilespmem:s12+$0x3000];
	[tilespmem:s11+$0x3C10] =	vst v38;
	v36 =	vadd.f32 v36, v26  }
0x19d: {  	v38 =	vld [tilespmem:s12+$0x3010];
	[tilespmem:s11+$0x3C20] =	vst v37;
	v35 =	vadd.f32 v35, v23  }
0x19e: {  	v37 =	vld [tilespmem:s12+$0x3020];
	[tilespmem:s11+$0x3C30] =	vst v36;
	v36 =	vadd.f32 v39, v21  }
0x19f: {  	v39 =	vld [tilespmem:s12+$0x3030];
	[tilespmem:s11+$0x3C40] =	vst v35;
	v35 =	vadd.f32 v41, v17  }
0x1a0: {  	v41 =	vld [tilespmem:s12+$0x3040];
	[tilespmem:s11+$0x3C50] =	vst v36;
	v36 =	vadd.f32 v40, v18  }
0x1a1: {  	v40 =	vadd.f32 v42, v3;
	v42 =	vld [tilespmem:s12+$0x3050];
	[tilespmem:s11+$0x3C60] =	vst v35  }
0x1a2: {  	v35 =	vadd.f32 v38, v4;
	v38 =	vld [tilespmem:s12+$0x3060];
	[tilespmem:s11+$0x3C70] =	vst v36;
	s11 =	smov.u32 s12  }
0x1a3: {  	[tilespmem:s11+$0x3000] =	vst v40;
	v36 =	vadd.f32 v37, v5;
	v37 =	vld [tilespmem:s11+$0x3070]  }
0x1a4: {  	[tilespmem:s11+$0x3010] =	vst v35;
	v35 =	vadd.f32 v39, v6;
	v39 =	vld [tilespmem:s11+$0x3400]  }
0x1a5: {  	[tilespmem:s11+$0x3020] =	vst v36;
	v36 =	vadd.f32 v41, v7;
	v40 =	vld [tilespmem:s11+$0x3410]  }
0x1a6: {  	[tilespmem:s11+$0x3030] =	vst v35;
	v35 =	vadd.f32 v42, v8;
	v41 =	vld [tilespmem:s11+$0x3420]  }
0x1a7: {  	[tilespmem:s11+$0x3040] =	vst v36;
	v36 =	vadd.f32 v38, v9;
	v38 =	vld [tilespmem:s11+$0x3430]  }
0x1a8: {  	[tilespmem:s11+$0x3050] =	vst v35;
	v35 =	vadd.f32 v37, v10;
	v37 =	vld [tilespmem:s11+$0x3440]  }
0x1a9: {  	[tilespmem:s11+$0x3060] =	vst v36;
	v36 =	vadd.f32 v39, v11;
	v39 =	vld [tilespmem:s11+$0x3450]  }
0x1aa: {  	[tilespmem:s11+$0x3070] =	vst v35;
	v35 =	vadd.f32 v40, v12;
	v40 =	vld [tilespmem:s11+$0x3460]  }
0x1ab: {  	[tilespmem:s11+$0x3400] =	vst v36;
	v36 =	vadd.f32 v41, v13;
	v41 =	vld [tilespmem:s11+$0x3470]  }
0x1ac: {  	[tilespmem:s11+$0x3410] =	vst v35;
	v35 =	vadd.f32 v38, v14;
	v38 =	vld [tilespmem:s11+$0x3800]  }
0x1ad: {  	[tilespmem:s11+$0x3420] =	vst v36;
	v36 =	vadd.f32 v37, v15;
	v37 =	vld [tilespmem:s11+$0x3810]  }
0x1ae: {  	[tilespmem:s11+$0x3430] =	vst v35;
	v35 =	vadd.f32 v39, v16;
	v39 =	vld [tilespmem:s11+$0x3820]  }
0x1af: {  	[tilespmem:s11+$0x3440] =	vst v36;
	v36 =	vadd.f32 v40, v19;
	v40 =	vld [tilespmem:s11+$0x3830]  }
0x1b0: {  	[tilespmem:s11+$0x3450] =	vst v35;
	v35 =	vadd.f32 v41, v20;
	v41 =	vld [tilespmem:s11+$0x3840]  }
0x1b1: {  	[tilespmem:s11+$0x3460] =	vst v36;
	v36 =	vadd.f32 v38, v22;
	v42 =	vld [tilespmem:s11+$0x3850]  }
0x1b2: {  	[tilespmem:s11+$0x3470] =	vst v35;
	v35 =	vadd.f32 v37, v24;
	v43 =	vld [tilespmem:s11+$0x3860]  }
0x1b3: {  	[tilespmem:s11+$0x3800] =	vst v36;
	v36 =	vadd.f32 v39, v25;
	v39 =	vld [tilespmem:s11+$0x3870]  }
0x1b4: {  	[tilespmem:s11+$0x3810] =	vst v35;
	v35 =	vadd.f32 v40, v27;
	v40 =	vld [tilespmem:s11+$0x3C00]  }
.Ltmp2:
0x1b5: {  	[tilespmem:s11+$0x3820] =	vst v36;
	v36 =	vadd.f32 v41, v28;
	v38 =	vld [tilespmem:s11+$0x3C10];
	(pc) =	sbr.rel @p0 .LBB2_7-.Ltmp2, $4  }
0x1b6: {  	[tilespmem:s11+$0x3830] =	vst v35;
	v35 =	vadd.f32 v42, v30;
	v37 =	vld [tilespmem:s11+$0x3C20]  }
0x1b7: {  	[tilespmem:s11+$0x3840] =	vst v36;
	v42 =	vadd.f32 v43, v31;
	v36 =	vld [tilespmem:s11+$0x3C30]  }
0x1b8: {  	[tilespmem:s11+$0x3850] =	vst v35;
	v41 =	vadd.f32 v39, v33;
	v35 =	vld [tilespmem:s11+$0x3C40]  }
0x1b9: {  	s10 =	sadd.s32 $0x80, s10;
	s6 =	sadd.s32 $0x200, s6;
	[tilespmem:s11+$0x3860] =	vst v42;
	v40 =	vadd.f32 v40, v34;
	v39 =	vld [tilespmem:s11+$0x3C50]  }
0x1ba: {  	[tilespmem:s11+$0x3870] =	vst v41;
	v3 =	vadd.f32 v38, v32;
	v4 =	vld [tilespmem:s11+$0x3C60]  }
0x1bb: {  	v6 =	vld [tilespmem:s11+$0x3C70];
	[tilespmem:s11+$0x3C00] =	vst v40;
	v5 =	vadd.f32 v37, v29  }
0x1bc: {  	s6 =	smul.u32 $0x1800000, s23;
	[tilespmem:s11+$0x3C10] =	vst v3;
	v3 =	vadd.f32 v36, v26  }
0x1bd: {  	[tilespmem:s11+$0x3C20] =	vst v5;
	v63 =	vadd.f32 v35, v23  }
0x1be: {  	s10 =	rddreg [dreg:$0x6];
	s6 =	sand.u32 $0x7800000, s6;
	[tilespmem:s11+$0x3C30] =	vst v3;
	v3 =	vadd.f32 v39, v21  }
0x1bf: {  	s6 =	sor.u32 s10, s6;
	[tilespmem:s11+$0x3C40] =	vst v63;
	v4 =	vadd.f32 v4, v17  }
0x1c0: {  	s6 =	sadd.s32 s28, s6;
	[tilespmem:s11+$0x3C50] =	vst v3;
	v3 =	vadd.f32 v6, v18  }
0x1c1: {  	s6 =	sshrl.u32 s6, $0x3;
	[tilespmem:s11+$0x3C60] =	vst v4  }
0x1c2: {  	s28 =	simm.s32 $0x3000;
	s6 =	sadd.s32 s3, s6;
	[tilespmem:s11+$0x3C70] =	vst v3  }
0x1c3: {  	[hbm4b:s6+s0] =	stream.strided.scatter [tilespmem:s28], [sflag:$0x4], $0x400, s1, s0, $0x38;
	[tilespmem:$0x1B000] =	vst v63  }
0x1c4: {  	s12 =	simm.s32 $0x3400;
	s11 =	sadd.s32 $0x80, s6  }
0x1c5: {  	[hbm4b:s11+s0] =	stream.strided.scatter [tilespmem:s12], [sflag:$0x4], $0x400, s1, s0, $0x38;
	[tilespmem:$0x1B000] =	vst v63  }
0x1c6: {  	s30 =	simm.s32 $0x3800;
	s12 =	sadd.s32 $0x100, s6  }
0x1c7: {  	[hbm4b:s12+s0] =	stream.strided.scatter [tilespmem:s30], [sflag:$0x4], $0x400, s1, s0, $0x38;
	[tilespmem:$0x1B000] =	vst v63  }
0x1c8: {  	s11 =	sadd.s32 $0x180, s6;
	s12 =	simm.s32 $0x3C00  }
0x1c9: {  	[hbm4b:s11+s0] =	stream.strided.scatter [tilespmem:s12], [sflag:$0x4], $0x400, s1, s0, $0x38;
	[tilespmem:$0x1B000] =	vst v63  }
0x1ca: {  	s10 =	sadd.s32 $0x20000, s6;
	s12 =	simm.s32 $0x4000  }
0x1cb: {  	[hbm4b:s10+s0] =	stream.strided.scatter [tilespmem:s12], [sflag:$0x4], $0x400, s1, s0, $0x38;
	[tilespmem:$0x1B000] =	vst v63  }
0x1cc: {  	s11 =	sadd.s32 $0x80, s10;
	s12 =	simm.s32 $0x4400  }
0x1cd: {  	[hbm4b:s11+s0] =	stream.strided.scatter [tilespmem:s12], [sflag:$0x4], $0x400, s1, s0, $0x38;
	[tilespmem:$0x1B000] =	vst v63  }
0x1ce: {  	s11 =	sadd.s32 $0x100, s10;
	s12 =	simm.s32 $0x4800  }
0x1cf: {  	[hbm4b:s11+s0] =	stream.strided.scatter [tilespmem:s12], [sflag:$0x4], $0x400, s1, s0, $0x38;
	[tilespmem:$0x1B000] =	vst v63  }
0x1d0: {  	s10 =	sadd.s32 $0x180, s10;
	s12 =	simm.s32 $0x4C00  }
0x1d1: {  	[hbm4b:s10+s0] =	stream.strided.scatter [tilespmem:s12], [sflag:$0x4], $0x400, s1, s0, $0x38;
	[tilespmem:$0x1B000] =	vst v63  }
0x1d2: {  	s10 =	sadd.s32 $0x40000, s6;
	s12 =	simm.s32 $0x5000  }
0x1d3: {  	[hbm4b:s10+s0] =	stream.strided.scatter [tilespmem:s12], [sflag:$0x4], $0x400, s1, s0, $0x38;
	[tilespmem:$0x1B000] =	vst v63  }
0x1d4: {  	s11 =	sadd.s32 $0x80, s10;
	s12 =	simm.s32 $0x5400  }
0x1d5: {  	[hbm4b:s11+s0] =	stream.strided.scatter [tilespmem:s12], [sflag:$0x4], $0x400, s1, s0, $0x38;
	[tilespmem:$0x1B000] =	vst v63  }
0x1d6: {  	s11 =	sadd.s32 $0x100, s10;
	s12 =	simm.s32 $0x5800  }
0x1d7: {  	[hbm4b:s11+s0] =	stream.strided.scatter [tilespmem:s12], [sflag:$0x4], $0x400, s1, s0, $0x38;
	[tilespmem:$0x1B000] =	vst v63  }
0x1d8: {  	s10 =	sadd.s32 $0x180, s10;
	s12 =	simm.s32 $0x5C00  }
0x1d9: {  	[hbm4b:s10+s0] =	stream.strided.scatter [tilespmem:s12], [sflag:$0x4], $0x400, s1, s0, $0x38;
	[tilespmem:$0x1B000] =	vst v63  }
0x1da: {  	s10 =	sadd.s32 $0x60000, s6;
	s12 =	simm.s32 $0x6000  }
0x1db: {  	[hbm4b:s10+s0] =	stream.strided.scatter [tilespmem:s12], [sflag:$0x4], $0x400, s1, s0, $0x38;
	[tilespmem:$0x1B000] =	vst v63  }
0x1dc: {  	s11 =	sadd.s32 $0x80, s10;
	s12 =	simm.s32 $0x6400  }
0x1dd: {  	[hbm4b:s11+s0] =	stream.strided.scatter [tilespmem:s12], [sflag:$0x4], $0x400, s1, s0, $0x38;
	[tilespmem:$0x1B000] =	vst v63  }
0x1de: {  	s11 =	sadd.s32 $0x100, s10;
	s12 =	simm.s32 $0x6800  }
0x1df: {  	[hbm4b:s11+s0] =	stream.strided.scatter [tilespmem:s12], [sflag:$0x4], $0x400, s1, s0, $0x38;
	[tilespmem:$0x1B000] =	vst v63  }
0x1e0: {  	s10 =	sadd.s32 $0x180, s10;
	s12 =	simm.s32 $0x6C00  }
0x1e1: {  	[hbm4b:s10+s0] =	stream.strided.scatter [tilespmem:s12], [sflag:$0x4], $0x400, s1, s0, $0x38;
	[tilespmem:$0x1B000] =	vst v63  }
0x1e2: {  	s10 =	sadd.s32 $0x80000, s6;
	s12 =	simm.s32 $0x7000  }
0x1e3: {  	[hbm4b:s10+s0] =	stream.strided.scatter [tilespmem:s12], [sflag:$0x4], $0x400, s1, s0, $0x38;
	[tilespmem:$0x1B000] =	vst v63  }
0x1e4: {  	s11 =	sadd.s32 $0x80, s10;
	s12 =	simm.s32 $0x7400  }
0x1e5: {  	[hbm4b:s11+s0] =	stream.strided.scatter [tilespmem:s12], [sflag:$0x4], $0x400, s1, s0, $0x38;
	[tilespmem:$0x1B000] =	vst v63  }
0x1e6: {  	s11 =	sadd.s32 $0x100, s10;
	s12 =	simm.s32 $0x7800  }
0x1e7: {  	[hbm4b:s11+s0] =	stream.strided.scatter [tilespmem:s12], [sflag:$0x4], $0x400, s1, s0, $0x38;
	[tilespmem:$0x1B000] =	vst v63  }
0x1e8: {  	s10 =	sadd.s32 $0x180, s10;
	s12 =	simm.s32 $0x7C00  }
0x1e9: {  	[hbm4b:s10+s0] =	stream.strided.scatter [tilespmem:s12], [sflag:$0x4], $0x400, s1, s0, $0x38;
	[tilespmem:$0x1B000] =	vst v63  }
0x1ea: {  	s10 =	sadd.s32 $0xA0000, s6;
	s12 =	simm.s32 $0x8000  }
0x1eb: {  	[hbm4b:s10+s0] =	stream.strided.scatter [tilespmem:s12], [sflag:$0x4], $0x400, s1, s0, $0x38;
	[tilespmem:$0x1B000] =	vst v63  }
0x1ec: {  	s11 =	sadd.s32 $0x80, s10;
	s12 =	simm.s32 $0x8400  }
0x1ed: {  	[hbm4b:s11+s0] =	stream.strided.scatter [tilespmem:s12], [sflag:$0x4], $0x400, s1, s0, $0x38;
	[tilespmem:$0x1B000] =	vst v63  }
0x1ee: {  	s11 =	sadd.s32 $0x100, s10;
	s12 =	simm.s32 $0x8800  }
0x1ef: {  	[hbm4b:s11+s0] =	stream.strided.scatter [tilespmem:s12], [sflag:$0x4], $0x400, s1, s0, $0x38;
	[tilespmem:$0x1B000] =	vst v63  }
0x1f0: {  	s10 =	sadd.s32 $0x180, s10;
	s12 =	simm.s32 $0x8C00  }
0x1f1: {  	[hbm4b:s10+s0] =	stream.strided.scatter [tilespmem:s12], [sflag:$0x4], $0x400, s1, s0, $0x38;
	[tilespmem:$0x1B000] =	vst v63  }
0x1f2: {  	s10 =	sadd.s32 $0xC0000, s6;
	s12 =	simm.s32 $0x9000  }
0x1f3: {  	[hbm4b:s10+s0] =	stream.strided.scatter [tilespmem:s12], [sflag:$0x4], $0x400, s1, s0, $0x38;
	[tilespmem:$0x1B000] =	vst v63  }
0x1f4: {  	s11 =	sadd.s32 $0x80, s10;
	s12 =	simm.s32 $0x9400  }
0x1f5: {  	[hbm4b:s11+s0] =	stream.strided.scatter [tilespmem:s12], [sflag:$0x4], $0x400, s1, s0, $0x38;
	[tilespmem:$0x1B000] =	vst v63  }
0x1f6: {  	s11 =	sadd.s32 $0x100, s10;
	s12 =	simm.s32 $0x9800  }
0x1f7: {  	[hbm4b:s11+s0] =	stream.strided.scatter [tilespmem:s12], [sflag:$0x4], $0x400, s1, s0, $0x38;
	[tilespmem:$0x1B000] =	vst v63  }
0x1f8: {  	s10 =	sadd.s32 $0x180, s10;
	s12 =	simm.s32 $0x9C00  }
0x1f9: {  	[hbm4b:s10+s0] =	stream.strided.scatter [tilespmem:s12], [sflag:$0x4], $0x400, s1, s0, $0x38;
	[tilespmem:$0x1B000] =	vst v63  }
0x1fa: {  	s6 =	sadd.s32 $0xE0000, s6;
	s12 =	simm.s32 $0xA000  }
0x1fb: {  	[hbm4b:s6+s0] =	stream.strided.scatter [tilespmem:s12], [sflag:$0x4], $0x400, s1, s0, $0x38;
	[tilespmem:$0x1B000] =	vst v63  }
0x1fc: {  	s11 =	sadd.s32 $0x80, s6;
	s12 =	simm.s32 $0xA400  }
0x1fd: {  	[hbm4b:s11+s0] =	stream.strided.scatter [tilespmem:s12], [sflag:$0x4], $0x400, s1, s0, $0x38;
	[tilespmem:$0x1B000] =	vst v63  }
0x1fe: {  	s11 =	sadd.s32 $0x100, s6;
	s12 =	simm.s32 $0xA800  }
0x1ff: {  	[hbm4b:s11+s0] =	stream.strided.scatter [tilespmem:s12], [sflag:$0x4], $0x400, s1, s0, $0x38;
	[tilespmem:$0x1B000] =	vst v63  }
0x200: {  	p1 =	seq.s32 s23, $0x2A;
	s6 =	sadd.s32 $0x180, s6;
	s12 =	simm.s32 $0xAC00  }
0x201: {  	[hbm4b:s6+s0] =	stream.strided.scatter [tilespmem:s12], [sflag:$0x4], $0x400, s1, s0, $0x38;
	[tilespmem:$0x1B000] =	vst v63  }
.Ltmp3:
0x202: {  	p0 =	sgt.u32 s25, $0x7C;
	(pc) =	sbr.rel @p1 .LBB2_10-.Ltmp3, $4  }
0x203: {  	s6 =	simm.s32 @!p0 $0x6  }
0x204: {  	_ =	swait.ge @!p0 [sflag:s6], $0x8000  }
0x205: {  	[sflag:s6] =	ssyncset.done @!p0 $0x0  }
0x206: {  	[sflag:s6] =	ssyncadd.s32 @!p0 $0xFFFF8000  }
0x207: {  	s6 =	sadd.s32 $0x2, s24  }
0x208: {  	s10 =	sshll.u32 s6, $0x6;
	s11 =	sshll.u32 s6, $0x9  }
0x209: {  	s6 =	sshll.u32 s6, $0x3;
	s12 =	sand.u32 $0x6000, s10;
	s11 =	sand.u32 $0x1C00, s11  }
0x20a: {  	s6 =	sand.u32 $0x380, s6;
	s11 =	sor.u32 s11, s12  }
0x20b: {  	s10 =	sand.u32 $0x40, s10;
	s6 =	sor.u32 s6, s11  }
0x20c: {  	s6 =	sor.u32 s10, s6  }
0x20d: {  	v3 =	vld [tilespmem:s6+$0x0];
	_ =	sdelay $0x4  }
0x20e: {  	v4 =	vshll.u32 v3, $0x2  }
0x20f: {  	v3 =	vand.u32 $0x7, v3;
	v4 =	vand.u32 $0xFFFFFFE0, v4  }
0x210: {  	v3 =	vor.u32 v3, v4  }
0x211: {  	v4 =	vperm.xlane v3, v0;
	_ =	sdelay $0x1  }
0x212: {  	v4 =	vadd.s32 v1, v4;
	_ =	sdelay $0x1  }
0x213: {  	v3 =	vperm.xlane v3, v2;
	_ =	sdelay $0x1  }
0x214: {  	s11 =	simm.s32 $0x13000;
	v3 =	vadd.s32 v1, v3  }
0x215: {  	[tilespmem:s11], [sflag:$0x3] =	stream.indirect_vreg.gather [hbm4b:s2+s4], $0x80, v4, vm0, $0xb8;
	[tilespmem:$0x1B000] =	vst v63  }
0x216: {  	s12 =	simm.s32 $0x13800  }
0x217: {  	[tilespmem:s12], [sflag:$0x3] =	stream.indirect_vreg.gather [hbm4b:s8+s4], $0x80, v4, vm0, $0xb8;
	[tilespmem:$0x1B000] =	vst v63  }
0x218: {  	s24 =	simm.s32 $0x14000  }
0x219: {  	[tilespmem:s24], [sflag:$0x3] =	stream.indirect_vreg.gather [hbm4b:s2+s4], $0x80, v3, vm0, $0xb8;
	[tilespmem:$0x1B000] =	vst v63  }
0x21a: {  	s25 =	simm.s32 $0x14800  }
0x21b: {  	[tilespmem:s25], [sflag:$0x3] =	stream.indirect_vreg.gather [hbm4b:s8+s4], $0x80, v3, vm0, $0xb8;
	[tilespmem:$0x1B000] =	vst v63  }
0x21c: {  	v3 =	vld [tilespmem:s6+$0x10];
	_ =	sdelay $0x4  }
0x21d: {  	v61 =	vshll.u32 v3, $0x2  }
0x21e: {  	v3 =	vand.u32 $0x7, v3;
	v4 =	vand.u32 $0xFFFFFFE0, v61  }
0x21f: {  	v3 =	vor.u32 v3, v4  }
0x220: {  	v4 =	vperm.xlane v3, v0;
	_ =	sdelay $0x1  }
0x221: {  	v4 =	vadd.s32 v1, v4;
	_ =	sdelay $0x1  }
0x222: {  	v3 =	vperm.xlane v3, v2;
	_ =	sdelay $0x1  }
0x223: {  	s11 =	simm.s32 $0x15000;
	v3 =	vadd.s32 v1, v3  }
0x224: {  	[tilespmem:s11], [sflag:$0x3] =	stream.indirect_vreg.gather [hbm4b:s2+s4], $0x80, v4, vm0, $0xb8;
	[tilespmem:$0x1B000] =	vst v63  }
0x225: {  	s12 =	simm.s32 $0x15800  }
0x226: {  	[tilespmem:s12], [sflag:$0x3] =	stream.indirect_vreg.gather [hbm4b:s8+s4], $0x80, v4, vm0, $0xb8;
	[tilespmem:$0x1B000] =	vst v63  }
0x227: {  	s24 =	simm.s32 $0x16000  }
0x228: {  	[tilespmem:s24], [sflag:$0x3] =	stream.indirect_vreg.gather [hbm4b:s2+s4], $0x80, v3, vm0, $0xb8;
	[tilespmem:$0x1B000] =	vst v63  }
0x229: {  	s25 =	simm.s32 $0x16800  }
0x22a: {  	[tilespmem:s25], [sflag:$0x3] =	stream.indirect_vreg.gather [hbm4b:s8+s4], $0x80, v3, vm0, $0xb8;
	[tilespmem:$0x1B000] =	vst v63  }
0x22b: {  	v3 =	vld [tilespmem:s6+$0x20];
	_ =	sdelay $0x4  }
0x22c: {  	v62 =	vshll.u32 v3, $0x2  }
0x22d: {  	v3 =	vand.u32 $0x7, v3;
	v4 =	vand.u32 $0xFFFFFFE0, v62  }
0x22e: {  	v3 =	vor.u32 v3, v4  }
0x22f: {  	v4 =	vperm.xlane v3, v0;
	_ =	sdelay $0x1  }
0x230: {  	v4 =	vadd.s32 v1, v4;
	_ =	sdelay $0x1  }
0x231: {  	v3 =	vperm.xlane v3, v2;
	_ =	sdelay $0x1  }
0x232: {  	s11 =	simm.s32 $0x17000;
	v3 =	vadd.s32 v1, v3  }
0x233: {  	[tilespmem:s11], [sflag:$0x3] =	stream.indirect_vreg.gather [hbm4b:s2+s4], $0x80, v4, vm0, $0xb8;
	[tilespmem:$0x1B000] =	vst v63  }
0x234: {  	s12 =	simm.s32 $0x17800  }
0x235: {  	[tilespmem:s12], [sflag:$0x3] =	stream.indirect_vreg.gather [hbm4b:s8+s4], $0x80, v4, vm0, $0xb8;
	[tilespmem:$0x1B000] =	vst v63  }
0x236: {  	s24 =	simm.s32 $0x18000  }
0x237: {  	[tilespmem:s24], [sflag:$0x3] =	stream.indirect_vreg.gather [hbm4b:s2+s4], $0x80, v3, vm0, $0xb8;
	[tilespmem:$0x1B000] =	vst v63  }
0x238: {  	s25 =	simm.s32 $0x18800  }
0x239: {  	[tilespmem:s25], [sflag:$0x3] =	stream.indirect_vreg.gather [hbm4b:s8+s4], $0x80, v3, vm0, $0xb8;
	[tilespmem:$0x1B000] =	vst v63  }
0x23a: {  	v3 =	vld [tilespmem:s6+$0x30];
	_ =	sdelay $0x4  }
0x23b: {  	v63 =	vshll.u32 v3, $0x2  }
0x23c: {  	v3 =	vand.u32 $0x7, v3;
	v4 =	vand.u32 $0xFFFFFFE0, v63  }
0x23d: {  	v3 =	vor.u32 v3, v4  }
0x23e: {  	v4 =	vperm.xlane v3, v0;
	_ =	sdelay $0x1  }
0x23f: {  	v4 =	vadd.s32 v1, v4;
	_ =	sdelay $0x1  }
0x240: {  	v3 =	vperm.xlane v3, v2;
	_ =	sdelay $0x1  }
0x241: {  	s11 =	simm.s32 $0x19000;
	v3 =	vadd.s32 v1, v3  }
0x242: {  	[tilespmem:s11], [sflag:$0x3] =	stream.indirect_vreg.gather [hbm4b:s2+s4], $0x80, v4, vm0, $0xb8;
	[tilespmem:$0x1B000] =	vst v63  }
0x243: {  	s12 =	simm.s32 $0x19800  }
0x244: {  	[tilespmem:s12], [sflag:$0x3] =	stream.indirect_vreg.gather [hbm4b:s8+s4], $0x80, v4, vm0, $0xb8;
	[tilespmem:$0x1B000] =	vst v63  }
0x245: {  	s24 =	simm.s32 $0x1A000  }
0x246: {  	[tilespmem:s24], [sflag:$0x3] =	stream.indirect_vreg.gather [hbm4b:s2+s4], $0x80, v3, vm0, $0xb8;
	[tilespmem:$0x1B000] =	vst v63  }
0x247: {  	s25 =	simm.s32 $0x1A800  }
0x248: {  	[tilespmem:s25], [sflag:$0x3] =	stream.indirect_vreg.gather [hbm4b:s8+s4], $0x80, v3, vm0, $0xb8;
	[tilespmem:$0x1B000] =	vst v63  }
.LBB2_10:
0x249: {  	_ =	swait.ge [sflag:s22], $0x8000;
	s6 =	sshll.u32 s29, $0x9  }
0x24a: {  	[sflag:s22] =	ssyncset.done $0x0;
	s6 =	sand.u32 $0x3000, s6  }
0x24b: {  	[sflag:s22] =	ssyncadd.s32 $0xFFFF8000;
	s6 =	sor.u32 s7, s6  }
0x24c: {  	v3 =	vld [tilespmem:s6+$0x2000]  }
0x24d: {  	v4 =	vld [tilespmem:s6+$0x2010]  }
0x24e: {  	v5 =	vld [tilespmem:s6+$0x2020]  }
0x24f: {  	v6 =	vld [tilespmem:s6+$0x2030]  }
0x250: {  	v7 =	vld [tilespmem:s6+$0x2040]  }
0x251: {  	v8 =	vld [tilespmem:s6+$0x2050]  }
0x252: {  	v9 =	vld [tilespmem:s6+$0x2060]  }
0x253: {  	v10 =	vld [tilespmem:s6+$0x2070]  }
0x254: {  	v11 =	vld [tilespmem:s6+$0x2400]  }
0x255: {  	v12 =	vld [tilespmem:s6+$0x2410]  }
0x256: {  	v13 =	vld [tilespmem:s6+$0x2420]  }
0x257: {  	v14 =	vld [tilespmem:s6+$0x2430]  }
0x258: {  	v15 =	vld [tilespmem:s6+$0x2440]  }
0x259: {  	v16 =	vld [tilespmem:s6+$0x2450]  }
0x25a: {  	v17 =	vld [tilespmem:s6+$0x2460]  }
0x25b: {  	v19 =	vld [tilespmem:s6+$0x2470]  }
0x25c: {  	v20 =	vld [tilespmem:s6+$0x2800]  }
0x25d: {  	v23 =	vld [tilespmem:s6+$0x2810]  }
0x25e: {  	v25 =	vld [tilespmem:s6+$0x2820]  }
0x25f: {  	v27 =	vld [tilespmem:s6+$0x2830]  }
0x260: {  	v28 =	vld [tilespmem:s6+$0x2840]  }
0x261: {  	v30 =	vld [tilespmem:s6+$0x2850]  }
0x262: {  	v31 =	vld [tilespmem:s6+$0x2860]  }
0x263: {  	v33 =	vld [tilespmem:s6+$0x2870]  }
0x264: {  	v34 =	vld [tilespmem:s6+$0x2C00]  }
0x265: {  	v32 =	vld [tilespmem:s6+$0x2C10]  }
0x266: {  	v29 =	vld [tilespmem:s6+$0x2C20]  }
0x267: {  	v26 =	vld [tilespmem:s6+$0x2C30]  }
0x268: {  	v24 =	vld [tilespmem:s6+$0x2C40]  }
0x269: {  	s25 =	simm.s32 $0x0;
	v21 =	vld [tilespmem:s6+$0x2C50]  }
0x26a: {  	s10 =	sand.u32 $0x7000, s25;
	s7 =	sand.u32 $0x380, s25;
	v22 =	vld [tilespmem:s6+$0x2C60]  }
0x26b: {  	v18 =	vld [tilespmem:s6+$0x2C70];
	s7 =	sor.u32 s7, s10  }
0x26c: {  	v35 =	vld [tilespmem:s7+$0xB000]  }
0x26d: {  	v36 =	vld [tilespmem:s7+$0xB010]  }
0x26e: {  	v37 =	vld [tilespmem:s7+$0xB020]  }
0x26f: {  	v38 =	vld [tilespmem:s7+$0xB030]  }
0x270: {  	v39 =	vld [tilespmem:s7+$0xB040]  }
0x271: {  	v40 =	vld [tilespmem:s7+$0xB050];
	v35 =	vadd.f32 v35, v3  }
0x272: {  	v41 =	vld [tilespmem:s7+$0xB060];
	v36 =	vadd.f32 v36, v4  }
0x273: {  	v48 =	vld [tilespmem:s7+$0xB070];
	v47 =	vadd.f32 v37, v5;
	[tilespmem:s7+$0xB000] =	vst v35  }
0x274: {  	v50 =	vld [tilespmem:s7+$0xB400];
	v49 =	vadd.f32 v38, v6;
	[tilespmem:s7+$0xB010] =	vst v36  }
0x275: {  	v52 =	vld [tilespmem:s7+$0xB410];
	v51 =	vadd.f32 v39, v7;
	[tilespmem:s7+$0xB020] =	vst v47  }
0x276: {  	v54 =	vld [tilespmem:s7+$0xB420];
	v53 =	vadd.f32 v40, v8;
	[tilespmem:s7+$0xB030] =	vst v49  }
0x277: {  	v56 =	vld [tilespmem:s7+$0xB430];
	v55 =	vadd.f32 v41, v9;
	[tilespmem:s7+$0xB040] =	vst v51  }
0x278: {  	v58 =	vld [tilespmem:s7+$0xB440];
	v57 =	vadd.f32 v48, v10;
	[tilespmem:s7+$0xB050] =	vst v53  }
0x279: {  	v60 =	vld [tilespmem:s7+$0xB450];
	v59 =	vadd.f32 v50, v11;
	[tilespmem:s7+$0xB060] =	vst v55  }
0x27a: {  	v62 =	vld [tilespmem:s7+$0xB460];
	v61 =	vadd.f32 v52, v12;
	[tilespmem:s7+$0xB070] =	vst v57  }
0x27b: {  	v44 =	vld [tilespmem:s7+$0xB470];
	v63 =	vadd.f32 v54, v13;
	[tilespmem:s7+$0xB400] =	vst v59  }
0x27c: {  	v46 =	vld [tilespmem:s7+$0xB800];
	v45 =	vadd.f32 v56, v14;
	[tilespmem:s7+$0xB410] =	vst v61  }
0x27d: {  	v42 =	vld [tilespmem:s7+$0xB860];
	[tilespmem:s7+$0xB420] =	vst v63;
	v47 =	vadd.f32 v58, v15  }
0x27e: {  	v48 =	vld [tilespmem:s7+$0xB810];
	[tilespmem:s7+$0xB430] =	vst v45;
	v49 =	vadd.f32 v60, v16  }
0x27f: {  	v50 =	vld [tilespmem:s7+$0xB820];
	v51 =	vadd.f32 v62, v17;
	[tilespmem:s7+$0xB440] =	vst v47  }
0x280: {  	v52 =	vld [tilespmem:s7+$0xB830];
	v53 =	vadd.f32 v44, v19;
	[tilespmem:s7+$0xB450] =	vst v49  }
0x281: {  	v54 =	vld [tilespmem:s7+$0xB840];
	v55 =	vadd.f32 v46, v20;
	[tilespmem:s7+$0xB460] =	vst v51  }
0x282: {  	v56 =	vld [tilespmem:s7+$0xB850];
	v63 =	vadd.f32 v42, v31;
	[tilespmem:s7+$0xB470] =	vst v53  }
0x283: {  	v43 =	vld [tilespmem:s7+$0xB870];
	[tilespmem:s7+$0xB800] =	vst v55;
	v57 =	vadd.f32 v48, v23  }
0x284: {  	v60 =	vld [tilespmem:s7+$0xBC00];
	[tilespmem:s7+$0xB860] =	vst v63;
	v58 =	vadd.f32 v50, v25  }
0x285: {  	v38 =	vld [tilespmem:s7+$0xBC10];
	v59 =	vadd.f32 v52, v27;
	[tilespmem:s7+$0xB810] =	vst v57  }
0x286: {  	v37 =	vld [tilespmem:s7+$0xBC20];
	v61 =	vadd.f32 v54, v28;
	[tilespmem:s7+$0xB820] =	vst v58  }
0x287: {  	v35 =	vld [tilespmem:s7+$0xBC30];
	v62 =	vadd.f32 v56, v30;
	[tilespmem:s7+$0xB830] =	vst v59  }
0x288: {  	v41 =	vadd.f32 v43, v33;
	v36 =	vld [tilespmem:s7+$0xBC40];
	[tilespmem:s7+$0xB840] =	vst v61  }
0x289: {  	s10 =	simm.s32 $0x80;
	s6 =	simm.s32 $0x200;
	v39 =	vld [tilespmem:s7+$0xBC50];
	[tilespmem:s7+$0xB850] =	vst v62;
	v40 =	vadd.f32 v60, v34  }
.LBB2_11:
0x28a: {  	s11 =	sand.u32 $0x7000, s6;
	s12 =	sand.u32 $0x380, s10;
	p0 =	sne.s32 s6, $0x7E00;
	[tilespmem:s7+$0xB870] =	vst v41;
	v38 =	vadd.f32 v38, v32;
	v41 =	vld [tilespmem:s7+$0xBC60]  }
0x28b: {  	s11 =	sor.u32 s12, s11;
	[tilespmem:s7+$0xBC00] =	vst v40;
	v37 =	vadd.f32 v37, v29;
	v40 =	vld [tilespmem:s7+$0xBC70]  }
0x28c: {  	v42 =	vld [tilespmem:s11+$0xB000];
	[tilespmem:s7+$0xBC10] =	vst v38;
	v35 =	vadd.f32 v35, v26  }
0x28d: {  	v38 =	vld [tilespmem:s11+$0xB010];
	[tilespmem:s7+$0xBC20] =	vst v37;
	v36 =	vadd.f32 v36, v24  }
0x28e: {  	v37 =	vld [tilespmem:s11+$0xB020];
	[tilespmem:s7+$0xBC30] =	vst v35;
	v35 =	vadd.f32 v39, v21  }
0x28f: {  	v39 =	vld [tilespmem:s11+$0xB030];
	[tilespmem:s7+$0xBC40] =	vst v36;
	v36 =	vadd.f32 v41, v22  }
0x290: {  	v41 =	vld [tilespmem:s11+$0xB040];
	[tilespmem:s7+$0xBC50] =	vst v35;
	v35 =	vadd.f32 v40, v18  }
0x291: {  	v40 =	vadd.f32 v42, v3;
	v42 =	vld [tilespmem:s11+$0xB050];
	[tilespmem:s7+$0xBC60] =	vst v36  }
0x292: {  	v36 =	vadd.f32 v38, v4;
	v38 =	vld [tilespmem:s11+$0xB060];
	[tilespmem:s7+$0xBC70] =	vst v35;
	s7 =	smov.u32 s11  }
0x293: {  	[tilespmem:s7+$0xB000] =	vst v40;
	v35 =	vadd.f32 v37, v5;
	v37 =	vld [tilespmem:s7+$0xB070]  }
0x294: {  	[tilespmem:s7+$0xB010] =	vst v36;
	v36 =	vadd.f32 v39, v6;
	v39 =	vld [tilespmem:s7+$0xB400]  }
0x295: {  	[tilespmem:s7+$0xB020] =	vst v35;
	v35 =	vadd.f32 v41, v7;
	v40 =	vld [tilespmem:s7+$0xB410]  }
0x296: {  	[tilespmem:s7+$0xB030] =	vst v36;
	v36 =	vadd.f32 v42, v8;
	v41 =	vld [tilespmem:s7+$0xB420]  }
0x297: {  	[tilespmem:s7+$0xB040] =	vst v35;
	v35 =	vadd.f32 v38, v9;
	v38 =	vld [tilespmem:s7+$0xB430]  }
0x298: {  	[tilespmem:s7+$0xB050] =	vst v36;
	v36 =	vadd.f32 v37, v10;
	v37 =	vld [tilespmem:s7+$0xB440]  }
0x299: {  	[tilespmem:s7+$0xB060] =	vst v35;
	v35 =	vadd.f32 v39, v11;
	v39 =	vld [tilespmem:s7+$0xB450]  }
0x29a: {  	[tilespmem:s7+$0xB070] =	vst v36;
	v36 =	vadd.f32 v40, v12;
	v40 =	vld [tilespmem:s7+$0xB460]  }
0x29b: {  	[tilespmem:s7+$0xB400] =	vst v35;
	v35 =	vadd.f32 v41, v13;
	v41 =	vld [tilespmem:s7+$0xB470]  }
0x29c: {  	[tilespmem:s7+$0xB410] =	vst v36;
	v36 =	vadd.f32 v38, v14;
	v38 =	vld [tilespmem:s7+$0xB800]  }
0x29d: {  	[tilespmem:s7+$0xB420] =	vst v35;
	v35 =	vadd.f32 v37, v15;
	v37 =	vld [tilespmem:s7+$0xB810]  }
0x29e: {  	[tilespmem:s7+$0xB430] =	vst v36;
	v36 =	vadd.f32 v39, v16;
	v39 =	vld [tilespmem:s7+$0xB820]  }
0x29f: {  	[tilespmem:s7+$0xB440] =	vst v35;
	v35 =	vadd.f32 v40, v17;
	v40 =	vld [tilespmem:s7+$0xB830]  }
0x2a0: {  	[tilespmem:s7+$0xB450] =	vst v36;
	v36 =	vadd.f32 v41, v19;
	v41 =	vld [tilespmem:s7+$0xB840]  }
0x2a1: {  	[tilespmem:s7+$0xB460] =	vst v35;
	v35 =	vadd.f32 v38, v20;
	v42 =	vld [tilespmem:s7+$0xB850]  }
0x2a2: {  	[tilespmem:s7+$0xB470] =	vst v36;
	v36 =	vadd.f32 v37, v23;
	v43 =	vld [tilespmem:s7+$0xB860]  }
0x2a3: {  	[tilespmem:s7+$0xB800] =	vst v35;
	v35 =	vadd.f32 v39, v25;
	v39 =	vld [tilespmem:s7+$0xB870]  }
0x2a4: {  	[tilespmem:s7+$0xB810] =	vst v36;
	v36 =	vadd.f32 v40, v27;
	v40 =	vld [tilespmem:s7+$0xBC00]  }
.Ltmp4:
0x2a5: {  	[tilespmem:s7+$0xB820] =	vst v35;
	v35 =	vadd.f32 v41, v28;
	v38 =	vld [tilespmem:s7+$0xBC10];
	(pc) =	sbr.rel @p0 .LBB2_11-.Ltmp4, $4  }
0x2a6: {  	[tilespmem:s7+$0xB830] =	vst v36;
	v36 =	vadd.f32 v42, v30;
	v37 =	vld [tilespmem:s7+$0xBC20]  }
0x2a7: {  	[tilespmem:s7+$0xB840] =	vst v35;
	v42 =	vadd.f32 v43, v31;
	v35 =	vld [tilespmem:s7+$0xBC30]  }
0x2a8: {  	[tilespmem:s7+$0xB850] =	vst v36;
	v41 =	vadd.f32 v39, v33;
	v36 =	vld [tilespmem:s7+$0xBC40]  }
0x2a9: {  	s10 =	sadd.s32 $0x80, s10;
	s6 =	sadd.s32 $0x200, s6;
	[tilespmem:s7+$0xB860] =	vst v42;
	v40 =	vadd.f32 v40, v34;
	v39 =	vld [tilespmem:s7+$0xBC50]  }
0x2aa: {  	[tilespmem:s7+$0xB870] =	vst v41;
	v3 =	vadd.f32 v38, v32;
	v4 =	vld [tilespmem:s7+$0xBC60]  }
0x2ab: {  	v6 =	vld [tilespmem:s7+$0xBC70];
	[tilespmem:s7+$0xBC00] =	vst v40;
	v5 =	vadd.f32 v37, v29  }
0x2ac: {  	[tilespmem:s7+$0xBC10] =	vst v3;
	v3 =	vadd.f32 v35, v26  }
0x2ad: {  	[tilespmem:s7+$0xBC20] =	vst v5;
	v63 =	vadd.f32 v36, v24  }
0x2ae: {  	[tilespmem:s7+$0xBC30] =	vst v3;
	v3 =	vadd.f32 v39, v21  }
0x2af: {  	s6 =	sshll.u32 s26, $0x14;
	s10 =	sadd.s32 s5, s29;
	s11 =	sand.u32 $0x70, s26;
	[tilespmem:s7+$0xBC40] =	vst v63;
	v4 =	vadd.f32 v4, v22  }
0x2b0: {  	s6 =	sand.u32 $0xF00000, s6;
	s10 =	sshll.u32 s10, $0x6;
	s11 =	sadd.s32 s3, s11;
	[tilespmem:s7+$0xBC50] =	vst v3;
	v3 =	vadd.f32 v6, v18  }
0x2b1: {  	s6 =	sadd.s32 s6, s11;
	s10 =	sand.u32 $0xFFFFE00, s10;
	[tilespmem:s7+$0xBC60] =	vst v4  }
0x2b2: {  	s12 =	simm.s32 $0xB000;
	s6 =	sadd.s32 s10, s6;
	[tilespmem:s7+$0xBC70] =	vst v3  }
0x2b3: {  	[hbm4b:s6+s0] =	stream.strided.scatter [tilespmem:s12], [sflag:$0x5], $0x400, s1, s0, $0x38;
	[tilespmem:$0x1B000] =	vst v63  }
0x2b4: {  	s25 =	simm.s32 $0xB400;
	s24 =	sadd.s32 $0x80, s6  }
0x2b5: {  	[hbm4b:s24+s0] =	stream.strided.scatter [tilespmem:s25], [sflag:$0x5], $0x400, s1, s0, $0x38;
	[tilespmem:$0x1B000] =	vst v63  }
0x2b6: {  	s29 =	simm.s32 $0xB800;
	s26 =	sadd.s32 $0x100, s6  }
0x2b7: {  	[hbm4b:s26+s0] =	stream.strided.scatter [tilespmem:s29], [sflag:$0x5], $0x400, s1, s0, $0x38;
	[tilespmem:$0x1B000] =	vst v63  }
0x2b8: {  	s11 =	simm.s32 $0xBC00;
	s10 =	sadd.s32 $0x180, s6  }
0x2b9: {  	[hbm4b:s10+s0] =	stream.strided.scatter [tilespmem:s11], [sflag:$0x5], $0x400, s1, s0, $0x38;
	[tilespmem:$0x1B000] =	vst v63  }
0x2ba: {  	s7 =	sadd.s32 $0x20000, s6;
	s12 =	simm.s32 $0xC000  }
0x2bb: {  	[hbm4b:s7+s0] =	stream.strided.scatter [tilespmem:s12], [sflag:$0x5], $0x400, s1, s0, $0x38;
	[tilespmem:$0x1B000] =	vst v63  }
0x2bc: {  	s24 =	sadd.s32 $0x80, s7;
	s25 =	simm.s32 $0xC400  }
0x2bd: {  	[hbm4b:s24+s0] =	stream.strided.scatter [tilespmem:s25], [sflag:$0x5], $0x400, s1, s0, $0x38;
	[tilespmem:$0x1B000] =	vst v63  }
0x2be: {  	s26 =	sadd.s32 $0x100, s7;
	s29 =	simm.s32 $0xC800  }
0x2bf: {  	[hbm4b:s26+s0] =	stream.strided.scatter [tilespmem:s29], [sflag:$0x5], $0x400, s1, s0, $0x38;
	[tilespmem:$0x1B000] =	vst v63  }
0x2c0: {  	s7 =	sadd.s32 $0x180, s7;
	s12 =	simm.s32 $0xCC00  }
0x2c1: {  	[hbm4b:s7+s0] =	stream.strided.scatter [tilespmem:s12], [sflag:$0x5], $0x400, s1, s0, $0x38;
	[tilespmem:$0x1B000] =	vst v63  }
0x2c2: {  	s24 =	sadd.s32 $0x40000, s6;
	s25 =	simm.s32 $0xD000  }
0x2c3: {  	[hbm4b:s24+s0] =	stream.strided.scatter [tilespmem:s25], [sflag:$0x5], $0x400, s1, s0, $0x38;
	[tilespmem:$0x1B000] =	vst v63  }
0x2c4: {  	s26 =	sadd.s32 $0x80, s24;
	s29 =	simm.s32 $0xD400  }
0x2c5: {  	[hbm4b:s26+s0] =	stream.strided.scatter [tilespmem:s29], [sflag:$0x5], $0x400, s1, s0, $0x38;
	[tilespmem:$0x1B000] =	vst v63  }
0x2c6: {  	s11 =	sadd.s32 $0x100, s24;
	s12 =	simm.s32 $0xD800  }
0x2c7: {  	[hbm4b:s11+s0] =	stream.strided.scatter [tilespmem:s12], [sflag:$0x5], $0x400, s1, s0, $0x38;
	[tilespmem:$0x1B000] =	vst v63  }
0x2c8: {  	s7 =	sadd.s32 $0x180, s24;
	s24 =	simm.s32 $0xDC00  }
0x2c9: {  	[hbm4b:s7+s0] =	stream.strided.scatter [tilespmem:s24], [sflag:$0x5], $0x400, s1, s0, $0x38;
	[tilespmem:$0x1B000] =	vst v63  }
0x2ca: {  	s25 =	sadd.s32 $0x60000, s6  }
0x2cb: {  	[hbm4b:s25+s0] =	stream.strided.scatter [tilespmem:s9], [sflag:$0x5], $0x400, s1, s0, $0x38;
	[tilespmem:$0x1B000] =	vst v63  }
0x2cc: {  	s26 =	sadd.s32 $0x80, s25;
	s29 =	simm.s32 $0xE400  }
0x2cd: {  	[hbm4b:s26+s0] =	stream.strided.scatter [tilespmem:s29], [sflag:$0x5], $0x400, s1, s0, $0x38;
	[tilespmem:$0x1B000] =	vst v63  }
0x2ce: {  	s12 =	sadd.s32 $0x100, s25  }
0x2cf: {  	[hbm4b:s12+s0] =	stream.strided.scatter [tilespmem:s13], [sflag:$0x5], $0x400, s1, s0, $0x38;
	[tilespmem:$0x1B000] =	vst v63  }
0x2d0: {  	s7 =	sadd.s32 $0x180, s25;
	s24 =	simm.s32 $0xEC00  }
0x2d1: {  	[hbm4b:s7+s0] =	stream.strided.scatter [tilespmem:s24], [sflag:$0x5], $0x400, s1, s0, $0x38;
	[tilespmem:$0x1B000] =	vst v63  }
0x2d2: {  	s25 =	sadd.s32 $0x80000, s6  }
0x2d3: {  	[hbm4b:s25+s0] =	stream.strided.scatter [tilespmem:s14], [sflag:$0x5], $0x400, s1, s0, $0x38;
	[tilespmem:$0x1B000] =	vst v63  }
0x2d4: {  	s26 =	sadd.s32 $0x80, s25;
	s29 =	simm.s32 $0xF400  }
0x2d5: {  	[hbm4b:s26+s0] =	stream.strided.scatter [tilespmem:s29], [sflag:$0x5], $0x400, s1, s0, $0x38;
	[tilespmem:$0x1B000] =	vst v63  }
0x2d6: {  	s12 =	sadd.s32 $0x100, s25  }
0x2d7: {  	[hbm4b:s12+s0] =	stream.strided.scatter [tilespmem:s15], [sflag:$0x5], $0x400, s1, s0, $0x38;
	[tilespmem:$0x1B000] =	vst v63  }
0x2d8: {  	s7 =	sadd.s32 $0x180, s25;
	s24 =	simm.s32 $0xFC00  }
0x2d9: {  	[hbm4b:s7+s0] =	stream.strided.scatter [tilespmem:s24], [sflag:$0x5], $0x400, s1, s0, $0x38;
	[tilespmem:$0x1B000] =	vst v63  }
0x2da: {  	s25 =	sadd.s32 $0xA0000, s6  }
0x2db: {  	[hbm4b:s25+s0] =	stream.strided.scatter [tilespmem:s16], [sflag:$0x5], $0x400, s1, s0, $0x38;
	[tilespmem:$0x1B000] =	vst v63  }
0x2dc: {  	s26 =	sadd.s32 $0x80, s25;
	s29 =	simm.s32 $0x10400  }
0x2dd: {  	[hbm4b:s26+s0] =	stream.strided.scatter [tilespmem:s29], [sflag:$0x5], $0x400, s1, s0, $0x38;
	[tilespmem:$0x1B000] =	vst v63  }
0x2de: {  	s12 =	sadd.s32 $0x100, s25  }
0x2df: {  	[hbm4b:s12+s0] =	stream.strided.scatter [tilespmem:s17], [sflag:$0x5], $0x400, s1, s0, $0x38;
	[tilespmem:$0x1B000] =	vst v63  }
0x2e0: {  	s7 =	sadd.s32 $0x180, s25;
	s24 =	simm.s32 $0x10C00  }
0x2e1: {  	[hbm4b:s7+s0] =	stream.strided.scatter [tilespmem:s24], [sflag:$0x5], $0x400, s1, s0, $0x38;
	[tilespmem:$0x1B000] =	vst v63  }
0x2e2: {  	s25 =	sadd.s32 $0xC0000, s6  }
0x2e3: {  	[hbm4b:s25+s0] =	stream.strided.scatter [tilespmem:s18], [sflag:$0x5], $0x400, s1, s0, $0x38;
	[tilespmem:$0x1B000] =	vst v63  }
0x2e4: {  	s26 =	sadd.s32 $0x80, s25;
	s29 =	simm.s32 $0x11400  }
0x2e5: {  	[hbm4b:s26+s0] =	stream.strided.scatter [tilespmem:s29], [sflag:$0x5], $0x400, s1, s0, $0x38;
	[tilespmem:$0x1B000] =	vst v63  }
0x2e6: {  	s11 =	sadd.s32 $0x100, s25  }
0x2e7: {  	[hbm4b:s11+s0] =	stream.strided.scatter [tilespmem:s19], [sflag:$0x5], $0x400, s1, s0, $0x38;
	[tilespmem:$0x1B000] =	vst v63  }
0x2e8: {  	s12 =	simm.s32 $0x11C00;
	s7 =	sadd.s32 $0x180, s25  }
0x2e9: {  	[hbm4b:s7+s0] =	stream.strided.scatter [tilespmem:s12], [sflag:$0x5], $0x400, s1, s0, $0x38;
	[tilespmem:$0x1B000] =	vst v63  }
0x2ea: {  	s23 =	sadd.s32 $0x1, s23;
	s6 =	sadd.s32 $0xE0000, s6  }
0x2eb: {  	[hbm4b:s6+s0] =	stream.strided.scatter [tilespmem:s20], [sflag:$0x5], $0x400, s1, s0, $0x38;
	[tilespmem:$0x1B000] =	vst v63  }
0x2ec: {  	p0 =	sne.s32 s23, $0x2B;
	s24 =	sadd.s32 $0x80, s6;
	s25 =	simm.s32 $0x12400  }
0x2ed: {  	[hbm4b:s24+s0] =	stream.strided.scatter [tilespmem:s25], [sflag:$0x5], $0x400, s1, s0, $0x38;
	[tilespmem:$0x1B000] =	vst v63  }
.Ltmp5:
0x2ee: {  	_ = 	snop;
	(pc) =	sbr.rel @p0 .LBB2_2-.Ltmp5, $4  }
0x2ef: {  	s26 =	sadd.s32 $0x100, s6  }
0x2f0: {  	[hbm4b:s26+s0] =	stream.strided.scatter [tilespmem:s21], [sflag:$0x5], $0x400, s1, s0, $0x38;
	[tilespmem:$0x1B000] =	vst v63  }
0x2f1: {  	s29 =	simm.s32 $0x12C00;
	s6 =	sadd.s32 $0x180, s6  }
0x2f2: {  	[hbm4b:s6+s0] =	stream.strided.scatter [tilespmem:s29], [sflag:$0x5], $0x400, s1, s0, $0x38;
	[tilespmem:$0x1B000] =	vst v63  }
0x2f3: {  	s6 =	simm.s32 $0x6  }
0x2f4: {  	_ =	swait.ge [sflag:s6], $0x8000  }
0x2f5: {  	[sflag:s6] =	ssyncset.done $0x0  }
0x2f6: {  	s26 =	simm.s32 $0x4;
	[sflag:s6] =	ssyncadd.s32 $0xFFFF8000  }
0x2f7: {  	_ =	swait.ge [sflag:s26], $0x8000  }
0x2f8: {  	[sflag:s26] =	ssyncset.done $0x0  }
0x2f9: {  	s7 =	simm.s32 $0x5;
	[sflag:s26] =	ssyncadd.s32 $0xFFFF8000  }
0x2fa: {  	_ =	swait.ge [sflag:s7], $0x8000  }
0x2fb: {  	s10 =	rddreg [dreg:$0x8]  }
0x2fc: {  	s29 =	rddreg [dreg:$0x7];
	s10 =	sadd.s32 $0x1, s10  }
0x2fd: {  	p0 =	sne.s32 s10, s29  }
.Ltmp6:
0x2fe: {  	_ = 	snop;
	(pc) =	sbr.rel @p0 .LBB2_1-.Ltmp6, $3  }
0x2ff: {  	_ =	sdelay $0x1  }
0x300: {  	[sflag:s7] =	ssyncset.done $0x0  }
0x301: {  	[sflag:s7] =	ssyncadd.s32 $0xFFFF8000  }
0x302: {  	_ =	sfence.sel $0x180000  }
0x303: {  	[bflag:$0x0] =	sbarrier.arrive $0xFFFF  }
0x304: {  	_ =	strace $0x90000047  }
0x305: {  	s0 =	stileid.u32;
	[bflag:$0x2] =	sbarrier.arrive $0xFFFF  }
0x306: {  	p0 =	sne.s32 s0, $0x0;
	s0 =	rddreg [dreg:$0x3]  }
0x307: {  	s0 =	sadd.s32 @!p0 $0x100000, s0  }
0x308: {  	[sflag:s0] =	ssyncadd.tile.s32 @!p0 $0x1;
	_ =	shalt  }
.Lfunc_end2:
_tile_overlayer_lowered:
.L_overlay_start_2:
0x309: {  	(tag) =	ssettag $0x2  }
0x30a: {  	s0 =	rddreg [dreg:$0x0];
	s2 =	stileid.u32  }
0x30b: {  	s1 =	rddreg [dreg:$0x1];
	p0 =	sne.s32 s2, $0x0  }
0x30c: {  	s3 =	rddreg [dreg:$0x2];
	[bflag:$0x3] =	sbarrier.arrive $0xFFFF;
	s2 =	simm.s32 @!p0 $0x1C07  }
0x30d: {  	[timem:s3], [sflag:s2] =	dma.local @!p0 [hbm:s0], s1  }
0x30e: {  	s0 =	simm.s32 @!p0 $0x7  }
0x30f: {  	_ =	swait.ge @!p0 [sflag:s0], s1  }
0x310: {  	s1 =	ssub.s32 @!p0 $0x0, s1;
	[sflag:s0] =	ssyncset.done @!p0 $0x0  }
0x311: {  	[sflag:s0] =	ssyncadd.s32 @!p0 s1  }
0x312: {  	[bflag:$0x3] =	sbarrier.arrive $0xFFFF  }
0x313: {  	_ =	shalt  }

</sc_bundles>
